<compile_context>
chip_gen: v7x
topology: tpu7x:2x2x1
jax: 0.10.2.dev20260603
libtpu: 0.0.44.dev20260713+nightly
codegen_flags: <defaults>
</compile_context>

<pallas_src>
import functools

import jax
import jax.numpy as jnp
from jax import lax
from jax.experimental import pallas as pl
from jax.experimental.pallas import tpu as pltpu
from jax.experimental.pallas import tpu_sc as plsc

B, N, IN_DIM, DIM, K_NEI = 4, 2048, 64, 64, 16
_TW = 2 * DIM + 16
POS_HID = 64
ATTN_HID = DIM * 4
EPS = 1e-5
M = B * N * K_NEI
_F32 = jnp.float32
_PREC = lax.Precision.DEFAULT


_TQA = 256
_NTA = N // _TQA


def _knn_body(ori_ref, pos_ref, post_ref, winT_ref, wqkvT_ref,
              q_ref, kvp_ref, gidx_ref):
    b = pl.program_id(0)
    x = jnp.dot(ori_ref[0], winT_ref[...], preferred_element_type=_F32, precision=_PREC)
    qkv = jnp.dot(x, wqkvT_ref[...], preferred_element_type=_F32, precision=_PREC)
    q_ref[0] = qkv[:, 0:DIM]
    kvp_ref[0] = jnp.concatenate(
        [qkv[:, DIM:3 * DIM], jnp.pad(pos_ref[0], ((0, 0), (0, 13)))], axis=1)
    pq = pos_ref[0]
    pall = post_ref[0]
    d0 = pq[:, 0:1] - pall[0:1, :]
    d1 = pq[:, 1:2] - pall[1:2, :]
    d2 = pq[:, 2:3] - pall[2:3, :]
    dist = (d0 * d0 + d1 * d1) + d2 * d2
    iota = lax.broadcasted_iota(jnp.int32, (_TQA, N), 1)
    cols = []
    for _ in range(K_NEI):
        mval = jnp.min(dist, axis=1, keepdims=True)
        cand = jnp.where(dist <= mval, iota, N)
        idx = jnp.min(cand, axis=1, keepdims=True)
        cols.append(idx)
        dist = jnp.where(iota == idx, jnp.float32(1e30), dist)
    gidx_ref[0] = jnp.concatenate(cols, axis=1) + b * N


def _run_knn(ori_x, pos, post, winT, wqkvT):
    return pl.pallas_call(
        _knn_body,
        grid=(B, _NTA),
        in_specs=[
            pl.BlockSpec((1, _TQA, IN_DIM), lambda b, t: (b, t, 0)),
            pl.BlockSpec((1, _TQA, 3), lambda b, t: (b, t, 0)),
            pl.BlockSpec((1, 3, N), lambda b, t: (b, 0, 0)),
            pl.BlockSpec((IN_DIM, DIM), lambda b, t: (0, 0)),
            pl.BlockSpec((DIM, 3 * DIM), lambda b, t: (0, 0)),
        ],
        out_specs=[
            pl.BlockSpec((1, _TQA, DIM), lambda b, t: (b, t, 0)),
            pl.BlockSpec((1, _TQA, _TW), lambda b, t: (b, t, 0)),
            pl.BlockSpec((1, _TQA, K_NEI), lambda b, t: (b, t, 0)),
        ],
        out_shape=[
            jax.ShapeDtypeStruct((B, N, DIM), _F32),
            jax.ShapeDtypeStruct((B, N, _TW), _F32),
            jax.ShapeDtypeStruct((B, N, K_NEI), jnp.int32),
        ],
        compiler_params=pltpu.CompilerParams(
            dimension_semantics=("parallel", "parallel")),
    )(ori_x, pos, post, winT, wqkvT)



_SC_NC, _SC_NS = 2, 16
_NW = _SC_NC * _SC_NS
_CH = 128
_RPW = M // _NW
_NCH = _RPW // _CH


def _sc_gather(tab, idx):
    mesh = plsc.VectorSubcoreMesh(core_axis_name="c", subcore_axis_name="s")

    _DEPTH = 4

    @functools.partial(
        pl.kernel, mesh=mesh,
        out_type=jax.ShapeDtypeStruct((M, _TW), _F32),
        scratch_types=[pltpu.VMEM((_RPW,), jnp.int32)]
                      + [pltpu.VMEM((_CH, _TW), _F32)] * _DEPTH
                      + [pltpu.SemaphoreType.DMA] * _DEPTH,
        compiler_params=pltpu.CompilerParams(use_tc_tiling_on_sc=False),
    )
    def gk(tab_h, idx_h, gt_h, idxv, b0, b1, b2, b3, s0, s1, s2, s3):
        wid = lax.axis_index("s") * _SC_NC + lax.axis_index("c")
        base = wid * _RPW
        pltpu.sync_copy(idx_h.at[pl.ds(base, _RPW)], idxv)
        bufs, sems = (b0, b1, b2, b3), (s0, s1, s2, s3)
        gops = [None] * _DEPTH
        for c in range(_NCH + _DEPTH - 1):
            if c < _NCH:
                p = c % _DEPTH
                gops[p] = pltpu.async_copy(
                    tab_h.at[idxv.at[pl.ds(c * _CH, _CH)]], bufs[p], sems[p])
            if c >= _DEPTH - 1:
                cc = c - _DEPTH + 1
                q = cc % _DEPTH
                gops[q].wait()
                pltpu.sync_copy(bufs[q], gt_h.at[pl.ds(base + cc * _CH, _CH)])

    return gk(tab, idx)




def _rep_rows(x, tq):
    c = x.shape[-1]
    return jnp.broadcast_to(x[:, None, :], (tq, K_NEI, c)).reshape(tq * K_NEI, c)


def _group_sum(x, tq):
    return jnp.sum(x.reshape(tq, K_NEI, x.shape[-1]), axis=1)



_TQ1 = 256
_TR1 = _TQ1 * K_NEI
_NT1 = (B * N) // _TQ1


def _rstat_body(gt_ref, pos_ref, sr_ref, srr_ref):
    t = pl.program_id(0)
    prep = _rep_rows(pos_ref[...], _TQ1)
    r = prep - gt_ref[...][:, 2 * DIM:2 * DIM + 3]
    sr = jnp.sum(r, axis=0, keepdims=True)
    srr = lax.dot_general(r, r, (((0,), (0,)), ((), ())),
                          preferred_element_type=_F32, precision=_PREC)

    @pl.when(t == 0)
    def _():
        sr_ref[...] = jnp.zeros_like(sr_ref)
        srr_ref[...] = jnp.zeros_like(srr_ref)

    sr_ref[...] += sr
    srr_ref[...] += srr


def _run_rstat(gt, pos2d):
    return pl.pallas_call(
        _rstat_body,
        grid=(_NT1,),
        in_specs=[
            pl.BlockSpec((_TR1, _TW), lambda t: (t, 0)),
            pl.BlockSpec((_TQ1, 3), lambda t: (t, 0)),
        ],
        out_specs=[
            pl.BlockSpec((1, 3), lambda t: (0, 0)),
            pl.BlockSpec((3, 3), lambda t: (0, 0)),
        ],
        out_shape=[
            jax.ShapeDtypeStruct((1, 3), _F32),
            jax.ShapeDtypeStruct((3, 3), _F32),
        ],
        compiler_params=pltpu.CompilerParams(
            dimension_semantics=("arbitrary",)),
    )(gt, pos2d)



_TQ2 = 128
_TR2 = _TQ2 * K_NEI
_NT2 = (B * N) // _TQ2


def _ustat_body(gt_ref, q_ref, pos_ref, w1T_ref, w2T_ref, b2_ref,
                a1_ref, c1_ref, su_ref, suu_ref):
    t = pl.program_id(0)
    gt = gt_ref[...]
    prep = _rep_rows(pos_ref[...], _TQ2)
    r = prep - gt[:, 2 * DIM:2 * DIM + 3]
    h = jnp.dot(r, w1T_ref[...], preferred_element_type=_F32, precision=_PREC)
    h = jnp.maximum(h * a1_ref[...] + c1_ref[...], 0.0)
    rpe = jnp.dot(h, w2T_ref[...], preferred_element_type=_F32, precision=_PREC) + b2_ref[...]
    qrep = _rep_rows(q_ref[...], _TQ2)
    u = qrep - gt[:, 0:DIM] + rpe
    su = jnp.sum(u, axis=0, keepdims=True)
    suu = lax.dot_general(u, u, (((0,), (0,)), ((), ())),
                          preferred_element_type=_F32, precision=_PREC)

    @pl.when(t == 0)
    def _():
        su_ref[...] = jnp.zeros_like(su_ref)
        suu_ref[...] = jnp.zeros_like(suu_ref)

    su_ref[...] += su
    suu_ref[...] += suu


def _run_ustat(gt, q2d, pos2d, w1T, w2T, b2, a1, c1):
    return pl.pallas_call(
        _ustat_body,
        grid=(_NT2,),
        in_specs=[
            pl.BlockSpec((_TR2, _TW), lambda t: (t, 0)),
            pl.BlockSpec((_TQ2, DIM), lambda t: (t, 0)),
            pl.BlockSpec((_TQ2, 3), lambda t: (t, 0)),
            pl.BlockSpec((3, POS_HID), lambda t: (0, 0)),
            pl.BlockSpec((POS_HID, DIM), lambda t: (0, 0)),
            pl.BlockSpec((1, DIM), lambda t: (0, 0)),
            pl.BlockSpec((1, POS_HID), lambda t: (0, 0)),
            pl.BlockSpec((1, POS_HID), lambda t: (0, 0)),
        ],
        out_specs=[
            pl.BlockSpec((1, DIM), lambda t: (0, 0)),
            pl.BlockSpec((DIM, DIM), lambda t: (0, 0)),
        ],
        out_shape=[
            jax.ShapeDtypeStruct((1, DIM), _F32),
            jax.ShapeDtypeStruct((DIM, DIM), _F32),
        ],
        compiler_params=pltpu.CompilerParams(
            dimension_semantics=("arbitrary",)),
    )(gt, q2d, pos2d, w1T, w2T, b2, a1, c1)




def _fin_body(s_ref, ss_ref, w1T_ref, b1_ref, g_ref, beta_ref, scale_ref, shift_ref):
    m = s_ref[...] * (1.0 / M)
    cov = ss_ref[...] * (1.0 / M) - lax.dot_general(
        m, m, (((0,), (0,)), ((), ())), preferred_element_type=_F32, precision=_PREC)
    tmp = jnp.dot(cov, w1T_ref[...], preferred_element_type=_F32, precision=_PREC)
    var = jnp.sum(tmp * w1T_ref[...], axis=0, keepdims=True)
    mean = jnp.dot(m, w1T_ref[...], preferred_element_type=_F32,
                   precision=_PREC) + b1_ref[...]
    scale = g_ref[...] * lax.rsqrt(var + EPS)
    scale_ref[...] = scale
    shift_ref[...] = beta_ref[...] + (b1_ref[...] - mean) * scale


def _run_fin(s, ss, w1T, b1, g, beta):
    din, dout = w1T.shape
    full = lambda shape: pl.BlockSpec(shape, lambda: tuple(0 for _ in shape))
    return pl.pallas_call(
        _fin_body,
        in_specs=[full((1, din)), full((din, din)), full((din, dout)),
                  full((1, dout)), full((1, dout)), full((1, dout))],
        out_specs=[full((1, dout)), full((1, dout))],
        out_shape=[jax.ShapeDtypeStruct((1, dout), _F32),
                   jax.ShapeDtypeStruct((1, dout), _F32)],
    )(s, ss, w1T, b1, g, beta)



_TQ3 = 128
_TR3 = _TQ3 * K_NEI
_NT3 = (B * N) // _TQ3
_INV_SQRT_DIM = 0.125


def _fwd_body(gt_ref, q_ref, pos_ref, ori_ref,
              w1T_ref, w2T_ref, b2_ref, a1_ref, c1_ref,
              aw1T_ref, aw2T_ref, ab2_ref, a2_ref, c2_ref, woT_ref, out_ref):
    gt = gt_ref[...]
    prep = _rep_rows(pos_ref[...], _TQ3)
    r = prep - gt[:, 2 * DIM:2 * DIM + 3]
    h = jnp.dot(r, w1T_ref[...], preferred_element_type=_F32, precision=_PREC)
    h = jnp.maximum(h * a1_ref[...] + c1_ref[...], 0.0)
    rpe = jnp.dot(h, w2T_ref[...], preferred_element_type=_F32, precision=_PREC) + b2_ref[...]
    qrep = _rep_rows(q_ref[...], _TQ3)
    u = qrep - gt[:, 0:DIM] + rpe
    a = jnp.dot(u, aw1T_ref[...], preferred_element_type=_F32, precision=_PREC)
    a = jnp.maximum(a * a2_ref[...] + c2_ref[...], 0.0)
    attn = (jnp.dot(a, aw2T_ref[...], preferred_element_type=_F32, precision=_PREC)
            + ab2_ref[...]) * _INV_SQRT_DIM
    e = jnp.exp(attn)
    denom = _group_sum(e, _TQ3)
    w = gt[:, DIM:2 * DIM] + rpe
    num = _group_sum(e * w, _TQ3)
    res = num / denom
    out_ref[...] = jnp.dot(res, woT_ref[...], preferred_element_type=_F32,
                           precision=_PREC) + ori_ref[...]


def _run_fwd(gt, q2d, pos2d, ori2d, w1T, w2T, b2, a1, c1,
             aw1T, aw2T, ab2, a2, c2, woT):
    return pl.pallas_call(
        _fwd_body,
        grid=(_NT3,),
        in_specs=[
            pl.BlockSpec((_TR3, _TW), lambda t: (t, 0)),
            pl.BlockSpec((_TQ3, DIM), lambda t: (t, 0)),
            pl.BlockSpec((_TQ3, 3), lambda t: (t, 0)),
            pl.BlockSpec((_TQ3, IN_DIM), lambda t: (t, 0)),
            pl.BlockSpec((3, POS_HID), lambda t: (0, 0)),
            pl.BlockSpec((POS_HID, DIM), lambda t: (0, 0)),
            pl.BlockSpec((1, DIM), lambda t: (0, 0)),
            pl.BlockSpec((1, POS_HID), lambda t: (0, 0)),
            pl.BlockSpec((1, POS_HID), lambda t: (0, 0)),
            pl.BlockSpec((DIM, ATTN_HID), lambda t: (0, 0)),
            pl.BlockSpec((ATTN_HID, DIM), lambda t: (0, 0)),
            pl.BlockSpec((1, DIM), lambda t: (0, 0)),
            pl.BlockSpec((1, ATTN_HID), lambda t: (0, 0)),
            pl.BlockSpec((1, ATTN_HID), lambda t: (0, 0)),
            pl.BlockSpec((DIM, IN_DIM), lambda t: (0, 0)),
        ],
        out_specs=pl.BlockSpec((_TQ3, IN_DIM), lambda t: (t, 0)),
        out_shape=jax.ShapeDtypeStruct((B * N, IN_DIM), _F32),
        compiler_params=pltpu.CompilerParams(
            dimension_semantics=("parallel",)),
    )(gt, q2d, pos2d, ori2d, w1T, w2T, b2, a1, c1,
      aw1T, aw2T, ab2, a2, c2, woT)




def kernel(ori_x, pos, W_in, W_qkv, W_out, pm_w1, pm_b1, pm_g, pm_beta, pm_w2, pm_b2,
           am_w1, am_b1, am_g, am_beta, am_w2, am_b2):
    post = jnp.swapaxes(pos, 1, 2)
    q, kvp, gidx = _run_knn(ori_x, pos, post, W_in.T, W_qkv.T)

    pos2d = pos.reshape(B * N, 3)
    gt = _sc_gather(kvp.reshape(B * N, _TW), gidx.reshape(M))

    sr, srr = _run_rstat(gt, pos2d)
    scale1, shift1 = _run_fin(sr, srr, pm_w1.T, pm_b1[None, :], pm_g[None, :],
                              pm_beta[None, :])

    q2d = q.reshape(B * N, DIM)
    su, suu = _run_ustat(gt, q2d, pos2d, pm_w1.T, pm_w2.T, pm_b2[None, :],
                         scale1, shift1)
    scale2, shift2 = _run_fin(su, suu, am_w1.T, am_b1[None, :], am_g[None, :],
                              am_beta[None, :])

    out2d = _run_fwd(gt, q2d, pos2d, ori_x.reshape(B * N, IN_DIM),
                     pm_w1.T, pm_w2.T, pm_b2[None, :], scale1, shift1,
                     am_w1.T, am_w2.T, am_b2[None, :], scale2, shift2, W_out.T)
    return out2d.reshape(B, N, IN_DIM)

# --- scband reference (transcript-rebuilt; emitter-appended) ---
"""Pipeline reference for scband-point-transformer-layer-50053548868002 (READ-ONLY COPY).

The authoritative reference and input builder live on the scoring server;
editing this copy changes nothing except your own understanding.
"""

import jax, jax.numpy as jnp
import numpy as np

B, N, IN_DIM, DIM, K_NEI = 4, 2048, 64, 64, 16
POS_HID = 64
ATTN_HID = DIM * 4
EPS = 1e-5


def index_points(points, idx):
    # points: [B, N, C], idx: [B, M, K] -> [B, M, K, C]
    return jax.vmap(lambda p, i: p[i])(points, idx)


def bn_train(h, gamma, beta):
    # BatchNorm2d in training mode: stats over all dims except channel (last dim here,
    # matching the transpose(1,3) trick in the torch module). Dropout is identity (eval).
    mean = h.mean(axis=(0, 1, 2), keepdims=True)
    var = h.var(axis=(0, 1, 2), keepdims=True)
    return (h - mean) / jnp.sqrt(var + EPS) * gamma + beta


def setup_inputs(seed: int = 0) -> dict:
    key = jax.random.key(seed)
    ks = jax.random.split(key, 20)
    s = 0.05
    return {
        "ori_x": jax.random.normal(ks[0], (B, N, IN_DIM), dtype=jnp.float32),
        "pos": jax.random.uniform(ks[1], (B, N, 3), dtype=jnp.float32),
        "W_in": jax.random.normal(ks[2], (DIM, IN_DIM), dtype=jnp.float32) * s,
        "W_qkv": jax.random.normal(ks[3], (DIM * 3, DIM), dtype=jnp.float32) * s,
        "W_out": jax.random.normal(ks[4], (IN_DIM, DIM), dtype=jnp.float32) * s,
        "pm_w1": jax.random.normal(ks[5], (POS_HID, 3), dtype=jnp.float32) * s,
        "pm_b1": jnp.zeros((POS_HID,), dtype=jnp.float32),
        "pm_g": jnp.ones((POS_HID,), dtype=jnp.float32),
        "pm_beta": jnp.zeros((POS_HID,), dtype=jnp.float32),
        "pm_w2": jax.random.normal(ks[6], (DIM, POS_HID), dtype=jnp.float32) * s,
        "pm_b2": jnp.zeros((DIM,), dtype=jnp.float32),
        "am_w1": jax.random.normal(ks[7], (ATTN_HID, DIM), dtype=jnp.float32) * s,
        "am_b1": jnp.zeros((ATTN_HID,), dtype=jnp.float32),
        "am_g": jnp.ones((ATTN_HID,), dtype=jnp.float32),
        "am_beta": jnp.zeros((ATTN_HID,), dtype=jnp.float32),
        "am_w2": jax.random.normal(ks[8], (DIM, ATTN_HID), dtype=jnp.float32) * s,
        "am_b2": jnp.zeros((DIM,), dtype=jnp.float32),
    }


def reference(ori_x, pos, W_in, W_qkv, W_out, pm_w1, pm_b1, pm_g, pm_beta, pm_w2, pm_b2,
              am_w1, am_b1, am_g, am_beta, am_w2, am_b2):
    x = ori_x @ W_in.T
    qkv = x @ W_qkv.T
    q, k, v = jnp.split(qkv, 3, axis=-1)
    rel_pos = pos[:, :, None, :3] - pos[:, None, :, :3]          # [B, N, N, 3]
    rel_dist = jnp.linalg.norm(rel_pos, axis=-1)                 # [B, N, N]
    _, topk_idx = jax.lax.top_k(-rel_dist, K_NEI)                # smallest distances
    qk_rel = q[:, :, None, :] - index_points(k, topk_idx)        # [B, N, K, DIM]
    top_k_pos = index_points(pos, topk_idx)                      # [B, N, K, 3]
    rel_pos_topk = pos[:, :, None, :3] - top_k_pos[:, :, :, :3]  # use_abs_pos=False
    h = rel_pos_topk @ pm_w1.T + pm_b1
    h = jax.nn.relu(bn_train(h, pm_g, pm_beta))
    rel_pos_emb = h @ pm_w2.T + pm_b2                            # [B, N, K, DIM]
    v_g = index_points(v, topk_idx)
    a = (qk_rel + rel_pos_emb) @ am_w1.T + am_b1
    a = jax.nn.relu(bn_train(a, am_g, am_beta))
    attn = a @ am_w2.T + am_b2                                   # [B, N, K, DIM]
    attn = jax.nn.softmax(attn / np.sqrt(DIM), axis=-2)
    res = jnp.einsum('bmkf,bmkf->bmf', attn, v_g + rel_pos_emb)
    return res @ W_out.T + ori_x

if __name__ == "__main__":
    import jax
    _d = setup_inputs()
    print(jax.jit(kernel)(*tuple(_d.values())))

</pallas_src>

<mosaic_0001>
#map = affine_map<(d0, d1) -> (0, 0)>
#map1 = affine_map<(d0, d1) -> (0)>
module attributes {stable_mosaic.version = 14 : i64} {
  func.func @gk(%arg0: i32, %arg1: i32, %arg2: memref<8192x144xf32, #tpu.memory_space<hbm>>, %arg3: memref<131072xi32, #tpu.memory_space<hbm>>, %arg4: memref<131072x144xf32, #tpu.memory_space<hbm>>, %arg5: memref<4096xi32, #tpu.memory_space<vmem>>, %arg6: memref<128x144xf32, #tpu.memory_space<vmem>>, %arg7: memref<128x144xf32, #tpu.memory_space<vmem>>, %arg8: memref<128x144xf32, #tpu.memory_space<vmem>>, %arg9: memref<128x144xf32, #tpu.memory_space<vmem>>, %arg10: memref<!tpu.dma_semaphore, #tpu.memory_space<semaphore_mem>>, %arg11: memref<!tpu.dma_semaphore, #tpu.memory_space<semaphore_mem>>, %arg12: memref<!tpu.dma_semaphore, #tpu.memory_space<semaphore_mem>>, %arg13: memref<!tpu.dma_semaphore, #tpu.memory_space<semaphore_mem>>) attributes {dimension_semantics = [#tpu.dimension_semantics<core_parallel>, #tpu.dimension_semantics<subcore_parallel>], iteration_bounds = array<i64: 2, 16>, scalar_prefetch = 0 : i64, scratch_operands = 9 : i64, tpu.core_type = #tpu.core_type<sc_vector_subcore>, window_params = [{transform_indices = #map}, {transform_indices = #map1}, {transform_indices = #map}]} {
    %mul3A = arith.constant 2 : i32
    %mul3A_0 = arith.muli %arg1, %mul3A : i32
    %add3A = arith.addi %mul3A_0, %arg0 : i32
    %mul3A_1 = arith.constant 4096 : i32
    %mul3A_2 = arith.muli %add3A, %mul3A_1 : i32
    "tpu.region"() ({
      %run_scoped3A = tpu.sem_alloc : memref<!tpu.dma_semaphore, #tpu.memory_space<semaphore_mem>>
      %dma_start3A_385 = tpu.memref_slice %arg3[%mul3A_2] : memref<131072xi32, #tpu.memory_space<hbm>> -> memref<4096xi32, #tpu.memory_space<hbm>>
      %dma_start3A_386 = tpu.memref_slice %arg3[%mul3A_2] : memref<131072xi32, #tpu.memory_space<hbm>> -> memref<4096xi32, #tpu.memory_space<hbm>>
      tpu.enqueue_dma source(%dma_start3A_386 : memref<4096xi32, #tpu.memory_space<hbm>>) target(%arg5 : memref<4096xi32, #tpu.memory_space<vmem>>) target_semaphore(%run_scoped3A : memref<!tpu.dma_semaphore, #tpu.memory_space<semaphore_mem>>)
      %dma_wait3A_387 = tpu.memref_slice %arg3[%mul3A_2] : memref<131072xi32, #tpu.memory_space<hbm>> -> memref<4096xi32, #tpu.memory_space<hbm>>
      %dma_wait3A_388 = tpu.memref_slice %arg3[%mul3A_2] : memref<131072xi32, #tpu.memory_space<hbm>> -> memref<4096xi32, #tpu.memory_space<hbm>>
      tpu.wait_dma2 semaphore(%run_scoped3A : memref<!tpu.dma_semaphore, #tpu.memory_space<semaphore_mem>>) src(%dma_wait3A_388 : memref<4096xi32, #tpu.memory_space<hbm>>) dst(%arg5 : memref<4096xi32, #tpu.memory_space<vmem>>)
      tpu.yield
    }) : () -> ()
    %dma_start3A = arith.constant 0 : i32
    %dma_start3A_3 = tpu.memref_slice %arg5[%dma_start3A] : memref<4096xi32, #tpu.memory_space<vmem>> -> memref<128xi32, #tpu.memory_space<vmem>>
    %dma_start3A_4 = arith.constant 0 : i32
    %dma_start3A_5 = arith.constant 0 : i32
    %dma_start3A_6 = tpu.memref_slice %arg2[%dma_start3A_4, %dma_start3A_5] : memref<8192x144xf32, #tpu.memory_space<hbm>> -> memref<8192x144xf32, #tpu.memory_space<hbm>>
    tpu.enqueue_indirect_dma source(%dma_start3A_6 : memref<8192x144xf32, #tpu.memory_space<hbm>>) target(%arg6 : memref<128x144xf32, #tpu.memory_space<vmem>>) offsets(%dma_start3A_3 : memref<128xi32, #tpu.memory_space<vmem>>) semaphore(%arg10 : memref<!tpu.dma_semaphore, #tpu.memory_space<semaphore_mem>>)
    %dma_start3A_7 = arith.constant 128 : i32
    %dma_start3A_8 = tpu.memref_slice %arg5[%dma_start3A_7] : memref<4096xi32, #tpu.memory_space<vmem>> -> memref<128xi32, #tpu.memory_space<vmem>>
    %dma_start3A_9 = arith.constant 0 : i32
    %dma_start3A_10 = arith.constant 0 : i32
    %dma_start3A_11 = tpu.memref_slice %arg2[%dma_start3A_9, %dma_start3A_10] : memref<8192x144xf32, #tpu.memory_space<hbm>> -> memref<8192x144xf32, #tpu.memory_space<hbm>>
    tpu.enqueue_indirect_dma source(%dma_start3A_11 : memref<8192x144xf32, #tpu.memory_space<hbm>>) target(%arg7 : memref<128x144xf32, #tpu.memory_space<vmem>>) offsets(%dma_start3A_8 : memref<128xi32, #tpu.memory_space<vmem>>) semaphore(%arg11 : memref<!tpu.dma_semaphore, #tpu.memory_space<semaphore_mem>>)
    %dma_start3A_12 = arith.constant 256 : i32
    %dma_start3A_13 = tpu.memref_slice %arg5[%dma_start3A_12] : memref<4096xi32, #tpu.memory_space<vmem>> -> memref<128xi32, #tpu.memory_space<vmem>>
    %dma_start3A_14 = arith.constant 0 : i32
    %dma_start3A_15 = arith.constant 0 : i32
    %dma_start3A_16 = tpu.memref_slice %arg2[%dma_start3A_14, %dma_start3A_15] : memref<8192x144xf32, #tpu.memory_space<hbm>> -> memref<8192x144xf32, #tpu.memory_space<hbm>>
    tpu.enqueue_indirect_dma source(%dma_start3A_16 : memref<8192x144xf32, #tpu.memory_space<hbm>>) target(%arg8 : memref<128x144xf32, #tpu.memory_space<vmem>>) offsets(%dma_start3A_13 : memref<128xi32, #tpu.memory_space<vmem>>) semaphore(%arg12 : memref<!tpu.dma_semaphore, #tpu.memory_space<semaphore_mem>>)
    %dma_start3A_17 = arith.constant 384 : i32
    %dma_start3A_18 = tpu.memref_slice %arg5[%dma_start3A_17] : memref<4096xi32, #tpu.memory_space<vmem>> -> memref<128xi32, #tpu.memory_space<vmem>>
    %dma_start3A_19 = arith.constant 0 : i32
    %dma_start3A_20 = arith.constant 0 : i32
    %dma_start3A_21 = tpu.memref_slice %arg2[%dma_start3A_19, %dma_start3A_20] : memref<8192x144xf32, #tpu.memory_space<hbm>> -> memref<8192x144xf32, #tpu.memory_space<hbm>>
    tpu.enqueue_indirect_dma source(%dma_start3A_21 : memref<8192x144xf32, #tpu.memory_space<hbm>>) target(%arg9 : memref<128x144xf32, #tpu.memory_space<vmem>>) offsets(%dma_start3A_18 : memref<128xi32, #tpu.memory_space<vmem>>) semaphore(%arg13 : memref<!tpu.dma_semaphore, #tpu.memory_space<semaphore_mem>>)
    %dma_wait3A = arith.constant 0 : i32
    %dma_wait3A_22 = tpu.memref_slice %arg5[%dma_wait3A] : memref<4096xi32, #tpu.memory_space<vmem>> -> memref<128xi32, #tpu.memory_space<vmem>>
    %dma_wait3A_23 = arith.constant 0 : i32
    %dma_wait3A_24 = arith.constant 0 : i32
    %dma_wait3A_25 = tpu.memref_slice %arg2[%dma_wait3A_23, %dma_wait3A_24] : memref<8192x144xf32, #tpu.memory_space<hbm>> -> memref<8192x144xf32, #tpu.memory_space<hbm>>
    tpu.wait_indirect_dma semaphore(%arg10 : memref<!tpu.dma_semaphore, #tpu.memory_space<semaphore_mem>>) src(%dma_wait3A_25 : memref<8192x144xf32, #tpu.memory_space<hbm>>) dst(%arg6 : memref<128x144xf32, #tpu.memory_space<vmem>>)
    %add3A_26 = arith.constant 0 : i32
    %add3A_27 = arith.addi %mul3A_2, %add3A_26 : i32
    "tpu.region"() ({
      %run_scoped3A = tpu.sem_alloc : memref<!tpu.dma_semaphore, #tpu.memory_space<semaphore_mem>>
      %dma_start3A_385 = arith.constant 0 : i32
      %dma_start3A_386 = tpu.memref_slice %arg4[%add3A_27, %dma_start3A_385] : memref<131072x144xf32, #tpu.memory_space<hbm>> -> memref<128x144xf32, #tpu.memory_space<hbm>>
      %dma_start3A_387 = arith.constant 0 : i32
      %dma_start3A_388 = tpu.memref_slice %arg4[%add3A_27, %dma_start3A_387] : memref<131072x144xf32, #tpu.memory_space<hbm>> -> memref<128x144xf32, #tpu.memory_space<hbm>>
      tpu.enqueue_dma source(%arg6 : memref<128x144xf32, #tpu.memory_space<vmem>>) target(%dma_start3A_388 : memref<128x144xf32, #tpu.memory_space<hbm>>) target_semaphore(%run_scoped3A : memref<!tpu.dma_semaphore, #tpu.memory_space<semaphore_mem>>)
      %dma_wait3A_389 = arith.constant 0 : i32
      %dma_wait3A_390 = tpu.memref_slice %arg4[%add3A_27, %dma_wait3A_389] : memref<131072x144xf32, #tpu.memory_space<hbm>> -> memref<128x144xf32, #tpu.memory_space<hbm>>
      %dma_wait3A_391 = arith.constant 0 : i32
      %dma_wait3A_392 = tpu.memref_slice %arg4[%add3A_27, %dma_wait3A_391] : memref<131072x144xf32, #tpu.memory_space<hbm>> -> memref<128x144xf32, #tpu.memory_space<hbm>>
      tpu.wait_dma2 semaphore(%run_scoped3A : memref<!tpu.dma_semaphore, #tpu.memory_space<semaphore_mem>>) src(%arg6 : memref<128x144xf32, #tpu.memory_space<vmem>>) dst(%dma_wait3A_392 : memref<128x144xf32, #tpu.memory_space<hbm>>)
      tpu.yield
    }) : () -> ()
    %dma_start3A_28 = arith.constant 512 : i32
    %dma_start3A_29 = tpu.memref_slice %arg5[%dma_start3A_28] : memref<4096xi32, #tpu.memory_space<vmem>> -> memref<128xi32, #tpu.memory_space<vmem>>
    %dma_start3A_30 = arith.constant 0 : i32
    %dma_start3A_31 = arith.constant 0 : i32
    %dma_start3A_32 = tpu.memref_slice %arg2[%dma_start3A_30, %dma_start3A_31] : memref<8192x144xf32, #tpu.memory_space<hbm>> -> memref<8192x144xf32, #tpu.memory_space<hbm>>
    tpu.enqueue_indirect_dma source(%dma_start3A_32 : memref<8192x144xf32, #tpu.memory_space<hbm>>) target(%arg6 : memref<128x144xf32, #tpu.memory_space<vmem>>) offsets(%dma_start3A_29 : memref<128xi32, #tpu.memory_space<vmem>>) semaphore(%arg10 : memref<!tpu.dma_semaphore, #tpu.memory_space<semaphore_mem>>)
    %dma_wait3A_33 = arith.constant 128 : i32
    %dma_wait3A_34 = tpu.memref_slice %arg5[%dma_wait3A_33] : memref<4096xi32, #tpu.memory_space<vmem>> -> memref<128xi32, #tpu.memory_space<vmem>>
    %dma_wait3A_35 = arith.constant 0 : i32
    %dma_wait3A_36 = arith.constant 0 : i32
    %dma_wait3A_37 = tpu.memref_slice %arg2[%dma_wait3A_35, %dma_wait3A_36] : memref<8192x144xf32, #tpu.memory_space<hbm>> -> memref<8192x144xf32, #tpu.memory_space<hbm>>
    tpu.wait_indirect_dma semaphore(%arg11 : memref<!tpu.dma_semaphore, #tpu.memory_space<semaphore_mem>>) src(%dma_wait3A_37 : memref<8192x144xf32, #tpu.memory_space<hbm>>) dst(%arg7 : memref<128x144xf32, #tpu.memory_space<vmem>>)
    %add3A_38 = arith.constant 128 : i32
    %add3A_39 = arith.addi %mul3A_2, %add3A_38 : i32
    "tpu.region"() ({
      %run_scoped3A = tpu.sem_alloc : memref<!tpu.dma_semaphore, #tpu.memory_space<semaphore_mem>>
      %dma_start3A_385 = arith.constant 0 : i32
      %dma_start3A_386 = tpu.memref_slice %arg4[%add3A_39, %dma_start3A_385] : memref<131072x144xf32, #tpu.memory_space<hbm>> -> memref<128x144xf32, #tpu.memory_space<hbm>>
      %dma_start3A_387 = arith.constant 0 : i32
      %dma_start3A_388 = tpu.memref_slice %arg4[%add3A_39, %dma_start3A_387] : memref<131072x144xf32, #tpu.memory_space<hbm>> -> memref<128x144xf32, #tpu.memory_space<hbm>>
      tpu.enqueue_dma source(%arg7 : memref<128x144xf32, #tpu.memory_space<vmem>>) target(%dma_start3A_388 : memref<128x144xf32, #tpu.memory_space<hbm>>) target_semaphore(%run_scoped3A : memref<!tpu.dma_semaphore, #tpu.memory_space<semaphore_mem>>)
      %dma_wait3A_389 = arith.constant 0 : i32
      %dma_wait3A_390 = tpu.memref_slice %arg4[%add3A_39, %dma_wait3A_389] : memref<131072x144xf32, #tpu.memory_space<hbm>> -> memref<128x144xf32, #tpu.memory_space<hbm>>
      %dma_wait3A_391 = arith.constant 0 : i32
      %dma_wait3A_392 = tpu.memref_slice %arg4[%add3A_39, %dma_wait3A_391] : memref<131072x144xf32, #tpu.memory_space<hbm>> -> memref<128x144xf32, #tpu.memory_space<hbm>>
      tpu.wait_dma2 semaphore(%run_scoped3A : memref<!tpu.dma_semaphore, #tpu.memory_space<semaphore_mem>>) src(%arg7 : memref<128x144xf32, #tpu.memory_space<vmem>>) dst(%dma_wait3A_392 : memref<128x144xf32, #tpu.memory_space<hbm>>)
      tpu.yield
    }) : () -> ()
    %dma_start3A_40 = arith.constant 640 : i32
    %dma_start3A_41 = tpu.memref_slice %arg5[%dma_start3A_40] : memref<4096xi32, #tpu.memory_space<vmem>> -> memref<128xi32, #tpu.memory_space<vmem>>
    %dma_start3A_42 = arith.constant 0 : i32
    %dma_start3A_43 = arith.constant 0 : i32
    %dma_start3A_44 = tpu.memref_slice %arg2[%dma_start3A_42, %dma_start3A_43] : memref<8192x144xf32, #tpu.memory_space<hbm>> -> memref<8192x144xf32, #tpu.memory_space<hbm>>
    tpu.enqueue_indirect_dma source(%dma_start3A_44 : memref<8192x144xf32, #tpu.memory_space<hbm>>) target(%arg7 : memref<128x144xf32, #tpu.memory_space<vmem>>) offsets(%dma_start3A_41 : memref<128xi32, #tpu.memory_space<vmem>>) semaphore(%arg11 : memref<!tpu.dma_semaphore, #tpu.memory_space<semaphore_mem>>)
    %dma_wait3A_45 = arith.constant 256 : i32
    %dma_wait3A_46 = tpu.memref_slice %arg5[%dma_wait3A_45] : memref<4096xi32, #tpu.memory_space<vmem>> -> memref<128xi32, #tpu.memory_space<vmem>>
    %dma_wait3A_47 = arith.constant 0 : i32
    %dma_wait3A_48 = arith.constant 0 : i32
    %dma_wait3A_49 = tpu.memref_slice %arg2[%dma_wait3A_47, %dma_wait3A_48] : memref<8192x144xf32, #tpu.memory_space<hbm>> -> memref<8192x144xf32, #tpu.memory_space<hbm>>
    tpu.wait_indirect_dma semaphore(%arg12 : memref<!tpu.dma_semaphore, #tpu.memory_space<semaphore_mem>>) src(%dma_wait3A_49 : memref<8192x144xf32, #tpu.memory_space<hbm>>) dst(%arg8 : memref<128x144xf32, #tpu.memory_space<vmem>>)
    %add3A_50 = arith.constant 256 : i32
    %add3A_51 = arith.addi %mul3A_2, %add3A_50 : i32
    "tpu.region"() ({
      %run_scoped3A = tpu.sem_alloc : memref<!tpu.dma_semaphore, #tpu.memory_space<semaphore_mem>>
      %dma_start3A_385 = arith.constant 0 : i32
      %dma_start3A_386 = tpu.memref_slice %arg4[%add3A_51, %dma_start3A_385] : memref<131072x144xf32, #tpu.memory_space<hbm>> -> memref<128x144xf32, #tpu.memory_space<hbm>>
      %dma_start3A_387 = arith.constant 0 : i32
      %dma_start3A_388 = tpu.memref_slice %arg4[%add3A_51, %dma_start3A_387] : memref<131072x144xf32, #tpu.memory_space<hbm>> -> memref<128x144xf32, #tpu.memory_space<hbm>>
      tpu.enqueue_dma source(%arg8 : memref<128x144xf32, #tpu.memory_space<vmem>>) target(%dma_start3A_388 : memref<128x144xf32, #tpu.memory_space<hbm>>) target_semaphore(%run_scoped3A : memref<!tpu.dma_semaphore, #tpu.memory_space<semaphore_mem>>)
      %dma_wait3A_389 = arith.constant 0 : i32
      %dma_wait3A_390 = tpu.memref_slice %arg4[%add3A_51, %dma_wait3A_389] : memref<131072x144xf32, #tpu.memory_space<hbm>> -> memref<128x144xf32, #tpu.memory_space<hbm>>
      %dma_wait3A_391 = arith.constant 0 : i32
      %dma_wait3A_392 = tpu.memref_slice %arg4[%add3A_51, %dma_wait3A_391] : memref<131072x144xf32, #tpu.memory_space<hbm>> -> memref<128x144xf32, #tpu.memory_space<hbm>>
      tpu.wait_dma2 semaphore(%run_scoped3A : memref<!tpu.dma_semaphore, #tpu.memory_space<semaphore_mem>>) src(%arg8 : memref<128x144xf32, #tpu.memory_space<vmem>>) dst(%dma_wait3A_392 : memref<128x144xf32, #tpu.memory_space<hbm>>)
      tpu.yield
    }) : () -> ()
    %dma_start3A_52 = arith.constant 768 : i32
    %dma_start3A_53 = tpu.memref_slice %arg5[%dma_start3A_52] : memref<4096xi32, #tpu.memory_space<vmem>> -> memref<128xi32, #tpu.memory_space<vmem>>
    %dma_start3A_54 = arith.constant 0 : i32
    %dma_start3A_55 = arith.constant 0 : i32
    %dma_start3A_56 = tpu.memref_slice %arg2[%dma_start3A_54, %dma_start3A_55] : memref<8192x144xf32, #tpu.memory_space<hbm>> -> memref<8192x144xf32, #tpu.memory_space<hbm>>
    tpu.enqueue_indirect_dma source(%dma_start3A_56 : memref<8192x144xf32, #tpu.memory_space<hbm>>) target(%arg8 : memref<128x144xf32, #tpu.memory_space<vmem>>) offsets(%dma_start3A_53 : memref<128xi32, #tpu.memory_space<vmem>>) semaphore(%arg12 : memref<!tpu.dma_semaphore, #tpu.memory_space<semaphore_mem>>)
    %dma_wait3A_57 = arith.constant 384 : i32
    %dma_wait3A_58 = tpu.memref_slice %arg5[%dma_wait3A_57] : memref<4096xi32, #tpu.memory_space<vmem>> -> memref<128xi32, #tpu.memory_space<vmem>>
    %dma_wait3A_59 = arith.constant 0 : i32
    %dma_wait3A_60 = arith.constant 0 : i32
    %dma_wait3A_61 = tpu.memref_slice %arg2[%dma_wait3A_59, %dma_wait3A_60] : memref<8192x144xf32, #tpu.memory_space<hbm>> -> memref<8192x144xf32, #tpu.memory_space<hbm>>
    tpu.wait_indirect_dma semaphore(%arg13 : memref<!tpu.dma_semaphore, #tpu.memory_space<semaphore_mem>>) src(%dma_wait3A_61 : memref<8192x144xf32, #tpu.memory_space<hbm>>) dst(%arg9 : memref<128x144xf32, #tpu.memory_space<vmem>>)
    %add3A_62 = arith.constant 384 : i32
    %add3A_63 = arith.addi %mul3A_2, %add3A_62 : i32
    "tpu.region"() ({
      %run_scoped3A = tpu.sem_alloc : memref<!tpu.dma_semaphore, #tpu.memory_space<semaphore_mem>>
      %dma_start3A_385 = arith.constant 0 : i32
      %dma_start3A_386 = tpu.memref_slice %arg4[%add3A_63, %dma_start3A_385] : memref<131072x144xf32, #tpu.memory_space<hbm>> -> memref<128x144xf32, #tpu.memory_space<hbm>>
      %dma_start3A_387 = arith.constant 0 : i32
      %dma_start3A_388 = tpu.memref_slice %arg4[%add3A_63, %dma_start3A_387] : memref<131072x144xf32, #tpu.memory_space<hbm>> -> memref<128x144xf32, #tpu.memory_space<hbm>>
      tpu.enqueue_dma source(%arg9 : memref<128x144xf32, #tpu.memory_space<vmem>>) target(%dma_start3A_388 : memref<128x144xf32, #tpu.memory_space<hbm>>) target_semaphore(%run_scoped3A : memref<!tpu.dma_semaphore, #tpu.memory_space<semaphore_mem>>)
      %dma_wait3A_389 = arith.constant 0 : i32
      %dma_wait3A_390 = tpu.memref_slice %arg4[%add3A_63, %dma_wait3A_389] : memref<131072x144xf32, #tpu.memory_space<hbm>> -> memref<128x144xf32, #tpu.memory_space<hbm>>
      %dma_wait3A_391 = arith.constant 0 : i32
      %dma_wait3A_392 = tpu.memref_slice %arg4[%add3A_63, %dma_wait3A_391] : memref<131072x144xf32, #tpu.memory_space<hbm>> -> memref<128x144xf32, #tpu.memory_space<hbm>>
      tpu.wait_dma2 semaphore(%run_scoped3A : memref<!tpu.dma_semaphore, #tpu.memory_space<semaphore_mem>>) src(%arg9 : memref<128x144xf32, #tpu.memory_space<vmem>>) dst(%dma_wait3A_392 : memref<128x144xf32, #tpu.memory_space<hbm>>)
      tpu.yield
    }) : () -> ()
    %dma_start3A_64 = arith.constant 896 : i32
    %dma_start3A_65 = tpu.memref_slice %arg5[%dma_start3A_64] : memref<4096xi32, #tpu.memory_space<vmem>> -> memref<128xi32, #tpu.memory_space<vmem>>
    %dma_start3A_66 = arith.constant 0 : i32
    %dma_start3A_67 = arith.constant 0 : i32
    %dma_start3A_68 = tpu.memref_slice %arg2[%dma_start3A_66, %dma_start3A_67] : memref<8192x144xf32, #tpu.memory_space<hbm>> -> memref<8192x144xf32, #tpu.memory_space<hbm>>
    tpu.enqueue_indirect_dma source(%dma_start3A_68 : memref<8192x144xf32, #tpu.memory_space<hbm>>) target(%arg9 : memref<128x144xf32, #tpu.memory_space<vmem>>) offsets(%dma_start3A_65 : memref<128xi32, #tpu.memory_space<vmem>>) semaphore(%arg13 : memref<!tpu.dma_semaphore, #tpu.memory_space<semaphore_mem>>)
    %dma_wait3A_69 = arith.constant 512 : i32
    %dma_wait3A_70 = tpu.memref_slice %arg5[%dma_wait3A_69] : memref<4096xi32, #tpu.memory_space<vmem>> -> memref<128xi32, #tpu.memory_space<vmem>>
    %dma_wait3A_71 = arith.constant 0 : i32
    %dma_wait3A_72 = arith.constant 0 : i32
    %dma_wait3A_73 = tpu.memref_slice %arg2[%dma_wait3A_71, %dma_wait3A_72] : memref<8192x144xf32, #tpu.memory_space<hbm>> -> memref<8192x144xf32, #tpu.memory_space<hbm>>
    tpu.wait_indirect_dma semaphore(%arg10 : memref<!tpu.dma_semaphore, #tpu.memory_space<semaphore_mem>>) src(%dma_wait3A_73 : memref<8192x144xf32, #tpu.memory_space<hbm>>) dst(%arg6 : memref<128x144xf32, #tpu.memory_space<vmem>>)
    %add3A_74 = arith.constant 512 : i32
    %add3A_75 = arith.addi %mul3A_2, %add3A_74 : i32
    "tpu.region"() ({
      %run_scoped3A = tpu.sem_alloc : memref<!tpu.dma_semaphore, #tpu.memory_space<semaphore_mem>>
      %dma_start3A_385 = arith.constant 0 : i32
      %dma_start3A_386 = tpu.memref_slice %arg4[%add3A_75, %dma_start3A_385] : memref<131072x144xf32, #tpu.memory_space<hbm>> -> memref<128x144xf32, #tpu.memory_space<hbm>>
      %dma_start3A_387 = arith.constant 0 : i32
      %dma_start3A_388 = tpu.memref_slice %arg4[%add3A_75, %dma_start3A_387] : memref<131072x144xf32, #tpu.memory_space<hbm>> -> memref<128x144xf32, #tpu.memory_space<hbm>>
      tpu.enqueue_dma source(%arg6 : memref<128x144xf32, #tpu.memory_space<vmem>>) target(%dma_start3A_388 : memref<128x144xf32, #tpu.memory_space<hbm>>) target_semaphore(%run_scoped3A : memref<!tpu.dma_semaphore, #tpu.memory_space<semaphore_mem>>)
      %dma_wait3A_389 = arith.constant 0 : i32
      %dma_wait3A_390 = tpu.memref_slice %arg4[%add3A_75, %dma_wait3A_389] : memref<131072x144xf32, #tpu.memory_space<hbm>> -> memref<128x144xf32, #tpu.memory_space<hbm>>
      %dma_wait3A_391 = arith.constant 0 : i32
      %dma_wait3A_392 = tpu.memref_slice %arg4[%add3A_75, %dma_wait3A_391] : memref<131072x144xf32, #tpu.memory_space<hbm>> -> memref<128x144xf32, #tpu.memory_space<hbm>>
      tpu.wait_dma2 semaphore(%run_scoped3A : memref<!tpu.dma_semaphore, #tpu.memory_space<semaphore_mem>>) src(%arg6 : memref<128x144xf32, #tpu.memory_space<vmem>>) dst(%dma_wait3A_392 : memref<128x144xf32, #tpu.memory_space<hbm>>)
      tpu.yield
    }) : () -> ()
    %dma_start3A_76 = arith.constant 1024 : i32
    %dma_start3A_77 = tpu.memref_slice %arg5[%dma_start3A_76] : memref<4096xi32, #tpu.memory_space<vmem>> -> memref<128xi32, #tpu.memory_space<vmem>>
    %dma_start3A_78 = arith.constant 0 : i32
    %dma_start3A_79 = arith.constant 0 : i32
    %dma_start3A_80 = tpu.memref_slice %arg2[%dma_start3A_78, %dma_start3A_79] : memref<8192x144xf32, #tpu.memory_space<hbm>> -> memref<8192x144xf32, #tpu.memory_space<hbm>>
    tpu.enqueue_indirect_dma source(%dma_start3A_80 : memref<8192x144xf32, #tpu.memory_space<hbm>>) target(%arg6 : memref<128x144xf32, #tpu.memory_space<vmem>>) offsets(%dma_start3A_77 : memref<128xi32, #tpu.memory_space<vmem>>) semaphore(%arg10 : memref<!tpu.dma_semaphore, #tpu.memory_space<semaphore_mem>>)
    %dma_wait3A_81 = arith.constant 640 : i32
    %dma_wait3A_82 = tpu.memref_slice %arg5[%dma_wait3A_81] : memref<4096xi32, #tpu.memory_space<vmem>> -> memref<128xi32, #tpu.memory_space<vmem>>
    %dma_wait3A_83 = arith.constant 0 : i32
    %dma_wait3A_84 = arith.constant 0 : i32
    %dma_wait3A_85 = tpu.memref_slice %arg2[%dma_wait3A_83, %dma_wait3A_84] : memref<8192x144xf32, #tpu.memory_space<hbm>> -> memref<8192x144xf32, #tpu.memory_space<hbm>>
    tpu.wait_indirect_dma semaphore(%arg11 : memref<!tpu.dma_semaphore, #tpu.memory_space<semaphore_mem>>) src(%dma_wait3A_85 : memref<8192x144xf32, #tpu.memory_space<hbm>>) dst(%arg7 : memref<128x144xf32, #tpu.memory_space<vmem>>)
    %add3A_86 = arith.constant 640 : i32
    %add3A_87 = arith.addi %mul3A_2, %add3A_86 : i32
    "tpu.region"() ({
      %run_scoped3A = tpu.sem_alloc : memref<!tpu.dma_semaphore, #tpu.memory_space<semaphore_mem>>
      %dma_start3A_385 = arith.constant 0 : i32
      %dma_start3A_386 = tpu.memref_slice %arg4[%add3A_87, %dma_start3A_385] : memref<131072x144xf32, #tpu.memory_space<hbm>> -> memref<128x144xf32, #tpu.memory_space<hbm>>
      %dma_start3A_387 = arith.constant 0 : i32
      %dma_start3A_388 = tpu.memref_slice %arg4[%add3A_87, %dma_start3A_387] : memref<131072x144xf32, #tpu.memory_space<hbm>> -> memref<128x144xf32, #tpu.memory_space<hbm>>
      tpu.enqueue_dma source(%arg7 : memref<128x144xf32, #tpu.memory_space<vmem>>) target(%dma_start3A_388 : memref<128x144xf32, #tpu.memory_space<hbm>>) target_semaphore(%run_scoped3A : memref<!tpu.dma_semaphore, #tpu.memory_space<semaphore_mem>>)
      %dma_wait3A_389 = arith.constant 0 : i32
      %dma_wait3A_390 = tpu.memref_slice %arg4[%add3A_87, %dma_wait3A_389] : memref<131072x144xf32, #tpu.memory_space<hbm>> -> memref<128x144xf32, #tpu.memory_space<hbm>>
      %dma_wait3A_391 = arith.constant 0 : i32
      %dma_wait3A_392 = tpu.memref_slice %arg4[%add3A_87, %dma_wait3A_391] : memref<131072x144xf32, #tpu.memory_space<hbm>> -> memref<128x144xf32, #tpu.memory_space<hbm>>
      tpu.wait_dma2 semaphore(%run_scoped3A : memref<!tpu.dma_semaphore, #tpu.memory_space<semaphore_mem>>) src(%arg7 : memref<128x144xf32, #tpu.memory_space<vmem>>) dst(%dma_wait3A_392 : memref<128x144xf32, #tpu.memory_space<hbm>>)
      tpu.yield
    }) : () -> ()
    %dma_start3A_88 = arith.constant 1152 : i32
    %dma_start3A_89 = tpu.memref_slice %arg5[%dma_start3A_88] : memref<4096xi32, #tpu.memory_space<vmem>> -> memref<128xi32, #tpu.memory_space<vmem>>
    %dma_start3A_90 = arith.constant 0 : i32
    %dma_start3A_91 = arith.constant 0 : i32
    %dma_start3A_92 = tpu.memref_slice %arg2[%dma_start3A_90, %dma_start3A_91] : memref<8192x144xf32, #tpu.memory_space<hbm>> -> memref<8192x144xf32, #tpu.memory_space<hbm>>
    tpu.enqueue_indirect_dma source(%dma_start3A_92 : memref<8192x144xf32, #tpu.memory_space<hbm>>) target(%arg7 : memref<128x144xf32, #tpu.memory_space<vmem>>) offsets(%dma_start3A_89 : memref<128xi32, #tpu.memory_space<vmem>>) semaphore(%arg11 : memref<!tpu.dma_semaphore, #tpu.memory_space<semaphore_mem>>)
    %dma_wait3A_93 = arith.constant 768 : i32
    %dma_wait3A_94 = tpu.memref_slice %arg5[%dma_wait3A_93] : memref<4096xi32, #tpu.memory_space<vmem>> -> memref<128xi32, #tpu.memory_space<vmem>>
    %dma_wait3A_95 = arith.constant 0 : i32
    %dma_wait3A_96 = arith.constant 0 : i32
    %dma_wait3A_97 = tpu.memref_slice %arg2[%dma_wait3A_95, %dma_wait3A_96] : memref<8192x144xf32, #tpu.memory_space<hbm>> -> memref<8192x144xf32, #tpu.memory_space<hbm>>
    tpu.wait_indirect_dma semaphore(%arg12 : memref<!tpu.dma_semaphore, #tpu.memory_space<semaphore_mem>>) src(%dma_wait3A_97 : memref<8192x144xf32, #tpu.memory_space<hbm>>) dst(%arg8 : memref<128x144xf32, #tpu.memory_space<vmem>>)
    %add3A_98 = arith.constant 768 : i32
    %add3A_99 = arith.addi %mul3A_2, %add3A_98 : i32
    "tpu.region"() ({
      %run_scoped3A = tpu.sem_alloc : memref<!tpu.dma_semaphore, #tpu.memory_space<semaphore_mem>>
      %dma_start3A_385 = arith.constant 0 : i32
      %dma_start3A_386 = tpu.memref_slice %arg4[%add3A_99, %dma_start3A_385] : memref<131072x144xf32, #tpu.memory_space<hbm>> -> memref<128x144xf32, #tpu.memory_space<hbm>>
      %dma_start3A_387 = arith.constant 0 : i32
      %dma_start3A_388 = tpu.memref_slice %arg4[%add3A_99, %dma_start3A_387] : memref<131072x144xf32, #tpu.memory_space<hbm>> -> memref<128x144xf32, #tpu.memory_space<hbm>>
      tpu.enqueue_dma source(%arg8 : memref<128x144xf32, #tpu.memory_space<vmem>>) target(%dma_start3A_388 : memref<128x144xf32, #tpu.memory_space<hbm>>) target_semaphore(%run_scoped3A : memref<!tpu.dma_semaphore, #tpu.memory_space<semaphore_mem>>)
      %dma_wait3A_389 = arith.constant 0 : i32
      %dma_wait3A_390 = tpu.memref_slice %arg4[%add3A_99, %dma_wait3A_389] : memref<131072x144xf32, #tpu.memory_space<hbm>> -> memref<128x144xf32, #tpu.memory_space<hbm>>
      %dma_wait3A_391 = arith.constant 0 : i32
      %dma_wait3A_392 = tpu.memref_slice %arg4[%add3A_99, %dma_wait3A_391] : memref<131072x144xf32, #tpu.memory_space<hbm>> -> memref<128x144xf32, #tpu.memory_space<hbm>>
      tpu.wait_dma2 semaphore(%run_scoped3A : memref<!tpu.dma_semaphore, #tpu.memory_space<semaphore_mem>>) src(%arg8 : memref<128x144xf32, #tpu.memory_space<vmem>>) dst(%dma_wait3A_392 : memref<128x144xf32, #tpu.memory_space<hbm>>)
      tpu.yield
    }) : () -> ()
    %dma_start3A_100 = arith.constant 1280 : i32
    %dma_start3A_101 = tpu.memref_slice %arg5[%dma_start3A_100] : memref<4096xi32, #tpu.memory_space<vmem>> -> memref<128xi32, #tpu.memory_space<vmem>>
    %dma_start3A_102 = arith.constant 0 : i32
    %dma_start3A_103 = arith.constant 0 : i32
    %dma_start3A_104 = tpu.memref_slice %arg2[%dma_start3A_102, %dma_start3A_103] : memref<8192x144xf32, #tpu.memory_space<hbm>> -> memref<8192x144xf32, #tpu.memory_space<hbm>>
    tpu.enqueue_indirect_dma source(%dma_start3A_104 : memref<8192x144xf32, #tpu.memory_space<hbm>>) target(%arg8 : memref<128x144xf32, #tpu.memory_space<vmem>>) offsets(%dma_start3A_101 : memref<128xi32, #tpu.memory_space<vmem>>) semaphore(%arg12 : memref<!tpu.dma_semaphore, #tpu.memory_space<semaphore_mem>>)
    %dma_wait3A_105 = arith.constant 896 : i32
    %dma_wait3A_106 = tpu.memref_slice %arg5[%dma_wait3A_105] : memref<4096xi32, #tpu.memory_space<vmem>> -> memref<128xi32, #tpu.memory_space<vmem>>
    %dma_wait3A_107 = arith.constant 0 : i32
    %dma_wait3A_108 = arith.constant 0 : i32
    %dma_wait3A_109 = tpu.memref_slice %arg2[%dma_wait3A_107, %dma_wait3A_108] : memref<8192x144xf32, #tpu.memory_space<hbm>> -> memref<8192x144xf32, #tpu.memory_space<hbm>>
    tpu.wait_indirect_dma semaphore(%arg13 : memref<!tpu.dma_semaphore, #tpu.memory_space<semaphore_mem>>) src(%dma_wait3A_109 : memref<8192x144xf32, #tpu.memory_space<hbm>>) dst(%arg9 : memref<128x144xf32, #tpu.memory_space<vmem>>)
    %add3A_110 = arith.constant 896 : i32
    %add3A_111 = arith.addi %mul3A_2, %add3A_110 : i32
    "tpu.region"() ({
      %run_scoped3A = tpu.sem_alloc : memref<!tpu.dma_semaphore, #tpu.memory_space<semaphore_mem>>
      %dma_start3A_385 = arith.constant 0 : i32
      %dma_start3A_386 = tpu.memref_slice %arg4[%add3A_111, %dma_start3A_385] : memref<131072x144xf32, #tpu.memory_space<hbm>> -> memref<128x144xf32, #tpu.memory_space<hbm>>
      %dma_start3A_387 = arith.constant 0 : i32
      %dma_start3A_388 = tpu.memref_slice %arg4[%add3A_111, %dma_start3A_387] : memref<131072x144xf32, #tpu.memory_space<hbm>> -> memref<128x144xf32, #tpu.memory_space<hbm>>
      tpu.enqueue_dma source(%arg9 : memref<128x144xf32, #tpu.memory_space<vmem>>) target(%dma_start3A_388 : memref<128x144xf32, #tpu.memory_space<hbm>>) target_semaphore(%run_scoped3A : memref<!tpu.dma_semaphore, #tpu.memory_space<semaphore_mem>>)
      %dma_wait3A_389 = arith.constant 0 : i32
      %dma_wait3A_390 = tpu.memref_slice %arg4[%add3A_111, %dma_wait3A_389] : memref<131072x144xf32, #tpu.memory_space<hbm>> -> memref<128x144xf32, #tpu.memory_space<hbm>>
      %dma_wait3A_391 = arith.constant 0 : i32
      %dma_wait3A_392 = tpu.memref_slice %arg4[%add3A_111, %dma_wait3A_391] : memref<131072x144xf32, #tpu.memory_space<hbm>> -> memref<128x144xf32, #tpu.memory_space<hbm>>
      tpu.wait_dma2 semaphore(%run_scoped3A : memref<!tpu.dma_semaphore, #tpu.memory_space<semaphore_mem>>) src(%arg9 : memref<128x144xf32, #tpu.memory_space<vmem>>) dst(%dma_wait3A_392 : memref<128x144xf32, #tpu.memory_space<hbm>>)
      tpu.yield
    }) : () -> ()
    %dma_start3A_112 = arith.constant 1408 : i32
    %dma_start3A_113 = tpu.memref_slice %arg5[%dma_start3A_112] : memref<4096xi32, #tpu.memory_space<vmem>> -> memref<128xi32, #tpu.memory_space<vmem>>
    %dma_start3A_114 = arith.constant 0 : i32
    %dma_start3A_115 = arith.constant 0 : i32
    %dma_start3A_116 = tpu.memref_slice %arg2[%dma_start3A_114, %dma_start3A_115] : memref<8192x144xf32, #tpu.memory_space<hbm>> -> memref<8192x144xf32, #tpu.memory_space<hbm>>
    tpu.enqueue_indirect_dma source(%dma_start3A_116 : memref<8192x144xf32, #tpu.memory_space<hbm>>) target(%arg9 : memref<128x144xf32, #tpu.memory_space<vmem>>) offsets(%dma_start3A_113 : memref<128xi32, #tpu.memory_space<vmem>>) semaphore(%arg13 : memref<!tpu.dma_semaphore, #tpu.memory_space<semaphore_mem>>)
    %dma_wait3A_117 = arith.constant 1024 : i32
    %dma_wait3A_118 = tpu.memref_slice %arg5[%dma_wait3A_117] : memref<4096xi32, #tpu.memory_space<vmem>> -> memref<128xi32, #tpu.memory_space<vmem>>
    %dma_wait3A_119 = arith.constant 0 : i32
    %dma_wait3A_120 = arith.constant 0 : i32
    %dma_wait3A_121 = tpu.memref_slice %arg2[%dma_wait3A_119, %dma_wait3A_120] : memref<8192x144xf32, #tpu.memory_space<hbm>> -> memref<8192x144xf32, #tpu.memory_space<hbm>>
    tpu.wait_indirect_dma semaphore(%arg10 : memref<!tpu.dma_semaphore, #tpu.memory_space<semaphore_mem>>) src(%dma_wait3A_121 : memref<8192x144xf32, #tpu.memory_space<hbm>>) dst(%arg6 : memref<128x144xf32, #tpu.memory_space<vmem>>)
    %add3A_122 = arith.constant 1024 : i32
    %add3A_123 = arith.addi %mul3A_2, %add3A_122 : i32
    "tpu.region"() ({
      %run_scoped3A = tpu.sem_alloc : memref<!tpu.dma_semaphore, #tpu.memory_space<semaphore_mem>>
      %dma_start3A_385 = arith.constant 0 : i32
      %dma_start3A_386 = tpu.memref_slice %arg4[%add3A_123, %dma_start3A_385] : memref<131072x144xf32, #tpu.memory_space<hbm>> -> memref<128x144xf32, #tpu.memory_space<hbm>>
      %dma_start3A_387 = arith.constant 0 : i32
      %dma_start3A_388 = tpu.memref_slice %arg4[%add3A_123, %dma_start3A_387] : memref<131072x144xf32, #tpu.memory_space<hbm>> -> memref<128x144xf32, #tpu.memory_space<hbm>>
      tpu.enqueue_dma source(%arg6 : memref<128x144xf32, #tpu.memory_space<vmem>>) target(%dma_start3A_388 : memref<128x144xf32, #tpu.memory_space<hbm>>) target_semaphore(%run_scoped3A : memref<!tpu.dma_semaphore, #tpu.memory_space<semaphore_mem>>)
      %dma_wait3A_389 = arith.constant 0 : i32
      %dma_wait3A_390 = tpu.memref_slice %arg4[%add3A_123, %dma_wait3A_389] : memref<131072x144xf32, #tpu.memory_space<hbm>> -> memref<128x144xf32, #tpu.memory_space<hbm>>
      %dma_wait3A_391 = arith.constant 0 : i32
      %dma_wait3A_392 = tpu.memref_slice %arg4[%add3A_123, %dma_wait3A_391] : memref<131072x144xf32, #tpu.memory_space<hbm>> -> memref<128x144xf32, #tpu.memory_space<hbm>>
      tpu.wait_dma2 semaphore(%run_scoped3A : memref<!tpu.dma_semaphore, #tpu.memory_space<semaphore_mem>>) src(%arg6 : memref<128x144xf32, #tpu.memory_space<vmem>>) dst(%dma_wait3A_392 : memref<128x144xf32, #tpu.memory_space<hbm>>)
      tpu.yield
    }) : () -> ()
    %dma_start3A_124 = arith.constant 1536 : i32
    %dma_start3A_125 = tpu.memref_slice %arg5[%dma_start3A_124] : memref<4096xi32, #tpu.memory_space<vmem>> -> memref<128xi32, #tpu.memory_space<vmem>>
    %dma_start3A_126 = arith.constant 0 : i32
    %dma_start3A_127 = arith.constant 0 : i32
    %dma_start3A_128 = tpu.memref_slice %arg2[%dma_start3A_126, %dma_start3A_127] : memref<8192x144xf32, #tpu.memory_space<hbm>> -> memref<8192x144xf32, #tpu.memory_space<hbm>>
    tpu.enqueue_indirect_dma source(%dma_start3A_128 : memref<8192x144xf32, #tpu.memory_space<hbm>>) target(%arg6 : memref<128x144xf32, #tpu.memory_space<vmem>>) offsets(%dma_start3A_125 : memref<128xi32, #tpu.memory_space<vmem>>) semaphore(%arg10 : memref<!tpu.dma_semaphore, #tpu.memory_space<semaphore_mem>>)
    %dma_wait3A_129 = arith.constant 1152 : i32
    %dma_wait3A_130 = tpu.memref_slice %arg5[%dma_wait3A_129] : memref<4096xi32, #tpu.memory_space<vmem>> -> memref<128xi32, #tpu.memory_space<vmem>>
    %dma_wait3A_131 = arith.constant 0 : i32
    %dma_wait3A_132 = arith.constant 0 : i32
    %dma_wait3A_133 = tpu.memref_slice %arg2[%dma_wait3A_131, %dma_wait3A_132] : memref<8192x144xf32, #tpu.memory_space<hbm>> -> memref<8192x144xf32, #tpu.memory_space<hbm>>
    tpu.wait_indirect_dma semaphore(%arg11 : memref<!tpu.dma_semaphore, #tpu.memory_space<semaphore_mem>>) src(%dma_wait3A_133 : memref<8192x144xf32, #tpu.memory_space<hbm>>) dst(%arg7 : memref<128x144xf32, #tpu.memory_space<vmem>>)
    %add3A_134 = arith.constant 1152 : i32
    %add3A_135 = arith.addi %mul3A_2, %add3A_134 : i32
    "tpu.region"() ({
      %run_scoped3A = tpu.sem_alloc : memref<!tpu.dma_semaphore, #tpu.memory_space<semaphore_mem>>
      %dma_start3A_385 = arith.constant 0 : i32
      %dma_start3A_386 = tpu.memref_slice %arg4[%add3A_135, %dma_start3A_385] : memref<131072x144xf32, #tpu.memory_space<hbm>> -> memref<128x144xf32, #tpu.memory_space<hbm>>
      %dma_start3A_387 = arith.constant 0 : i32
      %dma_start3A_388 = tpu.memref_slice %arg4[%add3A_135, %dma_start3A_387] : memref<131072x144xf32, #tpu.memory_space<hbm>> -> memref<128x144xf32, #tpu.memory_space<hbm>>
      tpu.enqueue_dma source(%arg7 : memref<128x144xf32, #tpu.memory_space<vmem>>) target(%dma_start3A_388 : memref<128x144xf32, #tpu.memory_space<hbm>>) target_semaphore(%run_scoped3A : memref<!tpu.dma_semaphore, #tpu.memory_space<semaphore_mem>>)
      %dma_wait3A_389 = arith.constant 0 : i32
      %dma_wait3A_390 = tpu.memref_slice %arg4[%add3A_135, %dma_wait3A_389] : memref<131072x144xf32, #tpu.memory_space<hbm>> -> memref<128x144xf32, #tpu.memory_space<hbm>>
      %dma_wait3A_391 = arith.constant 0 : i32
      %dma_wait3A_392 = tpu.memref_slice %arg4[%add3A_135, %dma_wait3A_391] : memref<131072x144xf32, #tpu.memory_space<hbm>> -> memref<128x144xf32, #tpu.memory_space<hbm>>
      tpu.wait_dma2 semaphore(%run_scoped3A : memref<!tpu.dma_semaphore, #tpu.memory_space<semaphore_mem>>) src(%arg7 : memref<128x144xf32, #tpu.memory_space<vmem>>) dst(%dma_wait3A_392 : memref<128x144xf32, #tpu.memory_space<hbm>>)
      tpu.yield
    }) : () -> ()
    %dma_start3A_136 = arith.constant 1664 : i32
    %dma_start3A_137 = tpu.memref_slice %arg5[%dma_start3A_136] : memref<4096xi32, #tpu.memory_space<vmem>> -> memref<128xi32, #tpu.memory_space<vmem>>
    %dma_start3A_138 = arith.constant 0 : i32
    %dma_start3A_139 = arith.constant 0 : i32
    %dma_start3A_140 = tpu.memref_slice %arg2[%dma_start3A_138, %dma_start3A_139] : memref<8192x144xf32, #tpu.memory_space<hbm>> -> memref<8192x144xf32, #tpu.memory_space<hbm>>
    tpu.enqueue_indirect_dma source(%dma_start3A_140 : memref<8192x144xf32, #tpu.memory_space<hbm>>) target(%arg7 : memref<128x144xf32, #tpu.memory_space<vmem>>) offsets(%dma_start3A_137 : memref<128xi32, #tpu.memory_space<vmem>>) semaphore(%arg11 : memref<!tpu.dma_semaphore, #tpu.memory_space<semaphore_mem>>)
    %dma_wait3A_141 = arith.constant 1280 : i32
    %dma_wait3A_142 = tpu.memref_slice %arg5[%dma_wait3A_141] : memref<4096xi32, #tpu.memory_space<vmem>> -> memref<128xi32, #tpu.memory_space<vmem>>
    %dma_wait3A_143 = arith.constant 0 : i32
    %dma_wait3A_144 = arith.constant 0 : i32
    %dma_wait3A_145 = tpu.memref_slice %arg2[%dma_wait3A_143, %dma_wait3A_144] : memref<8192x144xf32, #tpu.memory_space<hbm>> -> memref<8192x144xf32, #tpu.memory_space<hbm>>
    tpu.wait_indirect_dma semaphore(%arg12 : memref<!tpu.dma_semaphore, #tpu.memory_space<semaphore_mem>>) src(%dma_wait3A_145 : memref<8192x144xf32, #tpu.memory_space<hbm>>) dst(%arg8 : memref<128x144xf32, #tpu.memory_space<vmem>>)
    %add3A_146 = arith.constant 1280 : i32
    %add3A_147 = arith.addi %mul3A_2, %add3A_146 : i32
    "tpu.region"() ({
      %run_scoped3A = tpu.sem_alloc : memref<!tpu.dma_semaphore, #tpu.memory_space<semaphore_mem>>
      %dma_start3A_385 = arith.constant 0 : i32
      %dma_start3A_386 = tpu.memref_slice %arg4[%add3A_147, %dma_start3A_385] : memref<131072x144xf32, #tpu.memory_space<hbm>> -> memref<128x144xf32, #tpu.memory_space<hbm>>
      %dma_start3A_387 = arith.constant 0 : i32
      %dma_start3A_388 = tpu.memref_slice %arg4[%add3A_147, %dma_start3A_387] : memref<131072x144xf32, #tpu.memory_space<hbm>> -> memref<128x144xf32, #tpu.memory_space<hbm>>
      tpu.enqueue_dma source(%arg8 : memref<128x144xf32, #tpu.memory_space<vmem>>) target(%dma_start3A_388 : memref<128x144xf32, #tpu.memory_space<hbm>>) target_semaphore(%run_scoped3A : memref<!tpu.dma_semaphore, #tpu.memory_space<semaphore_mem>>)
      %dma_wait3A_389 = arith.constant 0 : i32
      %dma_wait3A_390 = tpu.memref_slice %arg4[%add3A_147, %dma_wait3A_389] : memref<131072x144xf32, #tpu.memory_space<hbm>> -> memref<128x144xf32, #tpu.memory_space<hbm>>
      %dma_wait3A_391 = arith.constant 0 : i32
      %dma_wait3A_392 = tpu.memref_slice %arg4[%add3A_147, %dma_wait3A_391] : memref<131072x144xf32, #tpu.memory_space<hbm>> -> memref<128x144xf32, #tpu.memory_space<hbm>>
      tpu.wait_dma2 semaphore(%run_scoped3A : memref<!tpu.dma_semaphore, #tpu.memory_space<semaphore_mem>>) src(%arg8 : memref<128x144xf32, #tpu.memory_space<vmem>>) dst(%dma_wait3A_392 : memref<128x144xf32, #tpu.memory_space<hbm>>)
      tpu.yield
    }) : () -> ()
    %dma_start3A_148 = arith.constant 1792 : i32
    %dma_start3A_149 = tpu.memref_slice %arg5[%dma_start3A_148] : memref<4096xi32, #tpu.memory_space<vmem>> -> memref<128xi32, #tpu.memory_space<vmem>>
    %dma_start3A_150 = arith.constant 0 : i32
    %dma_start3A_151 = arith.constant 0 : i32
    %dma_start3A_152 = tpu.memref_slice %arg2[%dma_start3A_150, %dma_start3A_151] : memref<8192x144xf32, #tpu.memory_space<hbm>> -> memref<8192x144xf32, #tpu.memory_space<hbm>>
    tpu.enqueue_indirect_dma source(%dma_start3A_152 : memref<8192x144xf32, #tpu.memory_space<hbm>>) target(%arg8 : memref<128x144xf32, #tpu.memory_space<vmem>>) offsets(%dma_start3A_149 : memref<128xi32, #tpu.memory_space<vmem>>) semaphore(%arg12 : memref<!tpu.dma_semaphore, #tpu.memory_space<semaphore_mem>>)
    %dma_wait3A_153 = arith.constant 1408 : i32
    %dma_wait3A_154 = tpu.memref_slice %arg5[%dma_wait3A_153] : memref<4096xi32, #tpu.memory_space<vmem>> -> memref<128xi32, #tpu.memory_space<vmem>>
    %dma_wait3A_155 = arith.constant 0 : i32
    %dma_wait3A_156 = arith.constant 0 : i32
    %dma_wait3A_157 = tpu.memref_slice %arg2[%dma_wait3A_155, %dma_wait3A_156] : memref<8192x144xf32, #tpu.memory_space<hbm>> -> memref<8192x144xf32, #tpu.memory_space<hbm>>
    tpu.wait_indirect_dma semaphore(%arg13 : memref<!tpu.dma_semaphore, #tpu.memory_space<semaphore_mem>>) src(%dma_wait3A_157 : memref<8192x144xf32, #tpu.memory_space<hbm>>) dst(%arg9 : memref<128x144xf32, #tpu.memory_space<vmem>>)
    %add3A_158 = arith.constant 1408 : i32
    %add3A_159 = arith.addi %mul3A_2, %add3A_158 : i32
    "tpu.region"() ({
      %run_scoped3A = tpu.sem_alloc : memref<!tpu.dma_semaphore, #tpu.memory_space<semaphore_mem>>
      %dma_start3A_385 = arith.constant 0 : i32
      %dma_start3A_386 = tpu.memref_slice %arg4[%add3A_159, %dma_start3A_385] : memref<131072x144xf32, #tpu.memory_space<hbm>> -> memref<128x144xf32, #tpu.memory_space<hbm>>
      %dma_start3A_387 = arith.constant 0 : i32
      %dma_start3A_388 = tpu.memref_slice %arg4[%add3A_159, %dma_start3A_387] : memref<131072x144xf32, #tpu.memory_space<hbm>> -> memref<128x144xf32, #tpu.memory_space<hbm>>
      tpu.enqueue_dma source(%arg9 : memref<128x144xf32, #tpu.memory_space<vmem>>) target(%dma_start3A_388 : memref<128x144xf32, #tpu.memory_space<hbm>>) target_semaphore(%run_scoped3A : memref<!tpu.dma_semaphore, #tpu.memory_space<semaphore_mem>>)
      %dma_wait3A_389 = arith.constant 0 : i32
      %dma_wait3A_390 = tpu.memref_slice %arg4[%add3A_159, %dma_wait3A_389] : memref<131072x144xf32, #tpu.memory_space<hbm>> -> memref<128x144xf32, #tpu.memory_space<hbm>>
      %dma_wait3A_391 = arith.constant 0 : i32
      %dma_wait3A_392 = tpu.memref_slice %arg4[%add3A_159, %dma_wait3A_391] : memref<131072x144xf32, #tpu.memory_space<hbm>> -> memref<128x144xf32, #tpu.memory_space<hbm>>
      tpu.wait_dma2 semaphore(%run_scoped3A : memref<!tpu.dma_semaphore, #tpu.memory_space<semaphore_mem>>) src(%arg9 : memref<128x144xf32, #tpu.memory_space<vmem>>) dst(%dma_wait3A_392 : memref<128x144xf32, #tpu.memory_space<hbm>>)
      tpu.yield
    }) : () -> ()
    %dma_start3A_160 = arith.constant 1920 : i32
    %dma_start3A_161 = tpu.memref_slice %arg5[%dma_start3A_160] : memref<4096xi32, #tpu.memory_space<vmem>> -> memref<128xi32, #tpu.memory_space<vmem>>
    %dma_start3A_162 = arith.constant 0 : i32
    %dma_start3A_163 = arith.constant 0 : i32
    %dma_start3A_164 = tpu.memref_slice %arg2[%dma_start3A_162, %dma_start3A_163] : memref<8192x144xf32, #tpu.memory_space<hbm>> -> memref<8192x144xf32, #tpu.memory_space<hbm>>
    tpu.enqueue_indirect_dma source(%dma_start3A_164 : memref<8192x144xf32, #tpu.memory_space<hbm>>) target(%arg9 : memref<128x144xf32, #tpu.memory_space<vmem>>) offsets(%dma_start3A_161 : memref<128xi32, #tpu.memory_space<vmem>>) semaphore(%arg13 : memref<!tpu.dma_semaphore, #tpu.memory_space<semaphore_mem>>)
    %dma_wait3A_165 = arith.constant 1536 : i32
    %dma_wait3A_166 = tpu.memref_slice %arg5[%dma_wait3A_165] : memref<4096xi32, #tpu.memory_space<vmem>> -> memref<128xi32, #tpu.memory_space<vmem>>
    %dma_wait3A_167 = arith.constant 0 : i32
    %dma_wait3A_168 = arith.constant 0 : i32
    %dma_wait3A_169 = tpu.memref_slice %arg2[%dma_wait3A_167, %dma_wait3A_168] : memref<8192x144xf32, #tpu.memory_space<hbm>> -> memref<8192x144xf32, #tpu.memory_space<hbm>>
    tpu.wait_indirect_dma semaphore(%arg10 : memref<!tpu.dma_semaphore, #tpu.memory_space<semaphore_mem>>) src(%dma_wait3A_169 : memref<8192x144xf32, #tpu.memory_space<hbm>>) dst(%arg6 : memref<128x144xf32, #tpu.memory_space<vmem>>)
    %add3A_170 = arith.constant 1536 : i32
    %add3A_171 = arith.addi %mul3A_2, %add3A_170 : i32
    "tpu.region"() ({
      %run_scoped3A = tpu.sem_alloc : memref<!tpu.dma_semaphore, #tpu.memory_space<semaphore_mem>>
      %dma_start3A_385 = arith.constant 0 : i32
      %dma_start3A_386 = tpu.memref_slice %arg4[%add3A_171, %dma_start3A_385] : memref<131072x144xf32, #tpu.memory_space<hbm>> -> memref<128x144xf32, #tpu.memory_space<hbm>>
      %dma_start3A_387 = arith.constant 0 : i32
      %dma_start3A_388 = tpu.memref_slice %arg4[%add3A_171, %dma_start3A_387] : memref<131072x144xf32, #tpu.memory_space<hbm>> -> memref<128x144xf32, #tpu.memory_space<hbm>>
      tpu.enqueue_dma source(%arg6 : memref<128x144xf32, #tpu.memory_space<vmem>>) target(%dma_start3A_388 : memref<128x144xf32, #tpu.memory_space<hbm>>) target_semaphore(%run_scoped3A : memref<!tpu.dma_semaphore, #tpu.memory_space<semaphore_mem>>)
      %dma_wait3A_389 = arith.constant 0 : i32
      %dma_wait3A_390 = tpu.memref_slice %arg4[%add3A_171, %dma_wait3A_389] : memref<131072x144xf32, #tpu.memory_space<hbm>> -> memref<128x144xf32, #tpu.memory_space<hbm>>
      %dma_wait3A_391 = arith.constant 0 : i32
      %dma_wait3A_392 = tpu.memref_slice %arg4[%add3A_171, %dma_wait3A_391] : memref<131072x144xf32, #tpu.memory_space<hbm>> -> memref<128x144xf32, #tpu.memory_space<hbm>>
      tpu.wait_dma2 semaphore(%run_scoped3A : memref<!tpu.dma_semaphore, #tpu.memory_space<semaphore_mem>>) src(%arg6 : memref<128x144xf32, #tpu.memory_space<vmem>>) dst(%dma_wait3A_392 : memref<128x144xf32, #tpu.memory_space<hbm>>)
      tpu.yield
    }) : () -> ()
    %dma_start3A_172 = arith.constant 2048 : i32
    %dma_start3A_173 = tpu.memref_slice %arg5[%dma_start3A_172] : memref<4096xi32, #tpu.memory_space<vmem>> -> memref<128xi32, #tpu.memory_space<vmem>>
    %dma_start3A_174 = arith.constant 0 : i32
    %dma_start3A_175 = arith.constant 0 : i32
    %dma_start3A_176 = tpu.memref_slice %arg2[%dma_start3A_174, %dma_start3A_175] : memref<8192x144xf32, #tpu.memory_space<hbm>> -> memref<8192x144xf32, #tpu.memory_space<hbm>>
    tpu.enqueue_indirect_dma source(%dma_start3A_176 : memref<8192x144xf32, #tpu.memory_space<hbm>>) target(%arg6 : memref<128x144xf32, #tpu.memory_space<vmem>>) offsets(%dma_start3A_173 : memref<128xi32, #tpu.memory_space<vmem>>) semaphore(%arg10 : memref<!tpu.dma_semaphore, #tpu.memory_space<semaphore_mem>>)
    %dma_wait3A_177 = arith.constant 1664 : i32
    %dma_wait3A_178 = tpu.memref_slice %arg5[%dma_wait3A_177] : memref<4096xi32, #tpu.memory_space<vmem>> -> memref<128xi32, #tpu.memory_space<vmem>>
    %dma_wait3A_179 = arith.constant 0 : i32
    %dma_wait3A_180 = arith.constant 0 : i32
    %dma_wait3A_181 = tpu.memref_slice %arg2[%dma_wait3A_179, %dma_wait3A_180] : memref<8192x144xf32, #tpu.memory_space<hbm>> -> memref<8192x144xf32, #tpu.memory_space<hbm>>
    tpu.wait_indirect_dma semaphore(%arg11 : memref<!tpu.dma_semaphore, #tpu.memory_space<semaphore_mem>>) src(%dma_wait3A_181 : memref<8192x144xf32, #tpu.memory_space<hbm>>) dst(%arg7 : memref<128x144xf32, #tpu.memory_space<vmem>>)
    %add3A_182 = arith.constant 1664 : i32
    %add3A_183 = arith.addi %mul3A_2, %add3A_182 : i32
    "tpu.region"() ({
      %run_scoped3A = tpu.sem_alloc : memref<!tpu.dma_semaphore, #tpu.memory_space<semaphore_mem>>
      %dma_start3A_385 = arith.constant 0 : i32
      %dma_start3A_386 = tpu.memref_slice %arg4[%add3A_183, %dma_start3A_385] : memref<131072x144xf32, #tpu.memory_space<hbm>> -> memref<128x144xf32, #tpu.memory_space<hbm>>
      %dma_start3A_387 = arith.constant 0 : i32
      %dma_start3A_388 = tpu.memref_slice %arg4[%add3A_183, %dma_start3A_387] : memref<131072x144xf32, #tpu.memory_space<hbm>> -> memref<128x144xf32, #tpu.memory_space<hbm>>
      tpu.enqueue_dma source(%arg7 : memref<128x144xf32, #tpu.memory_space<vmem>>) target(%dma_start3A_388 : memref<128x144xf32, #tpu.memory_space<hbm>>) target_semaphore(%run_scoped3A : memref<!tpu.dma_semaphore, #tpu.memory_space<semaphore_mem>>)
      %dma_wait3A_389 = arith.constant 0 : i32
      %dma_wait3A_390 = tpu.memref_slice %arg4[%add3A_183, %dma_wait3A_389] : memref<131072x144xf32, #tpu.memory_space<hbm>> -> memref<128x144xf32, #tpu.memory_space<hbm>>
      %dma_wait3A_391 = arith.constant 0 : i32
      %dma_wait3A_392 = tpu.memref_slice %arg4[%add3A_183, %dma_wait3A_391] : memref<131072x144xf32, #tpu.memory_space<hbm>> -> memref<128x144xf32, #tpu.memory_space<hbm>>
      tpu.wait_dma2 semaphore(%run_scoped3A : memref<!tpu.dma_semaphore, #tpu.memory_space<semaphore_mem>>) src(%arg7 : memref<128x144xf32, #tpu.memory_space<vmem>>) dst(%dma_wait3A_392 : memref<128x144xf32, #tpu.memory_space<hbm>>)
      tpu.yield
    }) : () -> ()
    %dma_start3A_184 = arith.constant 2176 : i32
    %dma_start3A_185 = tpu.memref_slice %arg5[%dma_start3A_184] : memref<4096xi32, #tpu.memory_space<vmem>> -> memref<128xi32, #tpu.memory_space<vmem>>
    %dma_start3A_186 = arith.constant 0 : i32
    %dma_start3A_187 = arith.constant 0 : i32
    %dma_start3A_188 = tpu.memref_slice %arg2[%dma_start3A_186, %dma_start3A_187] : memref<8192x144xf32, #tpu.memory_space<hbm>> -> memref<8192x144xf32, #tpu.memory_space<hbm>>
    tpu.enqueue_indirect_dma source(%dma_start3A_188 : memref<8192x144xf32, #tpu.memory_space<hbm>>) target(%arg7 : memref<128x144xf32, #tpu.memory_space<vmem>>) offsets(%dma_start3A_185 : memref<128xi32, #tpu.memory_space<vmem>>) semaphore(%arg11 : memref<!tpu.dma_semaphore, #tpu.memory_space<semaphore_mem>>)
    %dma_wait3A_189 = arith.constant 1792 : i32
    %dma_wait3A_190 = tpu.memref_slice %arg5[%dma_wait3A_189] : memref<4096xi32, #tpu.memory_space<vmem>> -> memref<128xi32, #tpu.memory_space<vmem>>
    %dma_wait3A_191 = arith.constant 0 : i32
    %dma_wait3A_192 = arith.constant 0 : i32
    %dma_wait3A_193 = tpu.memref_slice %arg2[%dma_wait3A_191, %dma_wait3A_192] : memref<8192x144xf32, #tpu.memory_space<hbm>> -> memref<8192x144xf32, #tpu.memory_space<hbm>>
    tpu.wait_indirect_dma semaphore(%arg12 : memref<!tpu.dma_semaphore, #tpu.memory_space<semaphore_mem>>) src(%dma_wait3A_193 : memref<8192x144xf32, #tpu.memory_space<hbm>>) dst(%arg8 : memref<128x144xf32, #tpu.memory_space<vmem>>)
    %add3A_194 = arith.constant 1792 : i32
    %add3A_195 = arith.addi %mul3A_2, %add3A_194 : i32
    "tpu.region"() ({
      %run_scoped3A = tpu.sem_alloc : memref<!tpu.dma_semaphore, #tpu.memory_space<semaphore_mem>>
      %dma_start3A_385 = arith.constant 0 : i32
      %dma_start3A_386 = tpu.memref_slice %arg4[%add3A_195, %dma_start3A_385] : memref<131072x144xf32, #tpu.memory_space<hbm>> -> memref<128x144xf32, #tpu.memory_space<hbm>>
      %dma_start3A_387 = arith.constant 0 : i32
      %dma_start3A_388 = tpu.memref_slice %arg4[%add3A_195, %dma_start3A_387] : memref<131072x144xf32, #tpu.memory_space<hbm>> -> memref<128x144xf32, #tpu.memory_space<hbm>>
      tpu.enqueue_dma source(%arg8 : memref<128x144xf32, #tpu.memory_space<vmem>>) target(%dma_start3A_388 : memref<128x144xf32, #tpu.memory_space<hbm>>) target_semaphore(%run_scoped3A : memref<!tpu.dma_semaphore, #tpu.memory_space<semaphore_mem>>)
      %dma_wait3A_389 = arith.constant 0 : i32
      %dma_wait3A_390 = tpu.memref_slice %arg4[%add3A_195, %dma_wait3A_389] : memref<131072x144xf32, #tpu.memory_space<hbm>> -> memref<128x144xf32, #tpu.memory_space<hbm>>
      %dma_wait3A_391 = arith.constant 0 : i32
      %dma_wait3A_392 = tpu.memref_slice %arg4[%add3A_195, %dma_wait3A_391] : memref<131072x144xf32, #tpu.memory_space<hbm>> -> memref<128x144xf32, #tpu.memory_space<hbm>>
      tpu.wait_dma2 semaphore(%run_scoped3A : memref<!tpu.dma_semaphore, #tpu.memory_space<semaphore_mem>>) src(%arg8 : memref<128x144xf32, #tpu.memory_space<vmem>>) dst(%dma_wait3A_392 : memref<128x144xf32, #tpu.memory_space<hbm>>)
      tpu.yield
    }) : () -> ()
    %dma_start3A_196 = arith.constant 2304 : i32
    %dma_start3A_197 = tpu.memref_slice %arg5[%dma_start3A_196] : memref<4096xi32, #tpu.memory_space<vmem>> -> memref<128xi32, #tpu.memory_space<vmem>>
    %dma_start3A_198 = arith.constant 0 : i32
    %dma_start3A_199 = arith.constant 0 : i32
    %dma_start3A_200 = tpu.memref_slice %arg2[%dma_start3A_198, %dma_start3A_199] : memref<8192x144xf32, #tpu.memory_space<hbm>> -> memref<8192x144xf32, #tpu.memory_space<hbm>>
    tpu.enqueue_indirect_dma source(%dma_start3A_200 : memref<8192x144xf32, #tpu.memory_space<hbm>>) target(%arg8 : memref<128x144xf32, #tpu.memory_space<vmem>>) offsets(%dma_start3A_197 : memref<128xi32, #tpu.memory_space<vmem>>) semaphore(%arg12 : memref<!tpu.dma_semaphore, #tpu.memory_space<semaphore_mem>>)
    %dma_wait3A_201 = arith.constant 1920 : i32
    %dma_wait3A_202 = tpu.memref_slice %arg5[%dma_wait3A_201] : memref<4096xi32, #tpu.memory_space<vmem>> -> memref<128xi32, #tpu.memory_space<vmem>>
    %dma_wait3A_203 = arith.constant 0 : i32
    %dma_wait3A_204 = arith.constant 0 : i32
    %dma_wait3A_205 = tpu.memref_slice %arg2[%dma_wait3A_203, %dma_wait3A_204] : memref<8192x144xf32, #tpu.memory_space<hbm>> -> memref<8192x144xf32, #tpu.memory_space<hbm>>
    tpu.wait_indirect_dma semaphore(%arg13 : memref<!tpu.dma_semaphore, #tpu.memory_space<semaphore_mem>>) src(%dma_wait3A_205 : memref<8192x144xf32, #tpu.memory_space<hbm>>) dst(%arg9 : memref<128x144xf32, #tpu.memory_space<vmem>>)
    %add3A_206 = arith.constant 1920 : i32
    %add3A_207 = arith.addi %mul3A_2, %add3A_206 : i32
    "tpu.region"() ({
      %run_scoped3A = tpu.sem_alloc : memref<!tpu.dma_semaphore, #tpu.memory_space<semaphore_mem>>
      %dma_start3A_385 = arith.constant 0 : i32
      %dma_start3A_386 = tpu.memref_slice %arg4[%add3A_207, %dma_start3A_385] : memref<131072x144xf32, #tpu.memory_space<hbm>> -> memref<128x144xf32, #tpu.memory_space<hbm>>
      %dma_start3A_387 = arith.constant 0 : i32
      %dma_start3A_388 = tpu.memref_slice %arg4[%add3A_207, %dma_start3A_387] : memref<131072x144xf32, #tpu.memory_space<hbm>> -> memref<128x144xf32, #tpu.memory_space<hbm>>
      tpu.enqueue_dma source(%arg9 : memref<128x144xf32, #tpu.memory_space<vmem>>) target(%dma_start3A_388 : memref<128x144xf32, #tpu.memory_space<hbm>>) target_semaphore(%run_scoped3A : memref<!tpu.dma_semaphore, #tpu.memory_space<semaphore_mem>>)
      %dma_wait3A_389 = arith.constant 0 : i32
      %dma_wait3A_390 = tpu.memref_slice %arg4[%add3A_207, %dma_wait3A_389] : memref<131072x144xf32, #tpu.memory_space<hbm>> -> memref<128x144xf32, #tpu.memory_space<hbm>>
      %dma_wait3A_391 = arith.constant 0 : i32
      %dma_wait3A_392 = tpu.memref_slice %arg4[%add3A_207, %dma_wait3A_391] : memref<131072x144xf32, #tpu.memory_space<hbm>> -> memref<128x144xf32, #tpu.memory_space<hbm>>
      tpu.wait_dma2 semaphore(%run_scoped3A : memref<!tpu.dma_semaphore, #tpu.memory_space<semaphore_mem>>) src(%arg9 : memref<128x144xf32, #tpu.memory_space<vmem>>) dst(%dma_wait3A_392 : memref<128x144xf32, #tpu.memory_space<hbm>>)
      tpu.yield
    }) : () -> ()
    %dma_start3A_208 = arith.constant 2432 : i32
    %dma_start3A_209 = tpu.memref_slice %arg5[%dma_start3A_208] : memref<4096xi32, #tpu.memory_space<vmem>> -> memref<128xi32, #tpu.memory_space<vmem>>
    %dma_start3A_210 = arith.constant 0 : i32
    %dma_start3A_211 = arith.constant 0 : i32
    %dma_start3A_212 = tpu.memref_slice %arg2[%dma_start3A_210, %dma_start3A_211] : memref<8192x144xf32, #tpu.memory_space<hbm>> -> memref<8192x144xf32, #tpu.memory_space<hbm>>
    tpu.enqueue_indirect_dma source(%dma_start3A_212 : memref<8192x144xf32, #tpu.memory_space<hbm>>) target(%arg9 : memref<128x144xf32, #tpu.memory_space<vmem>>) offsets(%dma_start3A_209 : memref<128xi32, #tpu.memory_space<vmem>>) semaphore(%arg13 : memref<!tpu.dma_semaphore, #tpu.memory_space<semaphore_mem>>)
    %dma_wait3A_213 = arith.constant 2048 : i32
    %dma_wait3A_214 = tpu.memref_slice %arg5[%dma_wait3A_213] : memref<4096xi32, #tpu.memory_space<vmem>> -> memref<128xi32, #tpu.memory_space<vmem>>
    %dma_wait3A_215 = arith.constant 0 : i32
    %dma_wait3A_216 = arith.constant 0 : i32
    %dma_wait3A_217 = tpu.memref_slice %arg2[%dma_wait3A_215, %dma_wait3A_216] : memref<8192x144xf32, #tpu.memory_space<hbm>> -> memref<8192x144xf32, #tpu.memory_space<hbm>>
    tpu.wait_indirect_dma semaphore(%arg10 : memref<!tpu.dma_semaphore, #tpu.memory_space<semaphore_mem>>) src(%dma_wait3A_217 : memref<8192x144xf32, #tpu.memory_space<hbm>>) dst(%arg6 : memref<128x144xf32, #tpu.memory_space<vmem>>)
    %add3A_218 = arith.constant 2048 : i32
    %add3A_219 = arith.addi %mul3A_2, %add3A_218 : i32
    "tpu.region"() ({
      %run_scoped3A = tpu.sem_alloc : memref<!tpu.dma_semaphore, #tpu.memory_space<semaphore_mem>>
      %dma_start3A_385 = arith.constant 0 : i32
      %dma_start3A_386 = tpu.memref_slice %arg4[%add3A_219, %dma_start3A_385] : memref<131072x144xf32, #tpu.memory_space<hbm>> -> memref<128x144xf32, #tpu.memory_space<hbm>>
      %dma_start3A_387 = arith.constant 0 : i32
      %dma_start3A_388 = tpu.memref_slice %arg4[%add3A_219, %dma_start3A_387] : memref<131072x144xf32, #tpu.memory_space<hbm>> -> memref<128x144xf32, #tpu.memory_space<hbm>>
      tpu.enqueue_dma source(%arg6 : memref<128x144xf32, #tpu.memory_space<vmem>>) target(%dma_start3A_388 : memref<128x144xf32, #tpu.memory_space<hbm>>) target_semaphore(%run_scoped3A : memref<!tpu.dma_semaphore, #tpu.memory_space<semaphore_mem>>)
      %dma_wait3A_389 = arith.constant 0 : i32
      %dma_wait3A_390 = tpu.memref_slice %arg4[%add3A_219, %dma_wait3A_389] : memref<131072x144xf32, #tpu.memory_space<hbm>> -> memref<128x144xf32, #tpu.memory_space<hbm>>
      %dma_wait3A_391 = arith.constant 0 : i32
      %dma_wait3A_392 = tpu.memref_slice %arg4[%add3A_219, %dma_wait3A_391] : memref<131072x144xf32, #tpu.memory_space<hbm>> -> memref<128x144xf32, #tpu.memory_space<hbm>>
      tpu.wait_dma2 semaphore(%run_scoped3A : memref<!tpu.dma_semaphore, #tpu.memory_space<semaphore_mem>>) src(%arg6 : memref<128x144xf32, #tpu.memory_space<vmem>>) dst(%dma_wait3A_392 : memref<128x144xf32, #tpu.memory_space<hbm>>)
      tpu.yield
    }) : () -> ()
    %dma_start3A_220 = arith.constant 2560 : i32
    %dma_start3A_221 = tpu.memref_slice %arg5[%dma_start3A_220] : memref<4096xi32, #tpu.memory_space<vmem>> -> memref<128xi32, #tpu.memory_space<vmem>>
    %dma_start3A_222 = arith.constant 0 : i32
    %dma_start3A_223 = arith.constant 0 : i32
    %dma_start3A_224 = tpu.memref_slice %arg2[%dma_start3A_222, %dma_start3A_223] : memref<8192x144xf32, #tpu.memory_space<hbm>> -> memref<8192x144xf32, #tpu.memory_space<hbm>>
    tpu.enqueue_indirect_dma source(%dma_start3A_224 : memref<8192x144xf32, #tpu.memory_space<hbm>>) target(%arg6 : memref<128x144xf32, #tpu.memory_space<vmem>>) offsets(%dma_start3A_221 : memref<128xi32, #tpu.memory_space<vmem>>) semaphore(%arg10 : memref<!tpu.dma_semaphore, #tpu.memory_space<semaphore_mem>>)
    %dma_wait3A_225 = arith.constant 2176 : i32
    %dma_wait3A_226 = tpu.memref_slice %arg5[%dma_wait3A_225] : memref<4096xi32, #tpu.memory_space<vmem>> -> memref<128xi32, #tpu.memory_space<vmem>>
    %dma_wait3A_227 = arith.constant 0 : i32
    %dma_wait3A_228 = arith.constant 0 : i32
    %dma_wait3A_229 = tpu.memref_slice %arg2[%dma_wait3A_227, %dma_wait3A_228] : memref<8192x144xf32, #tpu.memory_space<hbm>> -> memref<8192x144xf32, #tpu.memory_space<hbm>>
    tpu.wait_indirect_dma semaphore(%arg11 : memref<!tpu.dma_semaphore, #tpu.memory_space<semaphore_mem>>) src(%dma_wait3A_229 : memref<8192x144xf32, #tpu.memory_space<hbm>>) dst(%arg7 : memref<128x144xf32, #tpu.memory_space<vmem>>)
    %add3A_230 = arith.constant 2176 : i32
    %add3A_231 = arith.addi %mul3A_2, %add3A_230 : i32
    "tpu.region"() ({
      %run_scoped3A = tpu.sem_alloc : memref<!tpu.dma_semaphore, #tpu.memory_space<semaphore_mem>>
      %dma_start3A_385 = arith.constant 0 : i32
      %dma_start3A_386 = tpu.memref_slice %arg4[%add3A_231, %dma_start3A_385] : memref<131072x144xf32, #tpu.memory_space<hbm>> -> memref<128x144xf32, #tpu.memory_space<hbm>>
      %dma_start3A_387 = arith.constant 0 : i32
      %dma_start3A_388 = tpu.memref_slice %arg4[%add3A_231, %dma_start3A_387] : memref<131072x144xf32, #tpu.memory_space<hbm>> -> memref<128x144xf32, #tpu.memory_space<hbm>>
      tpu.enqueue_dma source(%arg7 : memref<128x144xf32, #tpu.memory_space<vmem>>) target(%dma_start3A_388 : memref<128x144xf32, #tpu.memory_space<hbm>>) target_semaphore(%run_scoped3A : memref<!tpu.dma_semaphore, #tpu.memory_space<semaphore_mem>>)
      %dma_wait3A_389 = arith.constant 0 : i32
      %dma_wait3A_390 = tpu.memref_slice %arg4[%add3A_231, %dma_wait3A_389] : memref<131072x144xf32, #tpu.memory_space<hbm>> -> memref<128x144xf32, #tpu.memory_space<hbm>>
      %dma_wait3A_391 = arith.constant 0 : i32
      %dma_wait3A_392 = tpu.memref_slice %arg4[%add3A_231, %dma_wait3A_391] : memref<131072x144xf32, #tpu.memory_space<hbm>> -> memref<128x144xf32, #tpu.memory_space<hbm>>
      tpu.wait_dma2 semaphore(%run_scoped3A : memref<!tpu.dma_semaphore, #tpu.memory_space<semaphore_mem>>) src(%arg7 : memref<128x144xf32, #tpu.memory_space<vmem>>) dst(%dma_wait3A_392 : memref<128x144xf32, #tpu.memory_space<hbm>>)
      tpu.yield
    }) : () -> ()
    %dma_start3A_232 = arith.constant 2688 : i32
    %dma_start3A_233 = tpu.memref_slice %arg5[%dma_start3A_232] : memref<4096xi32, #tpu.memory_space<vmem>> -> memref<128xi32, #tpu.memory_space<vmem>>
    %dma_start3A_234 = arith.constant 0 : i32
    %dma_start3A_235 = arith.constant 0 : i32
    %dma_start3A_236 = tpu.memref_slice %arg2[%dma_start3A_234, %dma_start3A_235] : memref<8192x144xf32, #tpu.memory_space<hbm>> -> memref<8192x144xf32, #tpu.memory_space<hbm>>
    tpu.enqueue_indirect_dma source(%dma_start3A_236 : memref<8192x144xf32, #tpu.memory_space<hbm>>) target(%arg7 : memref<128x144xf32, #tpu.memory_space<vmem>>) offsets(%dma_start3A_233 : memref<128xi32, #tpu.memory_space<vmem>>) semaphore(%arg11 : memref<!tpu.dma_semaphore, #tpu.memory_space<semaphore_mem>>)
    %dma_wait3A_237 = arith.constant 2304 : i32
    %dma_wait3A_238 = tpu.memref_slice %arg5[%dma_wait3A_237] : memref<4096xi32, #tpu.memory_space<vmem>> -> memref<128xi32, #tpu.memory_space<vmem>>
    %dma_wait3A_239 = arith.constant 0 : i32
    %dma_wait3A_240 = arith.constant 0 : i32
    %dma_wait3A_241 = tpu.memref_slice %arg2[%dma_wait3A_239, %dma_wait3A_240] : memref<8192x144xf32, #tpu.memory_space<hbm>> -> memref<8192x144xf32, #tpu.memory_space<hbm>>
    tpu.wait_indirect_dma semaphore(%arg12 : memref<!tpu.dma_semaphore, #tpu.memory_space<semaphore_mem>>) src(%dma_wait3A_241 : memref<8192x144xf32, #tpu.memory_space<hbm>>) dst(%arg8 : memref<128x144xf32, #tpu.memory_space<vmem>>)
    %add3A_242 = arith.constant 2304 : i32
    %add3A_243 = arith.addi %mul3A_2, %add3A_242 : i32
    "tpu.region"() ({
      %run_scoped3A = tpu.sem_alloc : memref<!tpu.dma_semaphore, #tpu.memory_space<semaphore_mem>>
      %dma_start3A_385 = arith.constant 0 : i32
      %dma_start3A_386 = tpu.memref_slice %arg4[%add3A_243, %dma_start3A_385] : memref<131072x144xf32, #tpu.memory_space<hbm>> -> memref<128x144xf32, #tpu.memory_space<hbm>>
      %dma_start3A_387 = arith.constant 0 : i32
      %dma_start3A_388 = tpu.memref_slice %arg4[%add3A_243, %dma_start3A_387] : memref<131072x144xf32, #tpu.memory_space<hbm>> -> memref<128x144xf32, #tpu.memory_space<hbm>>
      tpu.enqueue_dma source(%arg8 : memref<128x144xf32, #tpu.memory_space<vmem>>) target(%dma_start3A_388 : memref<128x144xf32, #tpu.memory_space<hbm>>) target_semaphore(%run_scoped3A : memref<!tpu.dma_semaphore, #tpu.memory_space<semaphore_mem>>)
      %dma_wait3A_389 = arith.constant 0 : i32
      %dma_wait3A_390 = tpu.memref_slice %arg4[%add3A_243, %dma_wait3A_389] : memref<131072x144xf32, #tpu.memory_space<hbm>> -> memref<128x144xf32, #tpu.memory_space<hbm>>
      %dma_wait3A_391 = arith.constant 0 : i32
      %dma_wait3A_392 = tpu.memref_slice %arg4[%add3A_243, %dma_wait3A_391] : memref<131072x144xf32, #tpu.memory_space<hbm>> -> memref<128x144xf32, #tpu.memory_space<hbm>>
      tpu.wait_dma2 semaphore(%run_scoped3A : memref<!tpu.dma_semaphore, #tpu.memory_space<semaphore_mem>>) src(%arg8 : memref<128x144xf32, #tpu.memory_space<vmem>>) dst(%dma_wait3A_392 : memref<128x144xf32, #tpu.memory_space<hbm>>)
      tpu.yield
    }) : () -> ()
    %dma_start3A_244 = arith.constant 2816 : i32
    %dma_start3A_245 = tpu.memref_slice %arg5[%dma_start3A_244] : memref<4096xi32, #tpu.memory_space<vmem>> -> memref<128xi32, #tpu.memory_space<vmem>>
    %dma_start3A_246 = arith.constant 0 : i32
    %dma_start3A_247 = arith.constant 0 : i32
    %dma_start3A_248 = tpu.memref_slice %arg2[%dma_start3A_246, %dma_start3A_247] : memref<8192x144xf32, #tpu.memory_space<hbm>> -> memref<8192x144xf32, #tpu.memory_space<hbm>>
    tpu.enqueue_indirect_dma source(%dma_start3A_248 : memref<8192x144xf32, #tpu.memory_space<hbm>>) target(%arg8 : memref<128x144xf32, #tpu.memory_space<vmem>>) offsets(%dma_start3A_245 : memref<128xi32, #tpu.memory_space<vmem>>) semaphore(%arg12 : memref<!tpu.dma_semaphore, #tpu.memory_space<semaphore_mem>>)
    %dma_wait3A_249 = arith.constant 2432 : i32
    %dma_wait3A_250 = tpu.memref_slice %arg5[%dma_wait3A_249] : memref<4096xi32, #tpu.memory_space<vmem>> -> memref<128xi32, #tpu.memory_space<vmem>>
    %dma_wait3A_251 = arith.constant 0 : i32
    %dma_wait3A_252 = arith.constant 0 : i32
    %dma_wait3A_253 = tpu.memref_slice %arg2[%dma_wait3A_251, %dma_wait3A_252] : memref<8192x144xf32, #tpu.memory_space<hbm>> -> memref<8192x144xf32, #tpu.memory_space<hbm>>
    tpu.wait_indirect_dma semaphore(%arg13 : memref<!tpu.dma_semaphore, #tpu.memory_space<semaphore_mem>>) src(%dma_wait3A_253 : memref<8192x144xf32, #tpu.memory_space<hbm>>) dst(%arg9 : memref<128x144xf32, #tpu.memory_space<vmem>>)
    %add3A_254 = arith.constant 2432 : i32
    %add3A_255 = arith.addi %mul3A_2, %add3A_254 : i32
    "tpu.region"() ({
      %run_scoped3A = tpu.sem_alloc : memref<!tpu.dma_semaphore, #tpu.memory_space<semaphore_mem>>
      %dma_start3A_385 = arith.constant 0 : i32
      %dma_start3A_386 = tpu.memref_slice %arg4[%add3A_255, %dma_start3A_385] : memref<131072x144xf32, #tpu.memory_space<hbm>> -> memref<128x144xf32, #tpu.memory_space<hbm>>
      %dma_start3A_387 = arith.constant 0 : i32
      %dma_start3A_388 = tpu.memref_slice %arg4[%add3A_255, %dma_start3A_387] : memref<131072x144xf32, #tpu.memory_space<hbm>> -> memref<128x144xf32, #tpu.memory_space<hbm>>
      tpu.enqueue_dma source(%arg9 : memref<128x144xf32, #tpu.memory_space<vmem>>) target(%dma_start3A_388 : memref<128x144xf32, #tpu.memory_space<hbm>>) target_semaphore(%run_scoped3A : memref<!tpu.dma_semaphore, #tpu.memory_space<semaphore_mem>>)
      %dma_wait3A_389 = arith.constant 0 : i32
      %dma_wait3A_390 = tpu.memref_slice %arg4[%add3A_255, %dma_wait3A_389] : memref<131072x144xf32, #tpu.memory_space<hbm>> -> memref<128x144xf32, #tpu.memory_space<hbm>>
      %dma_wait3A_391 = arith.constant 0 : i32
      %dma_wait3A_392 = tpu.memref_slice %arg4[%add3A_255, %dma_wait3A_391] : memref<131072x144xf32, #tpu.memory_space<hbm>> -> memref<128x144xf32, #tpu.memory_space<hbm>>
      tpu.wait_dma2 semaphore(%run_scoped3A : memref<!tpu.dma_semaphore, #tpu.memory_space<semaphore_mem>>) src(%arg9 : memref<128x144xf32, #tpu.memory_space<vmem>>) dst(%dma_wait3A_392 : memref<128x144xf32, #tpu.memory_space<hbm>>)
      tpu.yield
    }) : () -> ()
    %dma_start3A_256 = arith.constant 2944 : i32
    %dma_start3A_257 = tpu.memref_slice %arg5[%dma_start3A_256] : memref<4096xi32, #tpu.memory_space<vmem>> -> memref<128xi32, #tpu.memory_space<vmem>>
    %dma_start3A_258 = arith.constant 0 : i32
    %dma_start3A_259 = arith.constant 0 : i32
    %dma_start3A_260 = tpu.memref_slice %arg2[%dma_start3A_258, %dma_start3A_259] : memref<8192x144xf32, #tpu.memory_space<hbm>> -> memref<8192x144xf32, #tpu.memory_space<hbm>>
    tpu.enqueue_indirect_dma source(%dma_start3A_260 : memref<8192x144xf32, #tpu.memory_space<hbm>>) target(%arg9 : memref<128x144xf32, #tpu.memory_space<vmem>>) offsets(%dma_start3A_257 : memref<128xi32, #tpu.memory_space<vmem>>) semaphore(%arg13 : memref<!tpu.dma_semaphore, #tpu.memory_space<semaphore_mem>>)
    %dma_wait3A_261 = arith.constant 2560 : i32
    %dma_wait3A_262 = tpu.memref_slice %arg5[%dma_wait3A_261] : memref<4096xi32, #tpu.memory_space<vmem>> -> memref<128xi32, #tpu.memory_space<vmem>>
    %dma_wait3A_263 = arith.constant 0 : i32
    %dma_wait3A_264 = arith.constant 0 : i32
    %dma_wait3A_265 = tpu.memref_slice %arg2[%dma_wait3A_263, %dma_wait3A_264] : memref<8192x144xf32, #tpu.memory_space<hbm>> -> memref<8192x144xf32, #tpu.memory_space<hbm>>
    tpu.wait_indirect_dma semaphore(%arg10 : memref<!tpu.dma_semaphore, #tpu.memory_space<semaphore_mem>>) src(%dma_wait3A_265 : memref<8192x144xf32, #tpu.memory_space<hbm>>) dst(%arg6 : memref<128x144xf32, #tpu.memory_space<vmem>>)
    %add3A_266 = arith.constant 2560 : i32
    %add3A_267 = arith.addi %mul3A_2, %add3A_266 : i32
    "tpu.region"() ({
      %run_scoped3A = tpu.sem_alloc : memref<!tpu.dma_semaphore, #tpu.memory_space<semaphore_mem>>
      %dma_start3A_385 = arith.constant 0 : i32
      %dma_start3A_386 = tpu.memref_slice %arg4[%add3A_267, %dma_start3A_385] : memref<131072x144xf32, #tpu.memory_space<hbm>> -> memref<128x144xf32, #tpu.memory_space<hbm>>
      %dma_start3A_387 = arith.constant 0 : i32
      %dma_start3A_388 = tpu.memref_slice %arg4[%add3A_267, %dma_start3A_387] : memref<131072x144xf32, #tpu.memory_space<hbm>> -> memref<128x144xf32, #tpu.memory_space<hbm>>
      tpu.enqueue_dma source(%arg6 : memref<128x144xf32, #tpu.memory_space<vmem>>) target(%dma_start3A_388 : memref<128x144xf32, #tpu.memory_space<hbm>>) target_semaphore(%run_scoped3A : memref<!tpu.dma_semaphore, #tpu.memory_space<semaphore_mem>>)
      %dma_wait3A_389 = arith.constant 0 : i32
      %dma_wait3A_390 = tpu.memref_slice %arg4[%add3A_267, %dma_wait3A_389] : memref<131072x144xf32, #tpu.memory_space<hbm>> -> memref<128x144xf32, #tpu.memory_space<hbm>>
      %dma_wait3A_391 = arith.constant 0 : i32
      %dma_wait3A_392 = tpu.memref_slice %arg4[%add3A_267, %dma_wait3A_391] : memref<131072x144xf32, #tpu.memory_space<hbm>> -> memref<128x144xf32, #tpu.memory_space<hbm>>
      tpu.wait_dma2 semaphore(%run_scoped3A : memref<!tpu.dma_semaphore, #tpu.memory_space<semaphore_mem>>) src(%arg6 : memref<128x144xf32, #tpu.memory_space<vmem>>) dst(%dma_wait3A_392 : memref<128x144xf32, #tpu.memory_space<hbm>>)
      tpu.yield
    }) : () -> ()
    %dma_start3A_268 = arith.constant 3072 : i32
    %dma_start3A_269 = tpu.memref_slice %arg5[%dma_start3A_268] : memref<4096xi32, #tpu.memory_space<vmem>> -> memref<128xi32, #tpu.memory_space<vmem>>
    %dma_start3A_270 = arith.constant 0 : i32
    %dma_start3A_271 = arith.constant 0 : i32
    %dma_start3A_272 = tpu.memref_slice %arg2[%dma_start3A_270, %dma_start3A_271] : memref<8192x144xf32, #tpu.memory_space<hbm>> -> memref<8192x144xf32, #tpu.memory_space<hbm>>
    tpu.enqueue_indirect_dma source(%dma_start3A_272 : memref<8192x144xf32, #tpu.memory_space<hbm>>) target(%arg6 : memref<128x144xf32, #tpu.memory_space<vmem>>) offsets(%dma_start3A_269 : memref<128xi32, #tpu.memory_space<vmem>>) semaphore(%arg10 : memref<!tpu.dma_semaphore, #tpu.memory_space<semaphore_mem>>)
    %dma_wait3A_273 = arith.constant 2688 : i32
    %dma_wait3A_274 = tpu.memref_slice %arg5[%dma_wait3A_273] : memref<4096xi32, #tpu.memory_space<vmem>> -> memref<128xi32, #tpu.memory_space<vmem>>
    %dma_wait3A_275 = arith.constant 0 : i32
    %dma_wait3A_276 = arith.constant 0 : i32
    %dma_wait3A_277 = tpu.memref_slice %arg2[%dma_wait3A_275, %dma_wait3A_276] : memref<8192x144xf32, #tpu.memory_space<hbm>> -> memref<8192x144xf32, #tpu.memory_space<hbm>>
    tpu.wait_indirect_dma semaphore(%arg11 : memref<!tpu.dma_semaphore, #tpu.memory_space<semaphore_mem>>) src(%dma_wait3A_277 : memref<8192x144xf32, #tpu.memory_space<hbm>>) dst(%arg7 : memref<128x144xf32, #tpu.memory_space<vmem>>)
    %add3A_278 = arith.constant 2688 : i32
    %add3A_279 = arith.addi %mul3A_2, %add3A_278 : i32
    "tpu.region"() ({
      %run_scoped3A = tpu.sem_alloc : memref<!tpu.dma_semaphore, #tpu.memory_space<semaphore_mem>>
      %dma_start3A_385 = arith.constant 0 : i32
      %dma_start3A_386 = tpu.memref_slice %arg4[%add3A_279, %dma_start3A_385] : memref<131072x144xf32, #tpu.memory_space<hbm>> -> memref<128x144xf32, #tpu.memory_space<hbm>>
      %dma_start3A_387 = arith.constant 0 : i32
      %dma_start3A_388 = tpu.memref_slice %arg4[%add3A_279, %dma_start3A_387] : memref<131072x144xf32, #tpu.memory_space<hbm>> -> memref<128x144xf32, #tpu.memory_space<hbm>>
      tpu.enqueue_dma source(%arg7 : memref<128x144xf32, #tpu.memory_space<vmem>>) target(%dma_start3A_388 : memref<128x144xf32, #tpu.memory_space<hbm>>) target_semaphore(%run_scoped3A : memref<!tpu.dma_semaphore, #tpu.memory_space<semaphore_mem>>)
      %dma_wait3A_389 = arith.constant 0 : i32
      %dma_wait3A_390 = tpu.memref_slice %arg4[%add3A_279, %dma_wait3A_389] : memref<131072x144xf32, #tpu.memory_space<hbm>> -> memref<128x144xf32, #tpu.memory_space<hbm>>
      %dma_wait3A_391 = arith.constant 0 : i32
      %dma_wait3A_392 = tpu.memref_slice %arg4[%add3A_279, %dma_wait3A_391] : memref<131072x144xf32, #tpu.memory_space<hbm>> -> memref<128x144xf32, #tpu.memory_space<hbm>>
      tpu.wait_dma2 semaphore(%run_scoped3A : memref<!tpu.dma_semaphore, #tpu.memory_space<semaphore_mem>>) src(%arg7 : memref<128x144xf32, #tpu.memory_space<vmem>>) dst(%dma_wait3A_392 : memref<128x144xf32, #tpu.memory_space<hbm>>)
      tpu.yield
    }) : () -> ()
    %dma_start3A_280 = arith.constant 3200 : i32
    %dma_start3A_281 = tpu.memref_slice %arg5[%dma_start3A_280] : memref<4096xi32, #tpu.memory_space<vmem>> -> memref<128xi32, #tpu.memory_space<vmem>>
    %dma_start3A_282 = arith.constant 0 : i32
    %dma_start3A_283 = arith.constant 0 : i32
    %dma_start3A_284 = tpu.memref_slice %arg2[%dma_start3A_282, %dma_start3A_283] : memref<8192x144xf32, #tpu.memory_space<hbm>> -> memref<8192x144xf32, #tpu.memory_space<hbm>>
    tpu.enqueue_indirect_dma source(%dma_start3A_284 : memref<8192x144xf32, #tpu.memory_space<hbm>>) target(%arg7 : memref<128x144xf32, #tpu.memory_space<vmem>>) offsets(%dma_start3A_281 : memref<128xi32, #tpu.memory_space<vmem>>) semaphore(%arg11 : memref<!tpu.dma_semaphore, #tpu.memory_space<semaphore_mem>>)
    %dma_wait3A_285 = arith.constant 2816 : i32
    %dma_wait3A_286 = tpu.memref_slice %arg5[%dma_wait3A_285] : memref<4096xi32, #tpu.memory_space<vmem>> -> memref<128xi32, #tpu.memory_space<vmem>>
    %dma_wait3A_287 = arith.constant 0 : i32
    %dma_wait3A_288 = arith.constant 0 : i32
    %dma_wait3A_289 = tpu.memref_slice %arg2[%dma_wait3A_287, %dma_wait3A_288] : memref<8192x144xf32, #tpu.memory_space<hbm>> -> memref<8192x144xf32, #tpu.memory_space<hbm>>
    tpu.wait_indirect_dma semaphore(%arg12 : memref<!tpu.dma_semaphore, #tpu.memory_space<semaphore_mem>>) src(%dma_wait3A_289 : memref<8192x144xf32, #tpu.memory_space<hbm>>) dst(%arg8 : memref<128x144xf32, #tpu.memory_space<vmem>>)
    %add3A_290 = arith.constant 2816 : i32
    %add3A_291 = arith.addi %mul3A_2, %add3A_290 : i32
    "tpu.region"() ({
      %run_scoped3A = tpu.sem_alloc : memref<!tpu.dma_semaphore, #tpu.memory_space<semaphore_mem>>
      %dma_start3A_385 = arith.constant 0 : i32
      %dma_start3A_386 = tpu.memref_slice %arg4[%add3A_291, %dma_start3A_385] : memref<131072x144xf32, #tpu.memory_space<hbm>> -> memref<128x144xf32, #tpu.memory_space<hbm>>
      %dma_start3A_387 = arith.constant 0 : i32
      %dma_start3A_388 = tpu.memref_slice %arg4[%add3A_291, %dma_start3A_387] : memref<131072x144xf32, #tpu.memory_space<hbm>> -> memref<128x144xf32, #tpu.memory_space<hbm>>
      tpu.enqueue_dma source(%arg8 : memref<128x144xf32, #tpu.memory_space<vmem>>) target(%dma_start3A_388 : memref<128x144xf32, #tpu.memory_space<hbm>>) target_semaphore(%run_scoped3A : memref<!tpu.dma_semaphore, #tpu.memory_space<semaphore_mem>>)
      %dma_wait3A_389 = arith.constant 0 : i32
      %dma_wait3A_390 = tpu.memref_slice %arg4[%add3A_291, %dma_wait3A_389] : memref<131072x144xf32, #tpu.memory_space<hbm>> -> memref<128x144xf32, #tpu.memory_space<hbm>>
      %dma_wait3A_391 = arith.constant 0 : i32
      %dma_wait3A_392 = tpu.memref_slice %arg4[%add3A_291, %dma_wait3A_391] : memref<131072x144xf32, #tpu.memory_space<hbm>> -> memref<128x144xf32, #tpu.memory_space<hbm>>
      tpu.wait_dma2 semaphore(%run_scoped3A : memref<!tpu.dma_semaphore, #tpu.memory_space<semaphore_mem>>) src(%arg8 : memref<128x144xf32, #tpu.memory_space<vmem>>) dst(%dma_wait3A_392 : memref<128x144xf32, #tpu.memory_space<hbm>>)
      tpu.yield
    }) : () -> ()
    %dma_start3A_292 = arith.constant 3328 : i32
    %dma_start3A_293 = tpu.memref_slice %arg5[%dma_start3A_292] : memref<4096xi32, #tpu.memory_space<vmem>> -> memref<128xi32, #tpu.memory_space<vmem>>
    %dma_start3A_294 = arith.constant 0 : i32
    %dma_start3A_295 = arith.constant 0 : i32
    %dma_start3A_296 = tpu.memref_slice %arg2[%dma_start3A_294, %dma_start3A_295] : memref<8192x144xf32, #tpu.memory_space<hbm>> -> memref<8192x144xf32, #tpu.memory_space<hbm>>
    tpu.enqueue_indirect_dma source(%dma_start3A_296 : memref<8192x144xf32, #tpu.memory_space<hbm>>) target(%arg8 : memref<128x144xf32, #tpu.memory_space<vmem>>) offsets(%dma_start3A_293 : memref<128xi32, #tpu.memory_space<vmem>>) semaphore(%arg12 : memref<!tpu.dma_semaphore, #tpu.memory_space<semaphore_mem>>)
    %dma_wait3A_297 = arith.constant 2944 : i32
    %dma_wait3A_298 = tpu.memref_slice %arg5[%dma_wait3A_297] : memref<4096xi32, #tpu.memory_space<vmem>> -> memref<128xi32, #tpu.memory_space<vmem>>
    %dma_wait3A_299 = arith.constant 0 : i32
    %dma_wait3A_300 = arith.constant 0 : i32
    %dma_wait3A_301 = tpu.memref_slice %arg2[%dma_wait3A_299, %dma_wait3A_300] : memref<8192x144xf32, #tpu.memory_space<hbm>> -> memref<8192x144xf32, #tpu.memory_space<hbm>>
    tpu.wait_indirect_dma semaphore(%arg13 : memref<!tpu.dma_semaphore, #tpu.memory_space<semaphore_mem>>) src(%dma_wait3A_301 : memref<8192x144xf32, #tpu.memory_space<hbm>>) dst(%arg9 : memref<128x144xf32, #tpu.memory_space<vmem>>)
    %add3A_302 = arith.constant 2944 : i32
    %add3A_303 = arith.addi %mul3A_2, %add3A_302 : i32
    "tpu.region"() ({
      %run_scoped3A = tpu.sem_alloc : memref<!tpu.dma_semaphore, #tpu.memory_space<semaphore_mem>>
      %dma_start3A_385 = arith.constant 0 : i32
      %dma_start3A_386 = tpu.memref_slice %arg4[%add3A_303, %dma_start3A_385] : memref<131072x144xf32, #tpu.memory_space<hbm>> -> memref<128x144xf32, #tpu.memory_space<hbm>>
      %dma_start3A_387 = arith.constant 0 : i32
      %dma_start3A_388 = tpu.memref_slice %arg4[%add3A_303, %dma_start3A_387] : memref<131072x144xf32, #tpu.memory_space<hbm>> -> memref<128x144xf32, #tpu.memory_space<hbm>>
      tpu.enqueue_dma source(%arg9 : memref<128x144xf32, #tpu.memory_space<vmem>>) target(%dma_start3A_388 : memref<128x144xf32, #tpu.memory_space<hbm>>) target_semaphore(%run_scoped3A : memref<!tpu.dma_semaphore, #tpu.memory_space<semaphore_mem>>)
      %dma_wait3A_389 = arith.constant 0 : i32
      %dma_wait3A_390 = tpu.memref_slice %arg4[%add3A_303, %dma_wait3A_389] : memref<131072x144xf32, #tpu.memory_space<hbm>> -> memref<128x144xf32, #tpu.memory_space<hbm>>
      %dma_wait3A_391 = arith.constant 0 : i32
      %dma_wait3A_392 = tpu.memref_slice %arg4[%add3A_303, %dma_wait3A_391] : memref<131072x144xf32, #tpu.memory_space<hbm>> -> memref<128x144xf32, #tpu.memory_space<hbm>>
      tpu.wait_dma2 semaphore(%run_scoped3A : memref<!tpu.dma_semaphore, #tpu.memory_space<semaphore_mem>>) src(%arg9 : memref<128x144xf32, #tpu.memory_space<vmem>>) dst(%dma_wait3A_392 : memref<128x144xf32, #tpu.memory_space<hbm>>)
      tpu.yield
    }) : () -> ()
    %dma_start3A_304 = arith.constant 3456 : i32
    %dma_start3A_305 = tpu.memref_slice %arg5[%dma_start3A_304] : memref<4096xi32, #tpu.memory_space<vmem>> -> memref<128xi32, #tpu.memory_space<vmem>>
    %dma_start3A_306 = arith.constant 0 : i32
    %dma_start3A_307 = arith.constant 0 : i32
    %dma_start3A_308 = tpu.memref_slice %arg2[%dma_start3A_306, %dma_start3A_307] : memref<8192x144xf32, #tpu.memory_space<hbm>> -> memref<8192x144xf32, #tpu.memory_space<hbm>>
    tpu.enqueue_indirect_dma source(%dma_start3A_308 : memref<8192x144xf32, #tpu.memory_space<hbm>>) target(%arg9 : memref<128x144xf32, #tpu.memory_space<vmem>>) offsets(%dma_start3A_305 : memref<128xi32, #tpu.memory_space<vmem>>) semaphore(%arg13 : memref<!tpu.dma_semaphore, #tpu.memory_space<semaphore_mem>>)
    %dma_wait3A_309 = arith.constant 3072 : i32
    %dma_wait3A_310 = tpu.memref_slice %arg5[%dma_wait3A_309] : memref<4096xi32, #tpu.memory_space<vmem>> -> memref<128xi32, #tpu.memory_space<vmem>>
    %dma_wait3A_311 = arith.constant 0 : i32
    %dma_wait3A_312 = arith.constant 0 : i32
    %dma_wait3A_313 = tpu.memref_slice %arg2[%dma_wait3A_311, %dma_wait3A_312] : memref<8192x144xf32, #tpu.memory_space<hbm>> -> memref<8192x144xf32, #tpu.memory_space<hbm>>
    tpu.wait_indirect_dma semaphore(%arg10 : memref<!tpu.dma_semaphore, #tpu.memory_space<semaphore_mem>>) src(%dma_wait3A_313 : memref<8192x144xf32, #tpu.memory_space<hbm>>) dst(%arg6 : memref<128x144xf32, #tpu.memory_space<vmem>>)
    %add3A_314 = arith.constant 3072 : i32
    %add3A_315 = arith.addi %mul3A_2, %add3A_314 : i32
    "tpu.region"() ({
      %run_scoped3A = tpu.sem_alloc : memref<!tpu.dma_semaphore, #tpu.memory_space<semaphore_mem>>
      %dma_start3A_385 = arith.constant 0 : i32
      %dma_start3A_386 = tpu.memref_slice %arg4[%add3A_315, %dma_start3A_385] : memref<131072x144xf32, #tpu.memory_space<hbm>> -> memref<128x144xf32, #tpu.memory_space<hbm>>
      %dma_start3A_387 = arith.constant 0 : i32
      %dma_start3A_388 = tpu.memref_slice %arg4[%add3A_315, %dma_start3A_387] : memref<131072x144xf32, #tpu.memory_space<hbm>> -> memref<128x144xf32, #tpu.memory_space<hbm>>
      tpu.enqueue_dma source(%arg6 : memref<128x144xf32, #tpu.memory_space<vmem>>) target(%dma_start3A_388 : memref<128x144xf32, #tpu.memory_space<hbm>>) target_semaphore(%run_scoped3A : memref<!tpu.dma_semaphore, #tpu.memory_space<semaphore_mem>>)
      %dma_wait3A_389 = arith.constant 0 : i32
      %dma_wait3A_390 = tpu.memref_slice %arg4[%add3A_315, %dma_wait3A_389] : memref<131072x144xf32, #tpu.memory_space<hbm>> -> memref<128x144xf32, #tpu.memory_space<hbm>>
      %dma_wait3A_391 = arith.constant 0 : i32
      %dma_wait3A_392 = tpu.memref_slice %arg4[%add3A_315, %dma_wait3A_391] : memref<131072x144xf32, #tpu.memory_space<hbm>> -> memref<128x144xf32, #tpu.memory_space<hbm>>
      tpu.wait_dma2 semaphore(%run_scoped3A : memref<!tpu.dma_semaphore, #tpu.memory_space<semaphore_mem>>) src(%arg6 : memref<128x144xf32, #tpu.memory_space<vmem>>) dst(%dma_wait3A_392 : memref<128x144xf32, #tpu.memory_space<hbm>>)
      tpu.yield
    }) : () -> ()
    %dma_start3A_316 = arith.constant 3584 : i32
    %dma_start3A_317 = tpu.memref_slice %arg5[%dma_start3A_316] : memref<4096xi32, #tpu.memory_space<vmem>> -> memref<128xi32, #tpu.memory_space<vmem>>
    %dma_start3A_318 = arith.constant 0 : i32
    %dma_start3A_319 = arith.constant 0 : i32
    %dma_start3A_320 = tpu.memref_slice %arg2[%dma_start3A_318, %dma_start3A_319] : memref<8192x144xf32, #tpu.memory_space<hbm>> -> memref<8192x144xf32, #tpu.memory_space<hbm>>
    tpu.enqueue_indirect_dma source(%dma_start3A_320 : memref<8192x144xf32, #tpu.memory_space<hbm>>) target(%arg6 : memref<128x144xf32, #tpu.memory_space<vmem>>) offsets(%dma_start3A_317 : memref<128xi32, #tpu.memory_space<vmem>>) semaphore(%arg10 : memref<!tpu.dma_semaphore, #tpu.memory_space<semaphore_mem>>)
    %dma_wait3A_321 = arith.constant 3200 : i32
    %dma_wait3A_322 = tpu.memref_slice %arg5[%dma_wait3A_321] : memref<4096xi32, #tpu.memory_space<vmem>> -> memref<128xi32, #tpu.memory_space<vmem>>
    %dma_wait3A_323 = arith.constant 0 : i32
    %dma_wait3A_324 = arith.constant 0 : i32
    %dma_wait3A_325 = tpu.memref_slice %arg2[%dma_wait3A_323, %dma_wait3A_324] : memref<8192x144xf32, #tpu.memory_space<hbm>> -> memref<8192x144xf32, #tpu.memory_space<hbm>>
    tpu.wait_indirect_dma semaphore(%arg11 : memref<!tpu.dma_semaphore, #tpu.memory_space<semaphore_mem>>) src(%dma_wait3A_325 : memref<8192x144xf32, #tpu.memory_space<hbm>>) dst(%arg7 : memref<128x144xf32, #tpu.memory_space<vmem>>)
    %add3A_326 = arith.constant 3200 : i32
    %add3A_327 = arith.addi %mul3A_2, %add3A_326 : i32
    "tpu.region"() ({
      %run_scoped3A = tpu.sem_alloc : memref<!tpu.dma_semaphore, #tpu.memory_space<semaphore_mem>>
      %dma_start3A_385 = arith.constant 0 : i32
      %dma_start3A_386 = tpu.memref_slice %arg4[%add3A_327, %dma_start3A_385] : memref<131072x144xf32, #tpu.memory_space<hbm>> -> memref<128x144xf32, #tpu.memory_space<hbm>>
      %dma_start3A_387 = arith.constant 0 : i32
      %dma_start3A_388 = tpu.memref_slice %arg4[%add3A_327, %dma_start3A_387] : memref<131072x144xf32, #tpu.memory_space<hbm>> -> memref<128x144xf32, #tpu.memory_space<hbm>>
      tpu.enqueue_dma source(%arg7 : memref<128x144xf32, #tpu.memory_space<vmem>>) target(%dma_start3A_388 : memref<128x144xf32, #tpu.memory_space<hbm>>) target_semaphore(%run_scoped3A : memref<!tpu.dma_semaphore, #tpu.memory_space<semaphore_mem>>)
      %dma_wait3A_389 = arith.constant 0 : i32
      %dma_wait3A_390 = tpu.memref_slice %arg4[%add3A_327, %dma_wait3A_389] : memref<131072x144xf32, #tpu.memory_space<hbm>> -> memref<128x144xf32, #tpu.memory_space<hbm>>
      %dma_wait3A_391 = arith.constant 0 : i32
      %dma_wait3A_392 = tpu.memref_slice %arg4[%add3A_327, %dma_wait3A_391] : memref<131072x144xf32, #tpu.memory_space<hbm>> -> memref<128x144xf32, #tpu.memory_space<hbm>>
      tpu.wait_dma2 semaphore(%run_scoped3A : memref<!tpu.dma_semaphore, #tpu.memory_space<semaphore_mem>>) src(%arg7 : memref<128x144xf32, #tpu.memory_space<vmem>>) dst(%dma_wait3A_392 : memref<128x144xf32, #tpu.memory_space<hbm>>)
      tpu.yield
    }) : () -> ()
    %dma_start3A_328 = arith.constant 3712 : i32
    %dma_start3A_329 = tpu.memref_slice %arg5[%dma_start3A_328] : memref<4096xi32, #tpu.memory_space<vmem>> -> memref<128xi32, #tpu.memory_space<vmem>>
    %dma_start3A_330 = arith.constant 0 : i32
    %dma_start3A_331 = arith.constant 0 : i32
    %dma_start3A_332 = tpu.memref_slice %arg2[%dma_start3A_330, %dma_start3A_331] : memref<8192x144xf32, #tpu.memory_space<hbm>> -> memref<8192x144xf32, #tpu.memory_space<hbm>>
    tpu.enqueue_indirect_dma source(%dma_start3A_332 : memref<8192x144xf32, #tpu.memory_space<hbm>>) target(%arg7 : memref<128x144xf32, #tpu.memory_space<vmem>>) offsets(%dma_start3A_329 : memref<128xi32, #tpu.memory_space<vmem>>) semaphore(%arg11 : memref<!tpu.dma_semaphore, #tpu.memory_space<semaphore_mem>>)
    %dma_wait3A_333 = arith.constant 3328 : i32
    %dma_wait3A_334 = tpu.memref_slice %arg5[%dma_wait3A_333] : memref<4096xi32, #tpu.memory_space<vmem>> -> memref<128xi32, #tpu.memory_space<vmem>>
    %dma_wait3A_335 = arith.constant 0 : i32
    %dma_wait3A_336 = arith.constant 0 : i32
    %dma_wait3A_337 = tpu.memref_slice %arg2[%dma_wait3A_335, %dma_wait3A_336] : memref<8192x144xf32, #tpu.memory_space<hbm>> -> memref<8192x144xf32, #tpu.memory_space<hbm>>
    tpu.wait_indirect_dma semaphore(%arg12 : memref<!tpu.dma_semaphore, #tpu.memory_space<semaphore_mem>>) src(%dma_wait3A_337 : memref<8192x144xf32, #tpu.memory_space<hbm>>) dst(%arg8 : memref<128x144xf32, #tpu.memory_space<vmem>>)
    %add3A_338 = arith.constant 3328 : i32
    %add3A_339 = arith.addi %mul3A_2, %add3A_338 : i32
    "tpu.region"() ({
      %run_scoped3A = tpu.sem_alloc : memref<!tpu.dma_semaphore, #tpu.memory_space<semaphore_mem>>
      %dma_start3A_385 = arith.constant 0 : i32
      %dma_start3A_386 = tpu.memref_slice %arg4[%add3A_339, %dma_start3A_385] : memref<131072x144xf32, #tpu.memory_space<hbm>> -> memref<128x144xf32, #tpu.memory_space<hbm>>
      %dma_start3A_387 = arith.constant 0 : i32
      %dma_start3A_388 = tpu.memref_slice %arg4[%add3A_339, %dma_start3A_387] : memref<131072x144xf32, #tpu.memory_space<hbm>> -> memref<128x144xf32, #tpu.memory_space<hbm>>
      tpu.enqueue_dma source(%arg8 : memref<128x144xf32, #tpu.memory_space<vmem>>) target(%dma_start3A_388 : memref<128x144xf32, #tpu.memory_space<hbm>>) target_semaphore(%run_scoped3A : memref<!tpu.dma_semaphore, #tpu.memory_space<semaphore_mem>>)
      %dma_wait3A_389 = arith.constant 0 : i32
      %dma_wait3A_390 = tpu.memref_slice %arg4[%add3A_339, %dma_wait3A_389] : memref<131072x144xf32, #tpu.memory_space<hbm>> -> memref<128x144xf32, #tpu.memory_space<hbm>>
      %dma_wait3A_391 = arith.constant 0 : i32
      %dma_wait3A_392 = tpu.memref_slice %arg4[%add3A_339, %dma_wait3A_391] : memref<131072x144xf32, #tpu.memory_space<hbm>> -> memref<128x144xf32, #tpu.memory_space<hbm>>
      tpu.wait_dma2 semaphore(%run_scoped3A : memref<!tpu.dma_semaphore, #tpu.memory_space<semaphore_mem>>) src(%arg8 : memref<128x144xf32, #tpu.memory_space<vmem>>) dst(%dma_wait3A_392 : memref<128x144xf32, #tpu.memory_space<hbm>>)
      tpu.yield
    }) : () -> ()
    %dma_start3A_340 = arith.constant 3840 : i32
    %dma_start3A_341 = tpu.memref_slice %arg5[%dma_start3A_340] : memref<4096xi32, #tpu.memory_space<vmem>> -> memref<128xi32, #tpu.memory_space<vmem>>
    %dma_start3A_342 = arith.constant 0 : i32
    %dma_start3A_343 = arith.constant 0 : i32
    %dma_start3A_344 = tpu.memref_slice %arg2[%dma_start3A_342, %dma_start3A_343] : memref<8192x144xf32, #tpu.memory_space<hbm>> -> memref<8192x144xf32, #tpu.memory_space<hbm>>
    tpu.enqueue_indirect_dma source(%dma_start3A_344 : memref<8192x144xf32, #tpu.memory_space<hbm>>) target(%arg8 : memref<128x144xf32, #tpu.memory_space<vmem>>) offsets(%dma_start3A_341 : memref<128xi32, #tpu.memory_space<vmem>>) semaphore(%arg12 : memref<!tpu.dma_semaphore, #tpu.memory_space<semaphore_mem>>)
    %dma_wait3A_345 = arith.constant 3456 : i32
    %dma_wait3A_346 = tpu.memref_slice %arg5[%dma_wait3A_345] : memref<4096xi32, #tpu.memory_space<vmem>> -> memref<128xi32, #tpu.memory_space<vmem>>
    %dma_wait3A_347 = arith.constant 0 : i32
    %dma_wait3A_348 = arith.constant 0 : i32
    %dma_wait3A_349 = tpu.memref_slice %arg2[%dma_wait3A_347, %dma_wait3A_348] : memref<8192x144xf32, #tpu.memory_space<hbm>> -> memref<8192x144xf32, #tpu.memory_space<hbm>>
    tpu.wait_indirect_dma semaphore(%arg13 : memref<!tpu.dma_semaphore, #tpu.memory_space<semaphore_mem>>) src(%dma_wait3A_349 : memref<8192x144xf32, #tpu.memory_space<hbm>>) dst(%arg9 : memref<128x144xf32, #tpu.memory_space<vmem>>)
    %add3A_350 = arith.constant 3456 : i32
    %add3A_351 = arith.addi %mul3A_2, %add3A_350 : i32
    "tpu.region"() ({
      %run_scoped3A = tpu.sem_alloc : memref<!tpu.dma_semaphore, #tpu.memory_space<semaphore_mem>>
      %dma_start3A_385 = arith.constant 0 : i32
      %dma_start3A_386 = tpu.memref_slice %arg4[%add3A_351, %dma_start3A_385] : memref<131072x144xf32, #tpu.memory_space<hbm>> -> memref<128x144xf32, #tpu.memory_space<hbm>>
      %dma_start3A_387 = arith.constant 0 : i32
      %dma_start3A_388 = tpu.memref_slice %arg4[%add3A_351, %dma_start3A_387] : memref<131072x144xf32, #tpu.memory_space<hbm>> -> memref<128x144xf32, #tpu.memory_space<hbm>>
      tpu.enqueue_dma source(%arg9 : memref<128x144xf32, #tpu.memory_space<vmem>>) target(%dma_start3A_388 : memref<128x144xf32, #tpu.memory_space<hbm>>) target_semaphore(%run_scoped3A : memref<!tpu.dma_semaphore, #tpu.memory_space<semaphore_mem>>)
      %dma_wait3A_389 = arith.constant 0 : i32
      %dma_wait3A_390 = tpu.memref_slice %arg4[%add3A_351, %dma_wait3A_389] : memref<131072x144xf32, #tpu.memory_space<hbm>> -> memref<128x144xf32, #tpu.memory_space<hbm>>
      %dma_wait3A_391 = arith.constant 0 : i32
      %dma_wait3A_392 = tpu.memref_slice %arg4[%add3A_351, %dma_wait3A_391] : memref<131072x144xf32, #tpu.memory_space<hbm>> -> memref<128x144xf32, #tpu.memory_space<hbm>>
      tpu.wait_dma2 semaphore(%run_scoped3A : memref<!tpu.dma_semaphore, #tpu.memory_space<semaphore_mem>>) src(%arg9 : memref<128x144xf32, #tpu.memory_space<vmem>>) dst(%dma_wait3A_392 : memref<128x144xf32, #tpu.memory_space<hbm>>)
      tpu.yield
    }) : () -> ()
    %dma_start3A_352 = arith.constant 3968 : i32
    %dma_start3A_353 = tpu.memref_slice %arg5[%dma_start3A_352] : memref<4096xi32, #tpu.memory_space<vmem>> -> memref<128xi32, #tpu.memory_space<vmem>>
    %dma_start3A_354 = arith.constant 0 : i32
    %dma_start3A_355 = arith.constant 0 : i32
    %dma_start3A_356 = tpu.memref_slice %arg2[%dma_start3A_354, %dma_start3A_355] : memref<8192x144xf32, #tpu.memory_space<hbm>> -> memref<8192x144xf32, #tpu.memory_space<hbm>>
    tpu.enqueue_indirect_dma source(%dma_start3A_356 : memref<8192x144xf32, #tpu.memory_space<hbm>>) target(%arg9 : memref<128x144xf32, #tpu.memory_space<vmem>>) offsets(%dma_start3A_353 : memref<128xi32, #tpu.memory_space<vmem>>) semaphore(%arg13 : memref<!tpu.dma_semaphore, #tpu.memory_space<semaphore_mem>>)
    %dma_wait3A_357 = arith.constant 3584 : i32
    %dma_wait3A_358 = tpu.memref_slice %arg5[%dma_wait3A_357] : memref<4096xi32, #tpu.memory_space<vmem>> -> memref<128xi32, #tpu.memory_space<vmem>>
    %dma_wait3A_359 = arith.constant 0 : i32
    %dma_wait3A_360 = arith.constant 0 : i32
    %dma_wait3A_361 = tpu.memref_slice %arg2[%dma_wait3A_359, %dma_wait3A_360] : memref<8192x144xf32, #tpu.memory_space<hbm>> -> memref<8192x144xf32, #tpu.memory_space<hbm>>
    tpu.wait_indirect_dma semaphore(%arg10 : memref<!tpu.dma_semaphore, #tpu.memory_space<semaphore_mem>>) src(%dma_wait3A_361 : memref<8192x144xf32, #tpu.memory_space<hbm>>) dst(%arg6 : memref<128x144xf32, #tpu.memory_space<vmem>>)
    %add3A_362 = arith.constant 3584 : i32
    %add3A_363 = arith.addi %mul3A_2, %add3A_362 : i32
    "tpu.region"() ({
      %run_scoped3A = tpu.sem_alloc : memref<!tpu.dma_semaphore, #tpu.memory_space<semaphore_mem>>
      %dma_start3A_385 = arith.constant 0 : i32
      %dma_start3A_386 = tpu.memref_slice %arg4[%add3A_363, %dma_start3A_385] : memref<131072x144xf32, #tpu.memory_space<hbm>> -> memref<128x144xf32, #tpu.memory_space<hbm>>
      %dma_start3A_387 = arith.constant 0 : i32
      %dma_start3A_388 = tpu.memref_slice %arg4[%add3A_363, %dma_start3A_387] : memref<131072x144xf32, #tpu.memory_space<hbm>> -> memref<128x144xf32, #tpu.memory_space<hbm>>
      tpu.enqueue_dma source(%arg6 : memref<128x144xf32, #tpu.memory_space<vmem>>) target(%dma_start3A_388 : memref<128x144xf32, #tpu.memory_space<hbm>>) target_semaphore(%run_scoped3A : memref<!tpu.dma_semaphore, #tpu.memory_space<semaphore_mem>>)
      %dma_wait3A_389 = arith.constant 0 : i32
      %dma_wait3A_390 = tpu.memref_slice %arg4[%add3A_363, %dma_wait3A_389] : memref<131072x144xf32, #tpu.memory_space<hbm>> -> memref<128x144xf32, #tpu.memory_space<hbm>>
      %dma_wait3A_391 = arith.constant 0 : i32
      %dma_wait3A_392 = tpu.memref_slice %arg4[%add3A_363, %dma_wait3A_391] : memref<131072x144xf32, #tpu.memory_space<hbm>> -> memref<128x144xf32, #tpu.memory_space<hbm>>
      tpu.wait_dma2 semaphore(%run_scoped3A : memref<!tpu.dma_semaphore, #tpu.memory_space<semaphore_mem>>) src(%arg6 : memref<128x144xf32, #tpu.memory_space<vmem>>) dst(%dma_wait3A_392 : memref<128x144xf32, #tpu.memory_space<hbm>>)
      tpu.yield
    }) : () -> ()
    %dma_wait3A_364 = arith.constant 3712 : i32
    %dma_wait3A_365 = tpu.memref_slice %arg5[%dma_wait3A_364] : memref<4096xi32, #tpu.memory_space<vmem>> -> memref<128xi32, #tpu.memory_space<vmem>>
    %dma_wait3A_366 = arith.constant 0 : i32
    %dma_wait3A_367 = arith.constant 0 : i32
    %dma_wait3A_368 = tpu.memref_slice %arg2[%dma_wait3A_366, %dma_wait3A_367] : memref<8192x144xf32, #tpu.memory_space<hbm>> -> memref<8192x144xf32, #tpu.memory_space<hbm>>
    tpu.wait_indirect_dma semaphore(%arg11 : memref<!tpu.dma_semaphore, #tpu.memory_space<semaphore_mem>>) src(%dma_wait3A_368 : memref<8192x144xf32, #tpu.memory_space<hbm>>) dst(%arg7 : memref<128x144xf32, #tpu.memory_space<vmem>>)
    %add3A_369 = arith.constant 3712 : i32
    %add3A_370 = arith.addi %mul3A_2, %add3A_369 : i32
    "tpu.region"() ({
      %run_scoped3A = tpu.sem_alloc : memref<!tpu.dma_semaphore, #tpu.memory_space<semaphore_mem>>
      %dma_start3A_385 = arith.constant 0 : i32
      %dma_start3A_386 = tpu.memref_slice %arg4[%add3A_370, %dma_start3A_385] : memref<131072x144xf32, #tpu.memory_space<hbm>> -> memref<128x144xf32, #tpu.memory_space<hbm>>
      %dma_start3A_387 = arith.constant 0 : i32
      %dma_start3A_388 = tpu.memref_slice %arg4[%add3A_370, %dma_start3A_387] : memref<131072x144xf32, #tpu.memory_space<hbm>> -> memref<128x144xf32, #tpu.memory_space<hbm>>
      tpu.enqueue_dma source(%arg7 : memref<128x144xf32, #tpu.memory_space<vmem>>) target(%dma_start3A_388 : memref<128x144xf32, #tpu.memory_space<hbm>>) target_semaphore(%run_scoped3A : memref<!tpu.dma_semaphore, #tpu.memory_space<semaphore_mem>>)
      %dma_wait3A_389 = arith.constant 0 : i32
      %dma_wait3A_390 = tpu.memref_slice %arg4[%add3A_370, %dma_wait3A_389] : memref<131072x144xf32, #tpu.memory_space<hbm>> -> memref<128x144xf32, #tpu.memory_space<hbm>>
      %dma_wait3A_391 = arith.constant 0 : i32
      %dma_wait3A_392 = tpu.memref_slice %arg4[%add3A_370, %dma_wait3A_391] : memref<131072x144xf32, #tpu.memory_space<hbm>> -> memref<128x144xf32, #tpu.memory_space<hbm>>
      tpu.wait_dma2 semaphore(%run_scoped3A : memref<!tpu.dma_semaphore, #tpu.memory_space<semaphore_mem>>) src(%arg7 : memref<128x144xf32, #tpu.memory_space<vmem>>) dst(%dma_wait3A_392 : memref<128x144xf32, #tpu.memory_space<hbm>>)
      tpu.yield
    }) : () -> ()
    %dma_wait3A_371 = arith.constant 3840 : i32
    %dma_wait3A_372 = tpu.memref_slice %arg5[%dma_wait3A_371] : memref<4096xi32, #tpu.memory_space<vmem>> -> memref<128xi32, #tpu.memory_space<vmem>>
    %dma_wait3A_373 = arith.constant 0 : i32
    %dma_wait3A_374 = arith.constant 0 : i32
    %dma_wait3A_375 = tpu.memref_slice %arg2[%dma_wait3A_373, %dma_wait3A_374] : memref<8192x144xf32, #tpu.memory_space<hbm>> -> memref<8192x144xf32, #tpu.memory_space<hbm>>
    tpu.wait_indirect_dma semaphore(%arg12 : memref<!tpu.dma_semaphore, #tpu.memory_space<semaphore_mem>>) src(%dma_wait3A_375 : memref<8192x144xf32, #tpu.memory_space<hbm>>) dst(%arg8 : memref<128x144xf32, #tpu.memory_space<vmem>>)
    %add3A_376 = arith.constant 3840 : i32
    %add3A_377 = arith.addi %mul3A_2, %add3A_376 : i32
    "tpu.region"() ({
      %run_scoped3A = tpu.sem_alloc : memref<!tpu.dma_semaphore, #tpu.memory_space<semaphore_mem>>
      %dma_start3A_385 = arith.constant 0 : i32
      %dma_start3A_386 = tpu.memref_slice %arg4[%add3A_377, %dma_start3A_385] : memref<131072x144xf32, #tpu.memory_space<hbm>> -> memref<128x144xf32, #tpu.memory_space<hbm>>
      %dma_start3A_387 = arith.constant 0 : i32
      %dma_start3A_388 = tpu.memref_slice %arg4[%add3A_377, %dma_start3A_387] : memref<131072x144xf32, #tpu.memory_space<hbm>> -> memref<128x144xf32, #tpu.memory_space<hbm>>
      tpu.enqueue_dma source(%arg8 : memref<128x144xf32, #tpu.memory_space<vmem>>) target(%dma_start3A_388 : memref<128x144xf32, #tpu.memory_space<hbm>>) target_semaphore(%run_scoped3A : memref<!tpu.dma_semaphore, #tpu.memory_space<semaphore_mem>>)
      %dma_wait3A_389 = arith.constant 0 : i32
      %dma_wait3A_390 = tpu.memref_slice %arg4[%add3A_377, %dma_wait3A_389] : memref<131072x144xf32, #tpu.memory_space<hbm>> -> memref<128x144xf32, #tpu.memory_space<hbm>>
      %dma_wait3A_391 = arith.constant 0 : i32
      %dma_wait3A_392 = tpu.memref_slice %arg4[%add3A_377, %dma_wait3A_391] : memref<131072x144xf32, #tpu.memory_space<hbm>> -> memref<128x144xf32, #tpu.memory_space<hbm>>
      tpu.wait_dma2 semaphore(%run_scoped3A : memref<!tpu.dma_semaphore, #tpu.memory_space<semaphore_mem>>) src(%arg8 : memref<128x144xf32, #tpu.memory_space<vmem>>) dst(%dma_wait3A_392 : memref<128x144xf32, #tpu.memory_space<hbm>>)
      tpu.yield
    }) : () -> ()
    %dma_wait3A_378 = arith.constant 3968 : i32
    %dma_wait3A_379 = tpu.memref_slice %arg5[%dma_wait3A_378] : memref<4096xi32, #tpu.memory_space<vmem>> -> memref<128xi32, #tpu.memory_space<vmem>>
    %dma_wait3A_380 = arith.constant 0 : i32
    %dma_wait3A_381 = arith.constant 0 : i32
    %dma_wait3A_382 = tpu.memref_slice %arg2[%dma_wait3A_380, %dma_wait3A_381] : memref<8192x144xf32, #tpu.memory_space<hbm>> -> memref<8192x144xf32, #tpu.memory_space<hbm>>
    tpu.wait_indirect_dma semaphore(%arg13 : memref<!tpu.dma_semaphore, #tpu.memory_space<semaphore_mem>>) src(%dma_wait3A_382 : memref<8192x144xf32, #tpu.memory_space<hbm>>) dst(%arg9 : memref<128x144xf32, #tpu.memory_space<vmem>>)
    %add3A_383 = arith.constant 3968 : i32
    %add3A_384 = arith.addi %mul3A_2, %add3A_383 : i32
    "tpu.region"() ({
      %run_scoped3A = tpu.sem_alloc : memref<!tpu.dma_semaphore, #tpu.memory_space<semaphore_mem>>
      %dma_start3A_385 = arith.constant 0 : i32
      %dma_start3A_386 = tpu.memref_slice %arg4[%add3A_384, %dma_start3A_385] : memref<131072x144xf32, #tpu.memory_space<hbm>> -> memref<128x144xf32, #tpu.memory_space<hbm>>
      %dma_start3A_387 = arith.constant 0 : i32
      %dma_start3A_388 = tpu.memref_slice %arg4[%add3A_384, %dma_start3A_387] : memref<131072x144xf32, #tpu.memory_space<hbm>> -> memref<128x144xf32, #tpu.memory_space<hbm>>
      tpu.enqueue_dma source(%arg9 : memref<128x144xf32, #tpu.memory_space<vmem>>) target(%dma_start3A_388 : memref<128x144xf32, #tpu.memory_space<hbm>>) target_semaphore(%run_scoped3A : memref<!tpu.dma_semaphore, #tpu.memory_space<semaphore_mem>>)
      %dma_wait3A_389 = arith.constant 0 : i32
      %dma_wait3A_390 = tpu.memref_slice %arg4[%add3A_384, %dma_wait3A_389] : memref<131072x144xf32, #tpu.memory_space<hbm>> -> memref<128x144xf32, #tpu.memory_space<hbm>>
      %dma_wait3A_391 = arith.constant 0 : i32
      %dma_wait3A_392 = tpu.memref_slice %arg4[%add3A_384, %dma_wait3A_391] : memref<131072x144xf32, #tpu.memory_space<hbm>> -> memref<128x144xf32, #tpu.memory_space<hbm>>
      tpu.wait_dma2 semaphore(%run_scoped3A : memref<!tpu.dma_semaphore, #tpu.memory_space<semaphore_mem>>) src(%arg9 : memref<128x144xf32, #tpu.memory_space<vmem>>) dst(%dma_wait3A_392 : memref<128x144xf32, #tpu.memory_space<hbm>>)
      tpu.yield
    }) : () -> ()
    return
  }
}

module attributes {stable_mosaic.version = 14 : i64} {
  func.func @_knn_body(%arg0: i32, %arg1: i32, %arg2: memref<1x256x64xf32, #tpu.memory_space<vmem>>, %arg3: memref<1x256x3xf32, #tpu.memory_space<vmem>>, %arg4: memref<1x3x2048xf32, #tpu.memory_space<vmem>>, %arg5: memref<64x64xf32, #tpu.memory_space<vmem>>, %arg6: memref<64x192xf32, #tpu.memory_space<vmem>>, %arg7: memref<1x256x64xf32, #tpu.memory_space<vmem>>, %arg8: memref<1x256x144xf32, #tpu.memory_space<vmem>>, %arg9: memref<1x256x16xi32, #tpu.memory_space<vmem>>) attributes {dimension_semantics = [#tpu.dimension_semantics<parallel>, #tpu.dimension_semantics<parallel>], iteration_bounds = array<i64: 4, 8>, scalar_prefetch = 0 : i64, scratch_operands = 0 : i64, tpu.core_type = #tpu.core_type<tc>, window_params = [{transform_indices = @transform_0, window_bounds = array<i64: 1, 256, 64>}, {transform_indices = @transform_1, window_bounds = array<i64: 1, 256, 3>}, {transform_indices = @transform_2, window_bounds = array<i64: 1, 3, 2048>}, {pipeline_mode = #tpu.pipeline_mode<synchronous>, transform_indices = @transform_3, window_bounds = array<i64: 64, 64>}, {pipeline_mode = #tpu.pipeline_mode<synchronous>, transform_indices = @transform_4, window_bounds = array<i64: 64, 192>}, {transform_indices = @transform_5, window_bounds = array<i64: 1, 256, 64>}, {transform_indices = @transform_6, window_bounds = array<i64: 1, 256, 144>}, {transform_indices = @transform_7, window_bounds = array<i64: 1, 256, 16>}]} {
    %get3A = arith.constant 0 : index
    %get3A_0 = arith.constant 0 : index
    %get3A_1 = arith.constant 0 : index
    %get3A_2 = vector.load %arg2[%get3A, %get3A_0, %get3A_1] : memref<1x256x64xf32, #tpu.memory_space<vmem>>, vector<1x256x64xf32>
    %get3A_3 = vector.shape_cast %get3A_2 : vector<1x256x64xf32> to vector<256x64xf32>
    %get3A_4 = arith.constant 0 : index
    %get3A_5 = arith.constant 0 : index
    %get3A_6 = vector.load %arg5[%get3A_4, %get3A_5] : memref<64x64xf32, #tpu.memory_space<vmem>>, vector<64x64xf32>
    %dot_general3A = arith.constant dense<0.000000e+00> : vector<256x64xf32>
    %dot_general3A_7 = tpu.matmul %get3A_3, %get3A_6, %dot_general3A {dimension_numbers = #tpu.dot_dimension_numbers<[1], [0], [0], [1], [0, 0, 1, 1], [], []>, transpose_lhs_hint = false} : vector<256x64xf32>, vector<64x64xf32>, vector<256x64xf32> -> vector<256x64xf32>
    %get3A_8 = arith.constant 0 : index
    %get3A_9 = arith.constant 0 : index
    %get3A_10 = vector.load %arg6[%get3A_8, %get3A_9] : memref<64x192xf32, #tpu.memory_space<vmem>>, vector<64x192xf32>
    %dot_general3A_11 = arith.constant dense<0.000000e+00> : vector<256x192xf32>
    %dot_general3A_12 = tpu.matmul %dot_general3A_7, %get3A_10, %dot_general3A_11 {dimension_numbers = #tpu.dot_dimension_numbers<[1], [0], [0], [1], [0, 0, 1, 1], [], []>, transpose_lhs_hint = false} : vector<256x64xf32>, vector<64x192xf32>, vector<256x192xf32> -> vector<256x192xf32>
    %slice3A = vector.extract_strided_slice %dot_general3A_12 {offsets = [0, 0], sizes = [256, 64], strides = [1, 1]} : vector<256x192xf32> to vector<256x64xf32>
    %swap3A = arith.constant 0 : index
    %swap3A_13 = arith.constant 0 : index
    %swap3A_14 = arith.constant 0 : index
    %swap3A_15 = vector.load %arg7[%swap3A, %swap3A_13, %swap3A_14] : memref<1x256x64xf32, #tpu.memory_space<vmem>>, vector<1x256x64xf32>
    %swap3A_16 = vector.shape_cast %swap3A_15 : vector<1x256x64xf32> to vector<256x64xf32>
    %swap3A_17 = vector.shape_cast %slice3A : vector<256x64xf32> to vector<1x256x64xf32>
    tpu.vector_store %arg7[%swap3A, %swap3A_13, %swap3A_14], %swap3A_17 {strides = array<i32>} : memref<1x256x64xf32, #tpu.memory_space<vmem>>, vector<1x256x64xf32>,
    %slice3A_18 = vector.extract_strided_slice %dot_general3A_12 {offsets = [0, 64], sizes = [256, 128], strides = [1, 1]} : vector<256x192xf32> to vector<256x128xf32>
    %get3A_19 = arith.constant 0 : index
    %get3A_20 = arith.constant 0 : index
    %get3A_21 = arith.constant 0 : index
    %get3A_22 = vector.load %arg3[%get3A_19, %get3A_20, %get3A_21] : memref<1x256x3xf32, #tpu.memory_space<vmem>>, vector<1x256x3xf32>
    %get3A_23 = vector.shape_cast %get3A_22 : vector<1x256x3xf32> to vector<256x3xf32>
    %jit3A = arith.constant 0 : i32
    %convert_element_type3A = arith.sitofp %jit3A : i32 to f32
    %pad3A = vector.broadcast %convert_element_type3A : f32 to vector<256x13xf32>
    %pad3A_24 = tpu.concatenate %get3A_23, %pad3A in 1 : vector<256x3xf32>, vector<256x13xf32> -> vector<256x16xf32>
    %concatenate3A = tpu.concatenate %slice3A_18, %pad3A_24 in 1 : vector<256x128xf32>, vector<256x16xf32> -> vector<256x144xf32>
    %swap3A_25 = arith.constant 0 : index
    %swap3A_26 = arith.constant 0 : index
    %swap3A_27 = arith.constant 0 : index
    %swap3A_28 = vector.load %arg8[%swap3A_25, %swap3A_26, %swap3A_27] : memref<1x256x144xf32, #tpu.memory_space<vmem>>, vector<1x256x144xf32>
    %swap3A_29 = vector.shape_cast %swap3A_28 : vector<1x256x144xf32> to vector<256x144xf32>
    %swap3A_30 = vector.shape_cast %concatenate3A : vector<256x144xf32> to vector<1x256x144xf32>
    tpu.vector_store %arg8[%swap3A_25, %swap3A_26, %swap3A_27], %swap3A_30 {strides = array<i32>} : memref<1x256x144xf32, #tpu.memory_space<vmem>>, vector<1x256x144xf32>,
    %get3A_31 = arith.constant 0 : index
    %get3A_32 = arith.constant 0 : index
    %get3A_33 = arith.constant 0 : index
    %get3A_34 = vector.load %arg3[%get3A_31, %get3A_32, %get3A_33] : memref<1x256x3xf32, #tpu.memory_space<vmem>>, vector<1x256x3xf32>
    %get3A_35 = vector.shape_cast %get3A_34 : vector<1x256x3xf32> to vector<256x3xf32>
    %get3A_36 = arith.constant 0 : index
    %get3A_37 = arith.constant 0 : index
    %get3A_38 = arith.constant 0 : index
    %get3A_39 = vector.load %arg4[%get3A_36, %get3A_37, %get3A_38] : memref<1x3x2048xf32, #tpu.memory_space<vmem>>, vector<1x3x2048xf32>
    %get3A_40 = vector.shape_cast %get3A_39 : vector<1x3x2048xf32> to vector<3x2048xf32>
    %slice3A_41 = vector.extract_strided_slice %get3A_35 {offsets = [0, 0], sizes = [256, 1], strides = [1, 1]} : vector<256x3xf32> to vector<256x1xf32>
    %slice3A_42 = vector.extract_strided_slice %get3A_40 {offsets = [0, 0], sizes = [1, 2048], strides = [1, 1]} : vector<3x2048xf32> to vector<1x2048xf32>
    %sub3A = vector.broadcast %slice3A_41 : vector<256x1xf32> to vector<256x2048xf32>
    %sub3A_43 = vector.broadcast %slice3A_42 : vector<1x2048xf32> to vector<256x2048xf32>
    %sub3A_44 = arith.subf %sub3A, %sub3A_43 : vector<256x2048xf32>
    %slice3A_45 = vector.extract_strided_slice %get3A_35 {offsets = [0, 1], sizes = [256, 1], strides = [1, 1]} : vector<256x3xf32> to vector<256x1xf32>
    %slice3A_46 = vector.extract_strided_slice %get3A_40 {offsets = [1, 0], sizes = [1, 2048], strides = [1, 1]} : vector<3x2048xf32> to vector<1x2048xf32>
    %sub3A_47 = vector.broadcast %slice3A_45 : vector<256x1xf32> to vector<256x2048xf32>
    %sub3A_48 = vector.broadcast %slice3A_46 : vector<1x2048xf32> to vector<256x2048xf32>
    %sub3A_49 = arith.subf %sub3A_47, %sub3A_48 : vector<256x2048xf32>
    %slice3A_50 = vector.extract_strided_slice %get3A_35 {offsets = [0, 2], sizes = [256, 1], strides = [1, 1]} : vector<256x3xf32> to vector<256x1xf32>
    %slice3A_51 = vector.extract_strided_slice %get3A_40 {offsets = [2, 0], sizes = [1, 2048], strides = [1, 1]} : vector<3x2048xf32> to vector<1x2048xf32>
    %sub3A_52 = vector.broadcast %slice3A_50 : vector<256x1xf32> to vector<256x2048xf32>
    %sub3A_53 = vector.broadcast %slice3A_51 : vector<1x2048xf32> to vector<256x2048xf32>
    %sub3A_54 = arith.subf %sub3A_52, %sub3A_53 : vector<256x2048xf32>
    %mul3A = arith.mulf %sub3A_44, %sub3A_44 : vector<256x2048xf32>
    %mul3A_55 = arith.mulf %sub3A_49, %sub3A_49 : vector<256x2048xf32>
    %add3A = arith.addf %mul3A, %mul3A_55 : vector<256x2048xf32>
    %mul3A_56 = arith.mulf %sub3A_54, %sub3A_54 : vector<256x2048xf32>
    %add3A_57 = arith.addf %add3A, %mul3A_56 : vector<256x2048xf32>
    %iota3A = tpu.iota {dimensions = array<i32: 1>} : vector<256x2048xi32>
    %reduce_min3A = arith.constant dense<0x7F800000> : vector<256xf32>
    %reduce_min3A_58 = vector.multi_reduction <minimumf>, %add3A_57, %reduce_min3A [1] : vector<256x2048xf32> to vector<256xf32>
    %broadcast_in_dim3A = vector.shape_cast %reduce_min3A_58 : vector<256xf32> to vector<256x1xf32>
    %le3A = vector.broadcast %broadcast_in_dim3A : vector<256x1xf32> to vector<256x2048xf32>
    %le3A_59 = arith.cmpf ole, %add3A_57, %le3A : vector<256x2048xf32>
    %jit3A_60 = arith.constant 2048 : i32
    %broadcast_in_dim3A_61 = vector.broadcast %jit3A_60 : i32 to vector<256x2048xi32>
    %select_n3A = arith.select %le3A_59, %iota3A, %broadcast_in_dim3A_61 : vector<256x2048xi1>, vector<256x2048xi32>
    %reduce_min3A_62 = arith.constant dense<2147483647> : vector<256xi32>
    %reduce_min3A_63 = vector.multi_reduction <minsi>, %select_n3A, %reduce_min3A_62 [1] : vector<256x2048xi32> to vector<256xi32>
    %broadcast_in_dim3A_64 = vector.shape_cast %reduce_min3A_63 : vector<256xi32> to vector<256x1xi32>
    %eq3A = vector.broadcast %broadcast_in_dim3A_64 : vector<256x1xi32> to vector<256x2048xi32>
    %eq3A_65 = arith.cmpi eq, %iota3A, %eq3A : vector<256x2048xi32>
    %jit3A_66 = arith.constant 1.000000e+30 : f32
    %broadcast_in_dim3A_67 = vector.broadcast %jit3A_66 : f32 to vector<256x2048xf32>
    %select_n3A_68 = arith.select %eq3A_65, %broadcast_in_dim3A_67, %add3A_57 : vector<256x2048xi1>, vector<256x2048xf32>
    %reduce_min3A_69 = arith.constant dense<0x7F800000> : vector<256xf32>
    %reduce_min3A_70 = vector.multi_reduction <minimumf>, %select_n3A_68, %reduce_min3A_69 [1] : vector<256x2048xf32> to vector<256xf32>
    %broadcast_in_dim3A_71 = vector.shape_cast %reduce_min3A_70 : vector<256xf32> to vector<256x1xf32>
    %le3A_72 = vector.broadcast %broadcast_in_dim3A_71 : vector<256x1xf32> to vector<256x2048xf32>
    %le3A_73 = arith.cmpf ole, %select_n3A_68, %le3A_72 : vector<256x2048xf32>
    %jit3A_74 = arith.constant 2048 : i32
    %broadcast_in_dim3A_75 = vector.broadcast %jit3A_74 : i32 to vector<256x2048xi32>
    %select_n3A_76 = arith.select %le3A_73, %iota3A, %broadcast_in_dim3A_75 : vector<256x2048xi1>, vector<256x2048xi32>
    %reduce_min3A_77 = arith.constant dense<2147483647> : vector<256xi32>
    %reduce_min3A_78 = vector.multi_reduction <minsi>, %select_n3A_76, %reduce_min3A_77 [1] : vector<256x2048xi32> to vector<256xi32>
    %broadcast_in_dim3A_79 = vector.shape_cast %reduce_min3A_78 : vector<256xi32> to vector<256x1xi32>
    %eq3A_80 = vector.broadcast %broadcast_in_dim3A_79 : vector<256x1xi32> to vector<256x2048xi32>
    %eq3A_81 = arith.cmpi eq, %iota3A, %eq3A_80 : vector<256x2048xi32>
    %jit3A_82 = arith.constant 1.000000e+30 : f32
    %broadcast_in_dim3A_83 = vector.broadcast %jit3A_82 : f32 to vector<256x2048xf32>
    %select_n3A_84 = arith.select %eq3A_81, %broadcast_in_dim3A_83, %select_n3A_68 : vector<256x2048xi1>, vector<256x2048xf32>
    %reduce_min3A_85 = arith.constant dense<0x7F800000> : vector<256xf32>
    %reduce_min3A_86 = vector.multi_reduction <minimumf>, %select_n3A_84, %reduce_min3A_85 [1] : vector<256x2048xf32> to vector<256xf32>
    %broadcast_in_dim3A_87 = vector.shape_cast %reduce_min3A_86 : vector<256xf32> to vector<256x1xf32>
    %le3A_88 = vector.broadcast %broadcast_in_dim3A_87 : vector<256x1xf32> to vector<256x2048xf32>
    %le3A_89 = arith.cmpf ole, %select_n3A_84, %le3A_88 : vector<256x2048xf32>
    %jit3A_90 = arith.constant 2048 : i32
    %broadcast_in_dim3A_91 = vector.broadcast %jit3A_90 : i32 to vector<256x2048xi32>
    %select_n3A_92 = arith.select %le3A_89, %iota3A, %broadcast_in_dim3A_91 : vector<256x2048xi1>, vector<256x2048xi32>
    %reduce_min3A_93 = arith.constant dense<2147483647> : vector<256xi32>
    %reduce_min3A_94 = vector.multi_reduction <minsi>, %select_n3A_92, %reduce_min3A_93 [1] : vector<256x2048xi32> to vector<256xi32>
    %broadcast_in_dim3A_95 = vector.shape_cast %reduce_min3A_94 : vector<256xi32> to vector<256x1xi32>
    %eq3A_96 = vector.broadcast %broadcast_in_dim3A_95 : vector<256x1xi32> to vector<256x2048xi32>
    %eq3A_97 = arith.cmpi eq, %iota3A, %eq3A_96 : vector<256x2048xi32>
    %jit3A_98 = arith.constant 1.000000e+30 : f32
    %broadcast_in_dim3A_99 = vector.broadcast %jit3A_98 : f32 to vector<256x2048xf32>
    %select_n3A_100 = arith.select %eq3A_97, %broadcast_in_dim3A_99, %select_n3A_84 : vector<256x2048xi1>, vector<256x2048xf32>
    %reduce_min3A_101 = arith.constant dense<0x7F800000> : vector<256xf32>
    %reduce_min3A_102 = vector.multi_reduction <minimumf>, %select_n3A_100, %reduce_min3A_101 [1] : vector<256x2048xf32> to vector<256xf32>
    %broadcast_in_dim3A_103 = vector.shape_cast %reduce_min3A_102 : vector<256xf32> to vector<256x1xf32>
    %le3A_104 = vector.broadcast %broadcast_in_dim3A_103 : vector<256x1xf32> to vector<256x2048xf32>
    %le3A_105 = arith.cmpf ole, %select_n3A_100, %le3A_104 : vector<256x2048xf32>
    %jit3A_106 = arith.constant 2048 : i32
    %broadcast_in_dim3A_107 = vector.broadcast %jit3A_106 : i32 to vector<256x2048xi32>
    %select_n3A_108 = arith.select %le3A_105, %iota3A, %broadcast_in_dim3A_107 : vector<256x2048xi1>, vector<256x2048xi32>
    %reduce_min3A_109 = arith.constant dense<2147483647> : vector<256xi32>
    %reduce_min3A_110 = vector.multi_reduction <minsi>, %select_n3A_108, %reduce_min3A_109 [1] : vector<256x2048xi32> to vector<256xi32>
    %broadcast_in_dim3A_111 = vector.shape_cast %reduce_min3A_110 : vector<256xi32> to vector<256x1xi32>
    %eq3A_112 = vector.broadcast %broadcast_in_dim3A_111 : vector<256x1xi32> to vector<256x2048xi32>
    %eq3A_113 = arith.cmpi eq, %iota3A, %eq3A_112 : vector<256x2048xi32>
    %jit3A_114 = arith.constant 1.000000e+30 : f32
    %broadcast_in_dim3A_115 = vector.broadcast %jit3A_114 : f32 to vector<256x2048xf32>
    %select_n3A_116 = arith.select %eq3A_113, %broadcast_in_dim3A_115, %select_n3A_100 : vector<256x2048xi1>, vector<256x2048xf32>
    %reduce_min3A_117 = arith.constant dense<0x7F800000> : vector<256xf32>
    %reduce_min3A_118 = vector.multi_reduction <minimumf>, %select_n3A_116, %reduce_min3A_117 [1] : vector<256x2048xf32> to vector<256xf32>
    %broadcast_in_dim3A_119 = vector.shape_cast %reduce_min3A_118 : vector<256xf32> to vector<256x1xf32>
    %le3A_120 = vector.broadcast %broadcast_in_dim3A_119 : vector<256x1xf32> to vector<256x2048xf32>
    %le3A_121 = arith.cmpf ole, %select_n3A_116, %le3A_120 : vector<256x2048xf32>
    %jit3A_122 = arith.constant 2048 : i32
    %broadcast_in_dim3A_123 = vector.broadcast %jit3A_122 : i32 to vector<256x2048xi32>
    %select_n3A_124 = arith.select %le3A_121, %iota3A, %broadcast_in_dim3A_123 : vector<256x2048xi1>, vector<256x2048xi32>
    %reduce_min3A_125 = arith.constant dense<2147483647> : vector<256xi32>
    %reduce_min3A_126 = vector.multi_reduction <minsi>, %select_n3A_124, %reduce_min3A_125 [1] : vector<256x2048xi32> to vector<256xi32>
    %broadcast_in_dim3A_127 = vector.shape_cast %reduce_min3A_126 : vector<256xi32> to vector<256x1xi32>
    %eq3A_128 = vector.broadcast %broadcast_in_dim3A_127 : vector<256x1xi32> to vector<256x2048xi32>
    %eq3A_129 = arith.cmpi eq, %iota3A, %eq3A_128 : vector<256x2048xi32>
    %jit3A_130 = arith.constant 1.000000e+30 : f32
    %broadcast_in_dim3A_131 = vector.broadcast %jit3A_130 : f32 to vector<256x2048xf32>
    %select_n3A_132 = arith.select %eq3A_129, %broadcast_in_dim3A_131, %select_n3A_116 : vector<256x2048xi1>, vector<256x2048xf32>
    %reduce_min3A_133 = arith.constant dense<0x7F800000> : vector<256xf32>
    %reduce_min3A_134 = vector.multi_reduction <minimumf>, %select_n3A_132, %reduce_min3A_133 [1] : vector<256x2048xf32> to vector<256xf32>
    %broadcast_in_dim3A_135 = vector.shape_cast %reduce_min3A_134 : vector<256xf32> to vector<256x1xf32>
    %le3A_136 = vector.broadcast %broadcast_in_dim3A_135 : vector<256x1xf32> to vector<256x2048xf32>
    %le3A_137 = arith.cmpf ole, %select_n3A_132, %le3A_136 : vector<256x2048xf32>
    %jit3A_138 = arith.constant 2048 : i32
    %broadcast_in_dim3A_139 = vector.broadcast %jit3A_138 : i32 to vector<256x2048xi32>
    %select_n3A_140 = arith.select %le3A_137, %iota3A, %broadcast_in_dim3A_139 : vector<256x2048xi1>, vector<256x2048xi32>
    %reduce_min3A_141 = arith.constant dense<2147483647> : vector<256xi32>
    %reduce_min3A_142 = vector.multi_reduction <minsi>, %select_n3A_140, %reduce_min3A_141 [1] : vector<256x2048xi32> to vector<256xi32>
    %broadcast_in_dim3A_143 = vector.shape_cast %reduce_min3A_142 : vector<256xi32> to vector<256x1xi32>
    %eq3A_144 = vector.broadcast %broadcast_in_dim3A_143 : vector<256x1xi32> to vector<256x2048xi32>
    %eq3A_145 = arith.cmpi eq, %iota3A, %eq3A_144 : vector<256x2048xi32>
    %jit3A_146 = arith.constant 1.000000e+30 : f32
    %broadcast_in_dim3A_147 = vector.broadcast %jit3A_146 : f32 to vector<256x2048xf32>
    %select_n3A_148 = arith.select %eq3A_145, %broadcast_in_dim3A_147, %select_n3A_132 : vector<256x2048xi1>, vector<256x2048xf32>
    %reduce_min3A_149 = arith.constant dense<0x7F800000> : vector<256xf32>
    %reduce_min3A_150 = vector.multi_reduction <minimumf>, %select_n3A_148, %reduce_min3A_149 [1] : vector<256x2048xf32> to vector<256xf32>
    %broadcast_in_dim3A_151 = vector.shape_cast %reduce_min3A_150 : vector<256xf32> to vector<256x1xf32>
    %le3A_152 = vector.broadcast %broadcast_in_dim3A_151 : vector<256x1xf32> to vector<256x2048xf32>
    %le3A_153 = arith.cmpf ole, %select_n3A_148, %le3A_152 : vector<256x2048xf32>
    %jit3A_154 = arith.constant 2048 : i32
    %broadcast_in_dim3A_155 = vector.broadcast %jit3A_154 : i32 to vector<256x2048xi32>
    %select_n3A_156 = arith.select %le3A_153, %iota3A, %broadcast_in_dim3A_155 : vector<256x2048xi1>, vector<256x2048xi32>
    %reduce_min3A_157 = arith.constant dense<2147483647> : vector<256xi32>
    %reduce_min3A_158 = vector.multi_reduction <minsi>, %select_n3A_156, %reduce_min3A_157 [1] : vector<256x2048xi32> to vector<256xi32>
    %broadcast_in_dim3A_159 = vector.shape_cast %reduce_min3A_158 : vector<256xi32> to vector<256x1xi32>
    %eq3A_160 = vector.broadcast %broadcast_in_dim3A_159 : vector<256x1xi32> to vector<256x2048xi32>
    %eq3A_161 = arith.cmpi eq, %iota3A, %eq3A_160 : vector<256x2048xi32>
    %jit3A_162 = arith.constant 1.000000e+30 : f32
    %broadcast_in_dim3A_163 = vector.broadcast %jit3A_162 : f32 to vector<256x2048xf32>
    %select_n3A_164 = arith.select %eq3A_161, %broadcast_in_dim3A_163, %select_n3A_148 : vector<256x2048xi1>, vector<256x2048xf32>
    %reduce_min3A_165 = arith.constant dense<0x7F800000> : vector<256xf32>
    %reduce_min3A_166 = vector.multi_reduction <minimumf>, %select_n3A_164, %reduce_min3A_165 [1] : vector<256x2048xf32> to vector<256xf32>
    %broadcast_in_dim3A_167 = vector.shape_cast %reduce_min3A_166 : vector<256xf32> to vector<256x1xf32>
    %le3A_168 = vector.broadcast %broadcast_in_dim3A_167 : vector<256x1xf32> to vector<256x2048xf32>
    %le3A_169 = arith.cmpf ole, %select_n3A_164, %le3A_168 : vector<256x2048xf32>
    %jit3A_170 = arith.constant 2048 : i32
    %broadcast_in_dim3A_171 = vector.broadcast %jit3A_170 : i32 to vector<256x2048xi32>
    %select_n3A_172 = arith.select %le3A_169, %iota3A, %broadcast_in_dim3A_171 : vector<256x2048xi1>, vector<256x2048xi32>
    %reduce_min3A_173 = arith.constant dense<2147483647> : vector<256xi32>
    %reduce_min3A_174 = vector.multi_reduction <minsi>, %select_n3A_172, %reduce_min3A_173 [1] : vector<256x2048xi32> to vector<256xi32>
    %broadcast_in_dim3A_175 = vector.shape_cast %reduce_min3A_174 : vector<256xi32> to vector<256x1xi32>
    %eq3A_176 = vector.broadcast %broadcast_in_dim3A_175 : vector<256x1xi32> to vector<256x2048xi32>
    %eq3A_177 = arith.cmpi eq, %iota3A, %eq3A_176 : vector<256x2048xi32>
    %jit3A_178 = arith.constant 1.000000e+30 : f32
    %broadcast_in_dim3A_179 = vector.broadcast %jit3A_178 : f32 to vector<256x2048xf32>
    %select_n3A_180 = arith.select %eq3A_177, %broadcast_in_dim3A_179, %select_n3A_164 : vector<256x2048xi1>, vector<256x2048xf32>
    %reduce_min3A_181 = arith.constant dense<0x7F800000> : vector<256xf32>
    %reduce_min3A_182 = vector.multi_reduction <minimumf>, %select_n3A_180, %reduce_min3A_181 [1] : vector<256x2048xf32> to vector<256xf32>
    %broadcast_in_dim3A_183 = vector.shape_cast %reduce_min3A_182 : vector<256xf32> to vector<256x1xf32>
    %le3A_184 = vector.broadcast %broadcast_in_dim3A_183 : vector<256x1xf32> to vector<256x2048xf32>
    %le3A_185 = arith.cmpf ole, %select_n3A_180, %le3A_184 : vector<256x2048xf32>
    %jit3A_186 = arith.constant 2048 : i32
    %broadcast_in_dim3A_187 = vector.broadcast %jit3A_186 : i32 to vector<256x2048xi32>
    %select_n3A_188 = arith.select %le3A_185, %iota3A, %broadcast_in_dim3A_187 : vector<256x2048xi1>, vector<256x2048xi32>
    %reduce_min3A_189 = arith.constant dense<2147483647> : vector<256xi32>
    %reduce_min3A_190 = vector.multi_reduction <minsi>, %select_n3A_188, %reduce_min3A_189 [1] : vector<256x2048xi32> to vector<256xi32>
    %broadcast_in_dim3A_191 = vector.shape_cast %reduce_min3A_190 : vector<256xi32> to vector<256x1xi32>
    %eq3A_192 = vector.broadcast %broadcast_in_dim3A_191 : vector<256x1xi32> to vector<256x2048xi32>
    %eq3A_193 = arith.cmpi eq, %iota3A, %eq3A_192 : vector<256x2048xi32>
    %jit3A_194 = arith.constant 1.000000e+30 : f32
    %broadcast_in_dim3A_195 = vector.broadcast %jit3A_194 : f32 to vector<256x2048xf32>
    %select_n3A_196 = arith.select %eq3A_193, %broadcast_in_dim3A_195, %select_n3A_180 : vector<256x2048xi1>, vector<256x2048xf32>
    %reduce_min3A_197 = arith.constant dense<0x7F800000> : vector<256xf32>
    %reduce_min3A_198 = vector.multi_reduction <minimumf>, %select_n3A_196, %reduce_min3A_197 [1] : vector<256x2048xf32> to vector<256xf32>
    %broadcast_in_dim3A_199 = vector.shape_cast %reduce_min3A_198 : vector<256xf32> to vector<256x1xf32>
    %le3A_200 = vector.broadcast %broadcast_in_dim3A_199 : vector<256x1xf32> to vector<256x2048xf32>
    %le3A_201 = arith.cmpf ole, %select_n3A_196, %le3A_200 : vector<256x2048xf32>
    %jit3A_202 = arith.constant 2048 : i32
    %broadcast_in_dim3A_203 = vector.broadcast %jit3A_202 : i32 to vector<256x2048xi32>
    %select_n3A_204 = arith.select %le3A_201, %iota3A, %broadcast_in_dim3A_203 : vector<256x2048xi1>, vector<256x2048xi32>
    %reduce_min3A_205 = arith.constant dense<2147483647> : vector<256xi32>
    %reduce_min3A_206 = vector.multi_reduction <minsi>, %select_n3A_204, %reduce_min3A_205 [1] : vector<256x2048xi32> to vector<256xi32>
    %broadcast_in_dim3A_207 = vector.shape_cast %reduce_min3A_206 : vector<256xi32> to vector<256x1xi32>
    %eq3A_208 = vector.broadcast %broadcast_in_dim3A_207 : vector<256x1xi32> to vector<256x2048xi32>
    %eq3A_209 = arith.cmpi eq, %iota3A, %eq3A_208 : vector<256x2048xi32>
    %jit3A_210 = arith.constant 1.000000e+30 : f32
    %broadcast_in_dim3A_211 = vector.broadcast %jit3A_210 : f32 to vector<256x2048xf32>
    %select_n3A_212 = arith.select %eq3A_209, %broadcast_in_dim3A_211, %select_n3A_196 : vector<256x2048xi1>, vector<256x2048xf32>
    %reduce_min3A_213 = arith.constant dense<0x7F800000> : vector<256xf32>
    %reduce_min3A_214 = vector.multi_reduction <minimumf>, %select_n3A_212, %reduce_min3A_213 [1] : vector<256x2048xf32> to vector<256xf32>
    %broadcast_in_dim3A_215 = vector.shape_cast %reduce_min3A_214 : vector<256xf32> to vector<256x1xf32>
    %le3A_216 = vector.broadcast %broadcast_in_dim3A_215 : vector<256x1xf32> to vector<256x2048xf32>
    %le3A_217 = arith.cmpf ole, %select_n3A_212, %le3A_216 : vector<256x2048xf32>
    %jit3A_218 = arith.constant 2048 : i32
    %broadcast_in_dim3A_219 = vector.broadcast %jit3A_218 : i32 to vector<256x2048xi32>
    %select_n3A_220 = arith.select %le3A_217, %iota3A, %broadcast_in_dim3A_219 : vector<256x2048xi1>, vector<256x2048xi32>
    %reduce_min3A_221 = arith.constant dense<2147483647> : vector<256xi32>
    %reduce_min3A_222 = vector.multi_reduction <minsi>, %select_n3A_220, %reduce_min3A_221 [1] : vector<256x2048xi32> to vector<256xi32>
    %broadcast_in_dim3A_223 = vector.shape_cast %reduce_min3A_222 : vector<256xi32> to vector<256x1xi32>
    %eq3A_224 = vector.broadcast %broadcast_in_dim3A_223 : vector<256x1xi32> to vector<256x2048xi32>
    %eq3A_225 = arith.cmpi eq, %iota3A, %eq3A_224 : vector<256x2048xi32>
    %jit3A_226 = arith.constant 1.000000e+30 : f32
    %broadcast_in_dim3A_227 = vector.broadcast %jit3A_226 : f32 to vector<256x2048xf32>
    %select_n3A_228 = arith.select %eq3A_225, %broadcast_in_dim3A_227, %select_n3A_212 : vector<256x2048xi1>, vector<256x2048xf32>
    %reduce_min3A_229 = arith.constant dense<0x7F800000> : vector<256xf32>
    %reduce_min3A_230 = vector.multi_reduction <minimumf>, %select_n3A_228, %reduce_min3A_229 [1] : vector<256x2048xf32> to vector<256xf32>
    %broadcast_in_dim3A_231 = vector.shape_cast %reduce_min3A_230 : vector<256xf32> to vector<256x1xf32>
    %le3A_232 = vector.broadcast %broadcast_in_dim3A_231 : vector<256x1xf32> to vector<256x2048xf32>
    %le3A_233 = arith.cmpf ole, %select_n3A_228, %le3A_232 : vector<256x2048xf32>
    %jit3A_234 = arith.constant 2048 : i32
    %broadcast_in_dim3A_235 = vector.broadcast %jit3A_234 : i32 to vector<256x2048xi32>
    %select_n3A_236 = arith.select %le3A_233, %iota3A, %broadcast_in_dim3A_235 : vector<256x2048xi1>, vector<256x2048xi32>
    %reduce_min3A_237 = arith.constant dense<2147483647> : vector<256xi32>
    %reduce_min3A_238 = vector.multi_reduction <minsi>, %select_n3A_236, %reduce_min3A_237 [1] : vector<256x2048xi32> to vector<256xi32>
    %broadcast_in_dim3A_239 = vector.shape_cast %reduce_min3A_238 : vector<256xi32> to vector<256x1xi32>
    %eq3A_240 = vector.broadcast %broadcast_in_dim3A_239 : vector<256x1xi32> to vector<256x2048xi32>
    %eq3A_241 = arith.cmpi eq, %iota3A, %eq3A_240 : vector<256x2048xi32>
    %jit3A_242 = arith.constant 1.000000e+30 : f32
    %broadcast_in_dim3A_243 = vector.broadcast %jit3A_242 : f32 to vector<256x2048xf32>
    %select_n3A_244 = arith.select %eq3A_241, %broadcast_in_dim3A_243, %select_n3A_228 : vector<256x2048xi1>, vector<256x2048xf32>
    %reduce_min3A_245 = arith.constant dense<0x7F800000> : vector<256xf32>
    %reduce_min3A_246 = vector.multi_reduction <minimumf>, %select_n3A_244, %reduce_min3A_245 [1] : vector<256x2048xf32> to vector<256xf32>
    %broadcast_in_dim3A_247 = vector.shape_cast %reduce_min3A_246 : vector<256xf32> to vector<256x1xf32>
    %le3A_248 = vector.broadcast %broadcast_in_dim3A_247 : vector<256x1xf32> to vector<256x2048xf32>
    %le3A_249 = arith.cmpf ole, %select_n3A_244, %le3A_248 : vector<256x2048xf32>
    %jit3A_250 = arith.constant 2048 : i32
    %broadcast_in_dim3A_251 = vector.broadcast %jit3A_250 : i32 to vector<256x2048xi32>
    %select_n3A_252 = arith.select %le3A_249, %iota3A, %broadcast_in_dim3A_251 : vector<256x2048xi1>, vector<256x2048xi32>
    %reduce_min3A_253 = arith.constant dense<2147483647> : vector<256xi32>
    %reduce_min3A_254 = vector.multi_reduction <minsi>, %select_n3A_252, %reduce_min3A_253 [1] : vector<256x2048xi32> to vector<256xi32>
    %broadcast_in_dim3A_255 = vector.shape_cast %reduce_min3A_254 : vector<256xi32> to vector<256x1xi32>
    %eq3A_256 = vector.broadcast %broadcast_in_dim3A_255 : vector<256x1xi32> to vector<256x2048xi32>
    %eq3A_257 = arith.cmpi eq, %iota3A, %eq3A_256 : vector<256x2048xi32>
    %jit3A_258 = arith.constant 1.000000e+30 : f32
    %broadcast_in_dim3A_259 = vector.broadcast %jit3A_258 : f32 to vector<256x2048xf32>
    %select_n3A_260 = arith.select %eq3A_257, %broadcast_in_dim3A_259, %select_n3A_244 : vector<256x2048xi1>, vector<256x2048xf32>
    %reduce_min3A_261 = arith.constant dense<0x7F800000> : vector<256xf32>
    %reduce_min3A_262 = vector.multi_reduction <minimumf>, %select_n3A_260, %reduce_min3A_261 [1] : vector<256x2048xf32> to vector<256xf32>
    %broadcast_in_dim3A_263 = vector.shape_cast %reduce_min3A_262 : vector<256xf32> to vector<256x1xf32>
    %le3A_264 = vector.broadcast %broadcast_in_dim3A_263 : vector<256x1xf32> to vector<256x2048xf32>
    %le3A_265 = arith.cmpf ole, %select_n3A_260, %le3A_264 : vector<256x2048xf32>
    %jit3A_266 = arith.constant 2048 : i32
    %broadcast_in_dim3A_267 = vector.broadcast %jit3A_266 : i32 to vector<256x2048xi32>
    %select_n3A_268 = arith.select %le3A_265, %iota3A, %broadcast_in_dim3A_267 : vector<256x2048xi1>, vector<256x2048xi32>
    %reduce_min3A_269 = arith.constant dense<2147483647> : vector<256xi32>
    %reduce_min3A_270 = vector.multi_reduction <minsi>, %select_n3A_268, %reduce_min3A_269 [1] : vector<256x2048xi32> to vector<256xi32>
    %broadcast_in_dim3A_271 = vector.shape_cast %reduce_min3A_270 : vector<256xi32> to vector<256x1xi32>
    %eq3A_272 = vector.broadcast %broadcast_in_dim3A_271 : vector<256x1xi32> to vector<256x2048xi32>
    %eq3A_273 = arith.cmpi eq, %iota3A, %eq3A_272 : vector<256x2048xi32>
    %jit3A_274 = arith.constant 1.000000e+30 : f32
    %broadcast_in_dim3A_275 = vector.broadcast %jit3A_274 : f32 to vector<256x2048xf32>
    %select_n3A_276 = arith.select %eq3A_273, %broadcast_in_dim3A_275, %select_n3A_260 : vector<256x2048xi1>, vector<256x2048xf32>
    %reduce_min3A_277 = arith.constant dense<0x7F800000> : vector<256xf32>
    %reduce_min3A_278 = vector.multi_reduction <minimumf>, %select_n3A_276, %reduce_min3A_277 [1] : vector<256x2048xf32> to vector<256xf32>
    %broadcast_in_dim3A_279 = vector.shape_cast %reduce_min3A_278 : vector<256xf32> to vector<256x1xf32>
    %le3A_280 = vector.broadcast %broadcast_in_dim3A_279 : vector<256x1xf32> to vector<256x2048xf32>
    %le3A_281 = arith.cmpf ole, %select_n3A_276, %le3A_280 : vector<256x2048xf32>
    %jit3A_282 = arith.constant 2048 : i32
    %broadcast_in_dim3A_283 = vector.broadcast %jit3A_282 : i32 to vector<256x2048xi32>
    %select_n3A_284 = arith.select %le3A_281, %iota3A, %broadcast_in_dim3A_283 : vector<256x2048xi1>, vector<256x2048xi32>
    %reduce_min3A_285 = arith.constant dense<2147483647> : vector<256xi32>
    %reduce_min3A_286 = vector.multi_reduction <minsi>, %select_n3A_284, %reduce_min3A_285 [1] : vector<256x2048xi32> to vector<256xi32>
    %broadcast_in_dim3A_287 = vector.shape_cast %reduce_min3A_286 : vector<256xi32> to vector<256x1xi32>
    %eq3A_288 = vector.broadcast %broadcast_in_dim3A_287 : vector<256x1xi32> to vector<256x2048xi32>
    %eq3A_289 = arith.cmpi eq, %iota3A, %eq3A_288 : vector<256x2048xi32>
    %jit3A_290 = arith.constant 1.000000e+30 : f32
    %broadcast_in_dim3A_291 = vector.broadcast %jit3A_290 : f32 to vector<256x2048xf32>
    %select_n3A_292 = arith.select %eq3A_289, %broadcast_in_dim3A_291, %select_n3A_276 : vector<256x2048xi1>, vector<256x2048xf32>
    %reduce_min3A_293 = arith.constant dense<0x7F800000> : vector<256xf32>
    %reduce_min3A_294 = vector.multi_reduction <minimumf>, %select_n3A_292, %reduce_min3A_293 [1] : vector<256x2048xf32> to vector<256xf32>
    %broadcast_in_dim3A_295 = vector.shape_cast %reduce_min3A_294 : vector<256xf32> to vector<256x1xf32>
    %le3A_296 = vector.broadcast %broadcast_in_dim3A_295 : vector<256x1xf32> to vector<256x2048xf32>
    %le3A_297 = arith.cmpf ole, %select_n3A_292, %le3A_296 : vector<256x2048xf32>
    %jit3A_298 = arith.constant 2048 : i32
    %broadcast_in_dim3A_299 = vector.broadcast %jit3A_298 : i32 to vector<256x2048xi32>
    %select_n3A_300 = arith.select %le3A_297, %iota3A, %broadcast_in_dim3A_299 : vector<256x2048xi1>, vector<256x2048xi32>
    %reduce_min3A_301 = arith.constant dense<2147483647> : vector<256xi32>
    %reduce_min3A_302 = vector.multi_reduction <minsi>, %select_n3A_300, %reduce_min3A_301 [1] : vector<256x2048xi32> to vector<256xi32>
    %broadcast_in_dim3A_303 = vector.shape_cast %reduce_min3A_302 : vector<256xi32> to vector<256x1xi32>
    %concatenate3A_304 = tpu.concatenate %broadcast_in_dim3A_64, %broadcast_in_dim3A_79, %broadcast_in_dim3A_95, %broadcast_in_dim3A_111, %broadcast_in_dim3A_127, %broadcast_in_dim3A_143, %broadcast_in_dim3A_159, %broadcast_in_dim3A_175, %broadcast_in_dim3A_191, %broadcast_in_dim3A_207, %broadcast_in_dim3A_223, %broadcast_in_dim3A_239, %broadcast_in_dim3A_255, %broadcast_in_dim3A_271, %broadcast_in_dim3A_287, %broadcast_in_dim3A_303 in 1 : vector<256x1xi32>, vector<256x1xi32>, vector<256x1xi32>, vector<256x1xi32>, vector<256x1xi32>, vector<256x1xi32>, vector<256x1xi32>, vector<256x1xi32>, vector<256x1xi32>, vector<256x1xi32>, vector<256x1xi32>, vector<256x1xi32>, vector<256x1xi32>, vector<256x1xi32>, vector<256x1xi32>, vector<256x1xi32> -> vector<256x16xi32>
    %mul3A_305 = arith.constant 2048 : i32
    %mul3A_306 = arith.muli %arg0, %mul3A_305 : i32
    %add3A_307 = vector.broadcast %mul3A_306 : i32 to vector<256x16xi32>
    %add3A_308 = arith.addi %concatenate3A_304, %add3A_307 : vector<256x16xi32>
    %swap3A_309 = arith.constant 0 : index
    %swap3A_310 = arith.constant 0 : index
    %swap3A_311 = arith.constant 0 : index
    %swap3A_312 = vector.load %arg9[%swap3A_309, %swap3A_310, %swap3A_311] : memref<1x256x16xi32, #tpu.memory_space<vmem>>, vector<1x256x16xi32>
    %swap3A_313 = vector.shape_cast %swap3A_312 : vector<1x256x16xi32> to vector<256x16xi32>
    %swap3A_314 = vector.shape_cast %add3A_308 : vector<256x16xi32> to vector<1x256x16xi32>
    tpu.vector_store %arg9[%swap3A_309, %swap3A_310, %swap3A_311], %swap3A_314 {strides = array<i32>} : memref<1x256x16xi32, #tpu.memory_space<vmem>>, vector<1x256x16xi32>,
    return
  }
  func.func @transform_0(%arg0: i32, %arg1: i32) -> (i32, i32, i32) {
    %c0_i32 = arith.constant 0 : i32
    %c0_i32_0 = arith.constant 0 : i32
    return %arg0, %arg1, %c0_i32 : i32, i32, i32
  }
  func.func @transform_1(%arg0: i32, %arg1: i32) -> (i32, i32, i32) {
    %c0_i32 = arith.constant 0 : i32
    %c0_i32_0 = arith.constant 0 : i32
    return %arg0, %arg1, %c0_i32 : i32, i32, i32
  }
  func.func @transform_2(%arg0: i32, %arg1: i32) -> (i32, i32, i32) {
    %c0_i32 = arith.constant 0 : i32
    %c0_i32_0 = arith.constant 0 : i32
    %c0_i32_1 = arith.constant 0 : i32
    return %arg0, %c0_i32, %c0_i32_0 : i32, i32, i32
  }
  func.func @transform_3(%arg0: i32, %arg1: i32) -> (i32, i32) {
    %c0_i32 = arith.constant 0 : i32
    %c0_i32_0 = arith.constant 0 : i32
    %c0_i32_1 = arith.constant 0 : i32
    return %c0_i32, %c0_i32_0 : i32, i32
  }
  func.func @transform_4(%arg0: i32, %arg1: i32) -> (i32, i32) {
    %c0_i32 = arith.constant 0 : i32
    %c0_i32_0 = arith.constant 0 : i32
    %c0_i32_1 = arith.constant 0 : i32
    return %c0_i32, %c0_i32_0 : i32, i32
  }
  func.func @transform_5(%arg0: i32, %arg1: i32) -> (i32, i32, i32) {
    %c0_i32 = arith.constant 0 : i32
    %c0_i32_0 = arith.constant 0 : i32
    return %arg0, %arg1, %c0_i32 : i32, i32, i32
  }
  func.func @transform_6(%arg0: i32, %arg1: i32) -> (i32, i32, i32) {
    %c0_i32 = arith.constant 0 : i32
    %c0_i32_0 = arith.constant 0 : i32
    return %arg0, %arg1, %c0_i32 : i32, i32, i32
  }
  func.func @transform_7(%arg0: i32, %arg1: i32) -> (i32, i32, i32) {
    %c0_i32 = arith.constant 0 : i32
    %c0_i32_0 = arith.constant 0 : i32
    return %arg0, %arg1, %c0_i32 : i32, i32, i32
  }
}

module attributes {stable_mosaic.version = 14 : i64} {
  func.func @_rstat_body(%arg0: i32, %arg1: memref<4096x144xf32, #tpu.memory_space<vmem>>, %arg2: memref<256x3xf32, #tpu.memory_space<vmem>>, %arg3: memref<1x3xf32, #tpu.memory_space<vmem>>, %arg4: memref<3x3xf32, #tpu.memory_space<vmem>>) attributes {dimension_semantics = [#tpu.dimension_semantics<arbitrary>], iteration_bounds = array<i64: 32>, scalar_prefetch = 0 : i64, scratch_operands = 0 : i64, tpu.core_type = #tpu.core_type<tc>, window_params = [{transform_indices = @transform_0, window_bounds = array<i64: 4096, 144>}, {transform_indices = @transform_1, window_bounds = array<i64: 256, 3>}, {pipeline_mode = #tpu.pipeline_mode<synchronous>, transform_indices = @transform_2, window_bounds = array<i64: 1, 3>}, {pipeline_mode = #tpu.pipeline_mode<synchronous>, transform_indices = @transform_3, window_bounds = array<i64: 3, 3>}]} {
    %get3A = arith.constant 0 : index
    %get3A_0 = arith.constant 0 : index
    %get3A_1 = vector.load %arg2[%get3A, %get3A_0] : memref<256x3xf32, #tpu.memory_space<vmem>>, vector<256x3xf32>
    %broadcast_in_dim3A = vector.shape_cast %get3A_1 : vector<256x3xf32> to vector<256x1x3xf32>
    %broadcast_in_dim3A_2 = vector.shape_cast %broadcast_in_dim3A : vector<256x1x3xf32> to vector<256x1x3xf32>
    %broadcast_in_dim3A_3 = vector.broadcast %broadcast_in_dim3A_2 : vector<256x1x3xf32> to vector<256x16x3xf32>
    %reshape3A = vector.shape_cast %broadcast_in_dim3A_3 : vector<256x16x3xf32> to vector<4096x3xf32>
    %get3A_4 = arith.constant 0 : index
    %get3A_5 = arith.constant 0 : index
    %get3A_6 = vector.load %arg1[%get3A_4, %get3A_5] : memref<4096x144xf32, #tpu.memory_space<vmem>>, vector<4096x144xf32>
    %slice3A = vector.extract_strided_slice %get3A_6 {offsets = [0, 128], sizes = [4096, 3], strides = [1, 1]} : vector<4096x144xf32> to vector<4096x3xf32>
    %sub3A = arith.subf %reshape3A, %slice3A : vector<4096x3xf32>
    %reduce_sum3A = arith.constant dense<0.000000e+00> : vector<3xf32>
    %reduce_sum3A_7 = vector.multi_reduction <add>, %sub3A, %reduce_sum3A [0] : vector<4096x3xf32> to vector<3xf32>
    %broadcast_in_dim3A_8 = vector.shape_cast %reduce_sum3A_7 : vector<3xf32> to vector<1x3xf32>
    %dot_general3A = arith.constant dense<0.000000e+00> : vector<3x3xf32>
    %dot_general3A_9 = tpu.matmul %sub3A, %sub3A, %dot_general3A {dimension_numbers = #tpu.dot_dimension_numbers<[0], [0], [1], [1], [0, 1, 1, 1], [], []>, transpose_lhs_hint = false} : vector<4096x3xf32>, vector<4096x3xf32>, vector<3x3xf32> -> vector<3x3xf32>
    %eq3A = arith.constant 0 : i32
    %eq3A_10 = arith.cmpi eq, %arg0, %eq3A : i32
    %convert_element_type3A = arith.extui %eq3A_10 : i1 to i32
    %cond3A = arith.constant 0 : i32
    %cond3A_11 = arith.cmpi ne, %convert_element_type3A, %cond3A : i32
    scf.if %cond3A_11 {
      %broadcast_in_dim3A_24 = arith.constant 0.000000e+00 : f32
      %broadcast_in_dim3A_25 = vector.broadcast %broadcast_in_dim3A_24 : f32 to vector<1x3xf32>
      %swap3A_26 = arith.constant 0 : index
      %swap3A_27 = arith.constant 0 : index
      %swap3A_28 = vector.load %arg3[%swap3A_26, %swap3A_27] : memref<1x3xf32, #tpu.memory_space<vmem>>, vector<1x3xf32>
      tpu.vector_store %arg3[%swap3A_26, %swap3A_27], %broadcast_in_dim3A_25 {strides = array<i32>} : memref<1x3xf32, #tpu.memory_space<vmem>>, vector<1x3xf32>,
      %broadcast_in_dim3A_29 = arith.constant 0.000000e+00 : f32
      %broadcast_in_dim3A_30 = vector.broadcast %broadcast_in_dim3A_29 : f32 to vector<3x3xf32>
      %swap3A_31 = arith.constant 0 : index
      %swap3A_32 = arith.constant 0 : index
      %swap3A_33 = vector.load %arg4[%swap3A_31, %swap3A_32] : memref<3x3xf32, #tpu.memory_space<vmem>>, vector<3x3xf32>
      tpu.vector_store %arg4[%swap3A_31, %swap3A_32], %broadcast_in_dim3A_30 {strides = array<i32>} : memref<3x3xf32, #tpu.memory_space<vmem>>, vector<3x3xf32>,
    } else {
    }
    %get3A_12 = arith.constant 0 : index
    %get3A_13 = arith.constant 0 : index
    %get3A_14 = vector.load %arg3[%get3A_12, %get3A_13] : memref<1x3xf32, #tpu.memory_space<vmem>>, vector<1x3xf32>
    %add3A = arith.addf %get3A_14, %broadcast_in_dim3A_8 : vector<1x3xf32>
    %swap3A = arith.constant 0 : index
    %swap3A_15 = arith.constant 0 : index
    %swap3A_16 = vector.load %arg3[%swap3A, %swap3A_15] : memref<1x3xf32, #tpu.memory_space<vmem>>, vector<1x3xf32>
    tpu.vector_store %arg3[%swap3A, %swap3A_15], %add3A {strides = array<i32>} : memref<1x3xf32, #tpu.memory_space<vmem>>, vector<1x3xf32>,
    %get3A_17 = arith.constant 0 : index
    %get3A_18 = arith.constant 0 : index
    %get3A_19 = vector.load %arg4[%get3A_17, %get3A_18] : memref<3x3xf32, #tpu.memory_space<vmem>>, vector<3x3xf32>
    %add3A_20 = arith.addf %get3A_19, %dot_general3A_9 : vector<3x3xf32>
    %swap3A_21 = arith.constant 0 : index
    %swap3A_22 = arith.constant 0 : index
    %swap3A_23 = vector.load %arg4[%swap3A_21, %swap3A_22] : memref<3x3xf32, #tpu.memory_space<vmem>>, vector<3x3xf32>
    tpu.vector_store %arg4[%swap3A_21, %swap3A_22], %add3A_20 {strides = array<i32>} : memref<3x3xf32, #tpu.memory_space<vmem>>, vector<3x3xf32>,
    return
  }
  func.func @transform_0(%arg0: i32) -> (i32, i32) {
    %c0_i32 = arith.constant 0 : i32
    %c0_i32_0 = arith.constant 0 : i32
    return %arg0, %c0_i32 : i32, i32
  }
  func.func @transform_1(%arg0: i32) -> (i32, i32) {
    %c0_i32 = arith.constant 0 : i32
    %c0_i32_0 = arith.constant 0 : i32
    return %arg0, %c0_i32 : i32, i32
  }
  func.func @transform_2(%arg0: i32) -> (i32, i32) {
    %c0_i32 = arith.constant 0 : i32
    %c0_i32_0 = arith.constant 0 : i32
    %c0_i32_1 = arith.constant 0 : i32
    return %c0_i32, %c0_i32_0 : i32, i32
  }
  func.func @transform_3(%arg0: i32) -> (i32, i32) {
    %c0_i32 = arith.constant 0 : i32
    %c0_i32_0 = arith.constant 0 : i32
    %c0_i32_1 = arith.constant 0 : i32
    return %c0_i32, %c0_i32_0 : i32, i32
  }
}

module attributes {stable_mosaic.version = 14 : i64} {
  func.func @_fin_body(%arg0: memref<1x3xf32, #tpu.memory_space<vmem>>, %arg1: memref<3x3xf32, #tpu.memory_space<vmem>>, %arg2: memref<3x64xf32, #tpu.memory_space<vmem>>, %arg3: memref<1x64xf32, #tpu.memory_space<vmem>>, %arg4: memref<1x64xf32, #tpu.memory_space<vmem>>, %arg5: memref<1x64xf32, #tpu.memory_space<vmem>>, %arg6: memref<1x64xf32, #tpu.memory_space<vmem>>, %arg7: memref<1x64xf32, #tpu.memory_space<vmem>>) attributes {dimension_semantics = [], scalar_prefetch = 0 : i64, scratch_operands = 0 : i64, tpu.core_type = #tpu.core_type<tc>} {
    %get3A = arith.constant 0 : index
    %get3A_0 = arith.constant 0 : index
    %get3A_1 = vector.load %arg0[%get3A, %get3A_0] : memref<1x3xf32, #tpu.memory_space<vmem>>, vector<1x3xf32>
    %mul3A = arith.constant 7.62939453E-6 : f32
    %mul3A_2 = vector.broadcast %mul3A : f32 to vector<1x3xf32>
    %mul3A_3 = arith.mulf %get3A_1, %mul3A_2 : vector<1x3xf32>
    %get3A_4 = arith.constant 0 : index
    %get3A_5 = arith.constant 0 : index
    %get3A_6 = vector.load %arg1[%get3A_4, %get3A_5] : memref<3x3xf32, #tpu.memory_space<vmem>>, vector<3x3xf32>
    %mul3A_7 = arith.constant 7.62939453E-6 : f32
    %mul3A_8 = vector.broadcast %mul3A_7 : f32 to vector<3x3xf32>
    %mul3A_9 = arith.mulf %get3A_6, %mul3A_8 : vector<3x3xf32>
    %dot_general3A = arith.constant dense<0.000000e+00> : vector<3x3xf32>
    %dot_general3A_10 = tpu.matmul %mul3A_3, %mul3A_3, %dot_general3A {dimension_numbers = #tpu.dot_dimension_numbers<[0], [0], [1], [1], [0, 1, 1, 1], [], []>, transpose_lhs_hint = false} : vector<1x3xf32>, vector<1x3xf32>, vector<3x3xf32> -> vector<3x3xf32>
    %sub3A = arith.subf %mul3A_9, %dot_general3A_10 : vector<3x3xf32>
    %get3A_11 = arith.constant 0 : index
    %get3A_12 = arith.constant 0 : index
    %get3A_13 = vector.load %arg2[%get3A_11, %get3A_12] : memref<3x64xf32, #tpu.memory_space<vmem>>, vector<3x64xf32>
    %dot_general3A_14 = arith.constant dense<0.000000e+00> : vector<3x64xf32>
    %dot_general3A_15 = tpu.matmul %sub3A, %get3A_13, %dot_general3A_14 {dimension_numbers = #tpu.dot_dimension_numbers<[1], [0], [0], [1], [0, 0, 1, 1], [], []>, transpose_lhs_hint = false} : vector<3x3xf32>, vector<3x64xf32>, vector<3x64xf32> -> vector<3x64xf32>
    %get3A_16 = arith.constant 0 : index
    %get3A_17 = arith.constant 0 : index
    %get3A_18 = vector.load %arg2[%get3A_16, %get3A_17] : memref<3x64xf32, #tpu.memory_space<vmem>>, vector<3x64xf32>
    %mul3A_19 = arith.mulf %dot_general3A_15, %get3A_18 : vector<3x64xf32>
    %reduce_sum3A = arith.constant dense<0.000000e+00> : vector<64xf32>
    %reduce_sum3A_20 = vector.multi_reduction <add>, %mul3A_19, %reduce_sum3A [0] : vector<3x64xf32> to vector<64xf32>
    %broadcast_in_dim3A = vector.shape_cast %reduce_sum3A_20 : vector<64xf32> to vector<1x64xf32>
    %get3A_21 = arith.constant 0 : index
    %get3A_22 = arith.constant 0 : index
    %get3A_23 = vector.load %arg2[%get3A_21, %get3A_22] : memref<3x64xf32, #tpu.memory_space<vmem>>, vector<3x64xf32>
    %dot_general3A_24 = arith.constant dense<0.000000e+00> : vector<1x64xf32>
    %dot_general3A_25 = tpu.matmul %mul3A_3, %get3A_23, %dot_general3A_24 {dimension_numbers = #tpu.dot_dimension_numbers<[1], [0], [0], [1], [0, 0, 1, 1], [], []>, transpose_lhs_hint = false} : vector<1x3xf32>, vector<3x64xf32>, vector<1x64xf32> -> vector<1x64xf32>
    %get3A_26 = arith.constant 0 : index
    %get3A_27 = arith.constant 0 : index
    %get3A_28 = vector.load %arg3[%get3A_26, %get3A_27] : memref<1x64xf32, #tpu.memory_space<vmem>>, vector<1x64xf32>
    %add3A = arith.addf %dot_general3A_25, %get3A_28 : vector<1x64xf32>
    %get3A_29 = arith.constant 0 : index
    %get3A_30 = arith.constant 0 : index
    %get3A_31 = vector.load %arg4[%get3A_29, %get3A_30] : memref<1x64xf32, #tpu.memory_space<vmem>>, vector<1x64xf32>
    %add3A_32 = arith.constant 9.99999974E-6 : f32
    %add3A_33 = vector.broadcast %add3A_32 : f32 to vector<1x64xf32>
    %add3A_34 = arith.addf %broadcast_in_dim3A, %add3A_33 : vector<1x64xf32>
    %rsqrt3A = math.rsqrt %add3A_34 : vector<1x64xf32>
    %mul3A_35 = arith.mulf %get3A_31, %rsqrt3A : vector<1x64xf32>
    %swap3A = arith.constant 0 : index
    %swap3A_36 = arith.constant 0 : index
    %swap3A_37 = vector.load %arg6[%swap3A, %swap3A_36] : memref<1x64xf32, #tpu.memory_space<vmem>>, vector<1x64xf32>
    tpu.vector_store %arg6[%swap3A, %swap3A_36], %mul3A_35 {strides = array<i32>} : memref<1x64xf32, #tpu.memory_space<vmem>>, vector<1x64xf32>,
    %get3A_38 = arith.constant 0 : index
    %get3A_39 = arith.constant 0 : index
    %get3A_40 = vector.load %arg5[%get3A_38, %get3A_39] : memref<1x64xf32, #tpu.memory_space<vmem>>, vector<1x64xf32>
    %get3A_41 = arith.constant 0 : index
    %get3A_42 = arith.constant 0 : index
    %get3A_43 = vector.load %arg3[%get3A_41, %get3A_42] : memref<1x64xf32, #tpu.memory_space<vmem>>, vector<1x64xf32>
    %sub3A_44 = arith.subf %get3A_43, %add3A : vector<1x64xf32>
    %mul3A_45 = arith.mulf %sub3A_44, %mul3A_35 : vector<1x64xf32>
    %add3A_46 = arith.addf %get3A_40, %mul3A_45 : vector<1x64xf32>
    %swap3A_47 = arith.constant 0 : index
    %swap3A_48 = arith.constant 0 : index
    %swap3A_49 = vector.load %arg7[%swap3A_47, %swap3A_48] : memref<1x64xf32, #tpu.memory_space<vmem>>, vector<1x64xf32>
    tpu.vector_store %arg7[%swap3A_47, %swap3A_48], %add3A_46 {strides = array<i32>} : memref<1x64xf32, #tpu.memory_space<vmem>>, vector<1x64xf32>,
    return
  }
}

module attributes {stable_mosaic.version = 14 : i64} {
  func.func @_ustat_body(%arg0: i32, %arg1: memref<2048x144xf32, #tpu.memory_space<vmem>>, %arg2: memref<128x64xf32, #tpu.memory_space<vmem>>, %arg3: memref<128x3xf32, #tpu.memory_space<vmem>>, %arg4: memref<3x64xf32, #tpu.memory_space<vmem>>, %arg5: memref<64x64xf32, #tpu.memory_space<vmem>>, %arg6: memref<1x64xf32, #tpu.memory_space<vmem>>, %arg7: memref<1x64xf32, #tpu.memory_space<vmem>>, %arg8: memref<1x64xf32, #tpu.memory_space<vmem>>, %arg9: memref<1x64xf32, #tpu.memory_space<vmem>>, %arg10: memref<64x64xf32, #tpu.memory_space<vmem>>) attributes {dimension_semantics = [#tpu.dimension_semantics<arbitrary>], iteration_bounds = array<i64: 64>, scalar_prefetch = 0 : i64, scratch_operands = 0 : i64, tpu.core_type = #tpu.core_type<tc>, window_params = [{transform_indices = @transform_0, window_bounds = array<i64: 2048, 144>}, {transform_indices = @transform_1, window_bounds = array<i64: 128, 64>}, {transform_indices = @transform_2, window_bounds = array<i64: 128, 3>}, {pipeline_mode = #tpu.pipeline_mode<synchronous>, transform_indices = @transform_3, window_bounds = array<i64: 3, 64>}, {pipeline_mode = #tpu.pipeline_mode<synchronous>, transform_indices = @transform_4, window_bounds = array<i64: 64, 64>}, {pipeline_mode = #tpu.pipeline_mode<synchronous>, transform_indices = @transform_5, window_bounds = array<i64: 1, 64>}, {pipeline_mode = #tpu.pipeline_mode<synchronous>, transform_indices = @transform_6, window_bounds = array<i64: 1, 64>}, {pipeline_mode = #tpu.pipeline_mode<synchronous>, transform_indices = @transform_7, window_bounds = array<i64: 1, 64>}, {pipeline_mode = #tpu.pipeline_mode<synchronous>, transform_indices = @transform_8, window_bounds = array<i64: 1, 64>}, {pipeline_mode = #tpu.pipeline_mode<synchronous>, transform_indices = @transform_9, window_bounds = array<i64: 64, 64>}]} {
    %get3A = arith.constant 0 : index
    %get3A_0 = arith.constant 0 : index
    %get3A_1 = vector.load %arg1[%get3A, %get3A_0] : memref<2048x144xf32, #tpu.memory_space<vmem>>, vector<2048x144xf32>
    %get3A_2 = arith.constant 0 : index
    %get3A_3 = arith.constant 0 : index
    %get3A_4 = vector.load %arg3[%get3A_2, %get3A_3] : memref<128x3xf32, #tpu.memory_space<vmem>>, vector<128x3xf32>
    %broadcast_in_dim3A = vector.shape_cast %get3A_4 : vector<128x3xf32> to vector<128x1x3xf32>
    %broadcast_in_dim3A_5 = vector.shape_cast %broadcast_in_dim3A : vector<128x1x3xf32> to vector<128x1x3xf32>
    %broadcast_in_dim3A_6 = vector.broadcast %broadcast_in_dim3A_5 : vector<128x1x3xf32> to vector<128x16x3xf32>
    %reshape3A = vector.shape_cast %broadcast_in_dim3A_6 : vector<128x16x3xf32> to vector<2048x3xf32>
    %slice3A = vector.extract_strided_slice %get3A_1 {offsets = [0, 128], sizes = [2048, 3], strides = [1, 1]} : vector<2048x144xf32> to vector<2048x3xf32>
    %sub3A = arith.subf %reshape3A, %slice3A : vector<2048x3xf32>
    %get3A_7 = arith.constant 0 : index
    %get3A_8 = arith.constant 0 : index
    %get3A_9 = vector.load %arg4[%get3A_7, %get3A_8] : memref<3x64xf32, #tpu.memory_space<vmem>>, vector<3x64xf32>
    %dot_general3A = arith.constant dense<0.000000e+00> : vector<2048x64xf32>
    %dot_general3A_10 = tpu.matmul %sub3A, %get3A_9, %dot_general3A {dimension_numbers = #tpu.dot_dimension_numbers<[1], [0], [0], [1], [0, 0, 1, 1], [], []>, transpose_lhs_hint = false} : vector<2048x3xf32>, vector<3x64xf32>, vector<2048x64xf32> -> vector<2048x64xf32>
    %get3A_11 = arith.constant 0 : index
    %get3A_12 = arith.constant 0 : index
    %get3A_13 = vector.load %arg7[%get3A_11, %get3A_12] : memref<1x64xf32, #tpu.memory_space<vmem>>, vector<1x64xf32>
    %mul3A = vector.broadcast %get3A_13 : vector<1x64xf32> to vector<2048x64xf32>
    %mul3A_14 = arith.mulf %dot_general3A_10, %mul3A : vector<2048x64xf32>
    %get3A_15 = arith.constant 0 : index
    %get3A_16 = arith.constant 0 : index
    %get3A_17 = vector.load %arg8[%get3A_15, %get3A_16] : memref<1x64xf32, #tpu.memory_space<vmem>>, vector<1x64xf32>
    %add3A = vector.broadcast %get3A_17 : vector<1x64xf32> to vector<2048x64xf32>
    %add3A_18 = arith.addf %mul3A_14, %add3A : vector<2048x64xf32>
    %max3A = arith.constant 0.000000e+00 : f32
    %max3A_19 = vector.broadcast %max3A : f32 to vector<2048x64xf32>
    %max3A_20 = arith.maximumf %add3A_18, %max3A_19 : vector<2048x64xf32>
    %get3A_21 = arith.constant 0 : index
    %get3A_22 = arith.constant 0 : index
    %get3A_23 = vector.load %arg5[%get3A_21, %get3A_22] : memref<64x64xf32, #tpu.memory_space<vmem>>, vector<64x64xf32>
    %dot_general3A_24 = arith.constant dense<0.000000e+00> : vector<2048x64xf32>
    %dot_general3A_25 = tpu.matmul %max3A_20, %get3A_23, %dot_general3A_24 {dimension_numbers = #tpu.dot_dimension_numbers<[1], [0], [0], [1], [0, 0, 1, 1], [], []>, transpose_lhs_hint = false} : vector<2048x64xf32>, vector<64x64xf32>, vector<2048x64xf32> -> vector<2048x64xf32>
    %get3A_26 = arith.constant 0 : index
    %get3A_27 = arith.constant 0 : index
    %get3A_28 = vector.load %arg6[%get3A_26, %get3A_27] : memref<1x64xf32, #tpu.memory_space<vmem>>, vector<1x64xf32>
    %add3A_29 = vector.broadcast %get3A_28 : vector<1x64xf32> to vector<2048x64xf32>
    %add3A_30 = arith.addf %dot_general3A_25, %add3A_29 : vector<2048x64xf32>
    %get3A_31 = arith.constant 0 : index
    %get3A_32 = arith.constant 0 : index
    %get3A_33 = vector.load %arg2[%get3A_31, %get3A_32] : memref<128x64xf32, #tpu.memory_space<vmem>>, vector<128x64xf32>
    %broadcast_in_dim3A_34 = vector.shape_cast %get3A_33 : vector<128x64xf32> to vector<128x1x64xf32>
    %broadcast_in_dim3A_35 = vector.shape_cast %broadcast_in_dim3A_34 : vector<128x1x64xf32> to vector<128x1x64xf32>
    %broadcast_in_dim3A_36 = vector.broadcast %broadcast_in_dim3A_35 : vector<128x1x64xf32> to vector<128x16x64xf32>
    %reshape3A_37 = vector.shape_cast %broadcast_in_dim3A_36 : vector<128x16x64xf32> to vector<2048x64xf32>
    %slice3A_38 = vector.extract_strided_slice %get3A_1 {offsets = [0, 0], sizes = [2048, 64], strides = [1, 1]} : vector<2048x144xf32> to vector<2048x64xf32>
    %sub3A_39 = arith.subf %reshape3A_37, %slice3A_38 : vector<2048x64xf32>
    %add3A_40 = arith.addf %sub3A_39, %add3A_30 : vector<2048x64xf32>
    %reduce_sum3A = arith.constant dense<0.000000e+00> : vector<64xf32>
    %reduce_sum3A_41 = vector.multi_reduction <add>, %add3A_40, %reduce_sum3A [0] : vector<2048x64xf32> to vector<64xf32>
    %broadcast_in_dim3A_42 = vector.shape_cast %reduce_sum3A_41 : vector<64xf32> to vector<1x64xf32>
    %dot_general3A_43 = arith.constant dense<0.000000e+00> : vector<64x64xf32>
    %dot_general3A_44 = tpu.matmul %add3A_40, %add3A_40, %dot_general3A_43 {dimension_numbers = #tpu.dot_dimension_numbers<[0], [0], [1], [1], [0, 1, 1, 1], [], []>, transpose_lhs_hint = false} : vector<2048x64xf32>, vector<2048x64xf32>, vector<64x64xf32> -> vector<64x64xf32>
    %eq3A = arith.constant 0 : i32
    %eq3A_45 = arith.cmpi eq, %arg0, %eq3A : i32
    %convert_element_type3A = arith.extui %eq3A_45 : i1 to i32
    %cond3A = arith.constant 0 : i32
    %cond3A_46 = arith.cmpi ne, %convert_element_type3A, %cond3A : i32
    scf.if %cond3A_46 {
      %broadcast_in_dim3A_60 = arith.constant 0.000000e+00 : f32
      %broadcast_in_dim3A_61 = vector.broadcast %broadcast_in_dim3A_60 : f32 to vector<1x64xf32>
      %swap3A_62 = arith.constant 0 : index
      %swap3A_63 = arith.constant 0 : index
      %swap3A_64 = vector.load %arg9[%swap3A_62, %swap3A_63] : memref<1x64xf32, #tpu.memory_space<vmem>>, vector<1x64xf32>
      tpu.vector_store %arg9[%swap3A_62, %swap3A_63], %broadcast_in_dim3A_61 {strides = array<i32>} : memref<1x64xf32, #tpu.memory_space<vmem>>, vector<1x64xf32>,
      %broadcast_in_dim3A_65 = arith.constant 0.000000e+00 : f32
      %broadcast_in_dim3A_66 = vector.broadcast %broadcast_in_dim3A_65 : f32 to vector<64x64xf32>
      %swap3A_67 = arith.constant 0 : index
      %swap3A_68 = arith.constant 0 : index
      %swap3A_69 = vector.load %arg10[%swap3A_67, %swap3A_68] : memref<64x64xf32, #tpu.memory_space<vmem>>, vector<64x64xf32>
      tpu.vector_store %arg10[%swap3A_67, %swap3A_68], %broadcast_in_dim3A_66 {strides = array<i32>} : memref<64x64xf32, #tpu.memory_space<vmem>>, vector<64x64xf32>,
    } else {
    }
    %get3A_47 = arith.constant 0 : index
    %get3A_48 = arith.constant 0 : index
    %get3A_49 = vector.load %arg9[%get3A_47, %get3A_48] : memref<1x64xf32, #tpu.memory_space<vmem>>, vector<1x64xf32>
    %add3A_50 = arith.addf %get3A_49, %broadcast_in_dim3A_42 : vector<1x64xf32>
    %swap3A = arith.constant 0 : index
    %swap3A_51 = arith.constant 0 : index
    %swap3A_52 = vector.load %arg9[%swap3A, %swap3A_51] : memref<1x64xf32, #tpu.memory_space<vmem>>, vector<1x64xf32>
    tpu.vector_store %arg9[%swap3A, %swap3A_51], %add3A_50 {strides = array<i32>} : memref<1x64xf32, #tpu.memory_space<vmem>>, vector<1x64xf32>,
    %get3A_53 = arith.constant 0 : index
    %get3A_54 = arith.constant 0 : index
    %get3A_55 = vector.load %arg10[%get3A_53, %get3A_54] : memref<64x64xf32, #tpu.memory_space<vmem>>, vector<64x64xf32>
    %add3A_56 = arith.addf %get3A_55, %dot_general3A_44 : vector<64x64xf32>
    %swap3A_57 = arith.constant 0 : index
    %swap3A_58 = arith.constant 0 : index
    %swap3A_59 = vector.load %arg10[%swap3A_57, %swap3A_58] : memref<64x64xf32, #tpu.memory_space<vmem>>, vector<64x64xf32>
    tpu.vector_store %arg10[%swap3A_57, %swap3A_58], %add3A_56 {strides = array<i32>} : memref<64x64xf32, #tpu.memory_space<vmem>>, vector<64x64xf32>,
    return
  }
  func.func @transform_0(%arg0: i32) -> (i32, i32) {
    %c0_i32 = arith.constant 0 : i32
    %c0_i32_0 = arith.constant 0 : i32
    return %arg0, %c0_i32 : i32, i32
  }
  func.func @transform_1(%arg0: i32) -> (i32, i32) {
    %c0_i32 = arith.constant 0 : i32
    %c0_i32_0 = arith.constant 0 : i32
    return %arg0, %c0_i32 : i32, i32
  }
  func.func @transform_2(%arg0: i32) -> (i32, i32) {
    %c0_i32 = arith.constant 0 : i32
    %c0_i32_0 = arith.constant 0 : i32
    return %arg0, %c0_i32 : i32, i32
  }
  func.func @transform_3(%arg0: i32) -> (i32, i32) {
    %c0_i32 = arith.constant 0 : i32
    %c0_i32_0 = arith.constant 0 : i32
    %c0_i32_1 = arith.constant 0 : i32
    return %c0_i32, %c0_i32_0 : i32, i32
  }
  func.func @transform_4(%arg0: i32) -> (i32, i32) {
    %c0_i32 = arith.constant 0 : i32
    %c0_i32_0 = arith.constant 0 : i32
    %c0_i32_1 = arith.constant 0 : i32
    return %c0_i32, %c0_i32_0 : i32, i32
  }
  func.func @transform_5(%arg0: i32) -> (i32, i32) {
    %c0_i32 = arith.constant 0 : i32
    %c0_i32_0 = arith.constant 0 : i32
    %c0_i32_1 = arith.constant 0 : i32
    return %c0_i32, %c0_i32_0 : i32, i32
  }
  func.func @transform_6(%arg0: i32) -> (i32, i32) {
    %c0_i32 = arith.constant 0 : i32
    %c0_i32_0 = arith.constant 0 : i32
    %c0_i32_1 = arith.constant 0 : i32
    return %c0_i32, %c0_i32_0 : i32, i32
  }
  func.func @transform_7(%arg0: i32) -> (i32, i32) {
    %c0_i32 = arith.constant 0 : i32
    %c0_i32_0 = arith.constant 0 : i32
    %c0_i32_1 = arith.constant 0 : i32
    return %c0_i32, %c0_i32_0 : i32, i32
  }
  func.func @transform_8(%arg0: i32) -> (i32, i32) {
    %c0_i32 = arith.constant 0 : i32
    %c0_i32_0 = arith.constant 0 : i32
    %c0_i32_1 = arith.constant 0 : i32
    return %c0_i32, %c0_i32_0 : i32, i32
  }
  func.func @transform_9(%arg0: i32) -> (i32, i32) {
    %c0_i32 = arith.constant 0 : i32
    %c0_i32_0 = arith.constant 0 : i32
    %c0_i32_1 = arith.constant 0 : i32
    return %c0_i32, %c0_i32_0 : i32, i32
  }
}

module attributes {stable_mosaic.version = 14 : i64} {
  func.func @_fin_body(%arg0: memref<1x64xf32, #tpu.memory_space<vmem>>, %arg1: memref<64x64xf32, #tpu.memory_space<vmem>>, %arg2: memref<64x256xf32, #tpu.memory_space<vmem>>, %arg3: memref<1x256xf32, #tpu.memory_space<vmem>>, %arg4: memref<1x256xf32, #tpu.memory_space<vmem>>, %arg5: memref<1x256xf32, #tpu.memory_space<vmem>>, %arg6: memref<1x256xf32, #tpu.memory_space<vmem>>, %arg7: memref<1x256xf32, #tpu.memory_space<vmem>>) attributes {dimension_semantics = [], scalar_prefetch = 0 : i64, scratch_operands = 0 : i64, tpu.core_type = #tpu.core_type<tc>} {
    %get3A = arith.constant 0 : index
    %get3A_0 = arith.constant 0 : index
    %get3A_1 = vector.load %arg0[%get3A, %get3A_0] : memref<1x64xf32, #tpu.memory_space<vmem>>, vector<1x64xf32>
    %mul3A = arith.constant 7.62939453E-6 : f32
    %mul3A_2 = vector.broadcast %mul3A : f32 to vector<1x64xf32>
    %mul3A_3 = arith.mulf %get3A_1, %mul3A_2 : vector<1x64xf32>
    %get3A_4 = arith.constant 0 : index
    %get3A_5 = arith.constant 0 : index
    %get3A_6 = vector.load %arg1[%get3A_4, %get3A_5] : memref<64x64xf32, #tpu.memory_space<vmem>>, vector<64x64xf32>
    %mul3A_7 = arith.constant 7.62939453E-6 : f32
    %mul3A_8 = vector.broadcast %mul3A_7 : f32 to vector<64x64xf32>
    %mul3A_9 = arith.mulf %get3A_6, %mul3A_8 : vector<64x64xf32>
    %dot_general3A = arith.constant dense<0.000000e+00> : vector<64x64xf32>
    %dot_general3A_10 = tpu.matmul %mul3A_3, %mul3A_3, %dot_general3A {dimension_numbers = #tpu.dot_dimension_numbers<[0], [0], [1], [1], [0, 1, 1, 1], [], []>, transpose_lhs_hint = false} : vector<1x64xf32>, vector<1x64xf32>, vector<64x64xf32> -> vector<64x64xf32>
    %sub3A = arith.subf %mul3A_9, %dot_general3A_10 : vector<64x64xf32>
    %get3A_11 = arith.constant 0 : index
    %get3A_12 = arith.constant 0 : index
    %get3A_13 = vector.load %arg2[%get3A_11, %get3A_12] : memref<64x256xf32, #tpu.memory_space<vmem>>, vector<64x256xf32>
    %dot_general3A_14 = arith.constant dense<0.000000e+00> : vector<64x256xf32>
    %dot_general3A_15 = tpu.matmul %sub3A, %get3A_13, %dot_general3A_14 {dimension_numbers = #tpu.dot_dimension_numbers<[1], [0], [0], [1], [0, 0, 1, 1], [], []>, transpose_lhs_hint = false} : vector<64x64xf32>, vector<64x256xf32>, vector<64x256xf32> -> vector<64x256xf32>
    %get3A_16 = arith.constant 0 : index
    %get3A_17 = arith.constant 0 : index
    %get3A_18 = vector.load %arg2[%get3A_16, %get3A_17] : memref<64x256xf32, #tpu.memory_space<vmem>>, vector<64x256xf32>
    %mul3A_19 = arith.mulf %dot_general3A_15, %get3A_18 : vector<64x256xf32>
    %reduce_sum3A = arith.constant dense<0.000000e+00> : vector<256xf32>
    %reduce_sum3A_20 = vector.multi_reduction <add>, %mul3A_19, %reduce_sum3A [0] : vector<64x256xf32> to vector<256xf32>
    %broadcast_in_dim3A = vector.shape_cast %reduce_sum3A_20 : vector<256xf32> to vector<1x256xf32>
    %get3A_21 = arith.constant 0 : index
    %get3A_22 = arith.constant 0 : index
    %get3A_23 = vector.load %arg2[%get3A_21, %get3A_22] : memref<64x256xf32, #tpu.memory_space<vmem>>, vector<64x256xf32>
    %dot_general3A_24 = arith.constant dense<0.000000e+00> : vector<1x256xf32>
    %dot_general3A_25 = tpu.matmul %mul3A_3, %get3A_23, %dot_general3A_24 {dimension_numbers = #tpu.dot_dimension_numbers<[1], [0], [0], [1], [0, 0, 1, 1], [], []>, transpose_lhs_hint = false} : vector<1x64xf32>, vector<64x256xf32>, vector<1x256xf32> -> vector<1x256xf32>
    %get3A_26 = arith.constant 0 : index
    %get3A_27 = arith.constant 0 : index
    %get3A_28 = vector.load %arg3[%get3A_26, %get3A_27] : memref<1x256xf32, #tpu.memory_space<vmem>>, vector<1x256xf32>
    %add3A = arith.addf %dot_general3A_25, %get3A_28 : vector<1x256xf32>
    %get3A_29 = arith.constant 0 : index
    %get3A_30 = arith.constant 0 : index
    %get3A_31 = vector.load %arg4[%get3A_29, %get3A_30] : memref<1x256xf32, #tpu.memory_space<vmem>>, vector<1x256xf32>
    %add3A_32 = arith.constant 9.99999974E-6 : f32
    %add3A_33 = vector.broadcast %add3A_32 : f32 to vector<1x256xf32>
    %add3A_34 = arith.addf %broadcast_in_dim3A, %add3A_33 : vector<1x256xf32>
    %rsqrt3A = math.rsqrt %add3A_34 : vector<1x256xf32>
    %mul3A_35 = arith.mulf %get3A_31, %rsqrt3A : vector<1x256xf32>
    %swap3A = arith.constant 0 : index
    %swap3A_36 = arith.constant 0 : index
    %swap3A_37 = vector.load %arg6[%swap3A, %swap3A_36] : memref<1x256xf32, #tpu.memory_space<vmem>>, vector<1x256xf32>
    tpu.vector_store %arg6[%swap3A, %swap3A_36], %mul3A_35 {strides = array<i32>} : memref<1x256xf32, #tpu.memory_space<vmem>>, vector<1x256xf32>,
    %get3A_38 = arith.constant 0 : index
    %get3A_39 = arith.constant 0 : index
    %get3A_40 = vector.load %arg5[%get3A_38, %get3A_39] : memref<1x256xf32, #tpu.memory_space<vmem>>, vector<1x256xf32>
    %get3A_41 = arith.constant 0 : index
    %get3A_42 = arith.constant 0 : index
    %get3A_43 = vector.load %arg3[%get3A_41, %get3A_42] : memref<1x256xf32, #tpu.memory_space<vmem>>, vector<1x256xf32>
    %sub3A_44 = arith.subf %get3A_43, %add3A : vector<1x256xf32>
    %mul3A_45 = arith.mulf %sub3A_44, %mul3A_35 : vector<1x256xf32>
    %add3A_46 = arith.addf %get3A_40, %mul3A_45 : vector<1x256xf32>
    %swap3A_47 = arith.constant 0 : index
    %swap3A_48 = arith.constant 0 : index
    %swap3A_49 = vector.load %arg7[%swap3A_47, %swap3A_48] : memref<1x256xf32, #tpu.memory_space<vmem>>, vector<1x256xf32>
    tpu.vector_store %arg7[%swap3A_47, %swap3A_48], %add3A_46 {strides = array<i32>} : memref<1x256xf32, #tpu.memory_space<vmem>>, vector<1x256xf32>,
    return
  }
}

module attributes {stable_mosaic.version = 14 : i64} {
  func.func @_fwd_body(%arg0: i32, %arg1: memref<2048x144xf32, #tpu.memory_space<vmem>>, %arg2: memref<128x64xf32, #tpu.memory_space<vmem>>, %arg3: memref<128x3xf32, #tpu.memory_space<vmem>>, %arg4: memref<128x64xf32, #tpu.memory_space<vmem>>, %arg5: memref<3x64xf32, #tpu.memory_space<vmem>>, %arg6: memref<64x64xf32, #tpu.memory_space<vmem>>, %arg7: memref<1x64xf32, #tpu.memory_space<vmem>>, %arg8: memref<1x64xf32, #tpu.memory_space<vmem>>, %arg9: memref<1x64xf32, #tpu.memory_space<vmem>>, %arg10: memref<64x256xf32, #tpu.memory_space<vmem>>, %arg11: memref<256x64xf32, #tpu.memory_space<vmem>>, %arg12: memref<1x64xf32, #tpu.memory_space<vmem>>, %arg13: memref<1x256xf32, #tpu.memory_space<vmem>>, %arg14: memref<1x256xf32, #tpu.memory_space<vmem>>, %arg15: memref<64x64xf32, #tpu.memory_space<vmem>>, %arg16: memref<128x64xf32, #tpu.memory_space<vmem>>) attributes {dimension_semantics = [#tpu.dimension_semantics<parallel>], iteration_bounds = array<i64: 64>, scalar_prefetch = 0 : i64, scratch_operands = 0 : i64, tpu.core_type = #tpu.core_type<tc>, window_params = [{transform_indices = @transform_0, window_bounds = array<i64: 2048, 144>}, {transform_indices = @transform_1, window_bounds = array<i64: 128, 64>}, {transform_indices = @transform_2, window_bounds = array<i64: 128, 3>}, {transform_indices = @transform_3, window_bounds = array<i64: 128, 64>}, {pipeline_mode = #tpu.pipeline_mode<synchronous>, transform_indices = @transform_4, window_bounds = array<i64: 3, 64>}, {pipeline_mode = #tpu.pipeline_mode<synchronous>, transform_indices = @transform_5, window_bounds = array<i64: 64, 64>}, {pipeline_mode = #tpu.pipeline_mode<synchronous>, transform_indices = @transform_6, window_bounds = array<i64: 1, 64>}, {pipeline_mode = #tpu.pipeline_mode<synchronous>, transform_indices = @transform_7, window_bounds = array<i64: 1, 64>}, {pipeline_mode = #tpu.pipeline_mode<synchronous>, transform_indices = @transform_8, window_bounds = array<i64: 1, 64>}, {pipeline_mode = #tpu.pipeline_mode<synchronous>, transform_indices = @transform_9, window_bounds = array<i64: 64, 256>}, {pipeline_mode = #tpu.pipeline_mode<synchronous>, transform_indices = @transform_10, window_bounds = array<i64: 256, 64>}, {pipeline_mode = #tpu.pipeline_mode<synchronous>, transform_indices = @transform_11, window_bounds = array<i64: 1, 64>}, {pipeline_mode = #tpu.pipeline_mode<synchronous>, transform_indices = @transform_12, window_bounds = array<i64: 1, 256>}, {pipeline_mode = #tpu.pipeline_mode<synchronous>, transform_indices = @transform_13, window_bounds = array<i64: 1, 256>}, {pipeline_mode = #tpu.pipeline_mode<synchronous>, transform_indices = @transform_14, window_bounds = array<i64: 64, 64>}, {transform_indices = @transform_15, window_bounds = array<i64: 128, 64>}]} {
    %get3A = arith.constant 0 : index
    %get3A_0 = arith.constant 0 : index
    %get3A_1 = vector.load %arg1[%get3A, %get3A_0] : memref<2048x144xf32, #tpu.memory_space<vmem>>, vector<2048x144xf32>
    %get3A_2 = arith.constant 0 : index
    %get3A_3 = arith.constant 0 : index
    %get3A_4 = vector.load %arg3[%get3A_2, %get3A_3] : memref<128x3xf32, #tpu.memory_space<vmem>>, vector<128x3xf32>
    %broadcast_in_dim3A = vector.shape_cast %get3A_4 : vector<128x3xf32> to vector<128x1x3xf32>
    %broadcast_in_dim3A_5 = vector.shape_cast %broadcast_in_dim3A : vector<128x1x3xf32> to vector<128x1x3xf32>
    %broadcast_in_dim3A_6 = vector.broadcast %broadcast_in_dim3A_5 : vector<128x1x3xf32> to vector<128x16x3xf32>
    %reshape3A = vector.shape_cast %broadcast_in_dim3A_6 : vector<128x16x3xf32> to vector<2048x3xf32>
    %slice3A = vector.extract_strided_slice %get3A_1 {offsets = [0, 128], sizes = [2048, 3], strides = [1, 1]} : vector<2048x144xf32> to vector<2048x3xf32>
    %sub3A = arith.subf %reshape3A, %slice3A : vector<2048x3xf32>
    %get3A_7 = arith.constant 0 : index
    %get3A_8 = arith.constant 0 : index
    %get3A_9 = vector.load %arg5[%get3A_7, %get3A_8] : memref<3x64xf32, #tpu.memory_space<vmem>>, vector<3x64xf32>
    %dot_general3A = arith.constant dense<0.000000e+00> : vector<2048x64xf32>
    %dot_general3A_10 = tpu.matmul %sub3A, %get3A_9, %dot_general3A {dimension_numbers = #tpu.dot_dimension_numbers<[1], [0], [0], [1], [0, 0, 1, 1], [], []>, transpose_lhs_hint = false} : vector<2048x3xf32>, vector<3x64xf32>, vector<2048x64xf32> -> vector<2048x64xf32>
    %get3A_11 = arith.constant 0 : index
    %get3A_12 = arith.constant 0 : index
    %get3A_13 = vector.load %arg8[%get3A_11, %get3A_12] : memref<1x64xf32, #tpu.memory_space<vmem>>, vector<1x64xf32>
    %mul3A = vector.broadcast %get3A_13 : vector<1x64xf32> to vector<2048x64xf32>
    %mul3A_14 = arith.mulf %dot_general3A_10, %mul3A : vector<2048x64xf32>
    %get3A_15 = arith.constant 0 : index
    %get3A_16 = arith.constant 0 : index
    %get3A_17 = vector.load %arg9[%get3A_15, %get3A_16] : memref<1x64xf32, #tpu.memory_space<vmem>>, vector<1x64xf32>
    %add3A = vector.broadcast %get3A_17 : vector<1x64xf32> to vector<2048x64xf32>
    %add3A_18 = arith.addf %mul3A_14, %add3A : vector<2048x64xf32>
    %max3A = arith.constant 0.000000e+00 : f32
    %max3A_19 = vector.broadcast %max3A : f32 to vector<2048x64xf32>
    %max3A_20 = arith.maximumf %add3A_18, %max3A_19 : vector<2048x64xf32>
    %get3A_21 = arith.constant 0 : index
    %get3A_22 = arith.constant 0 : index
    %get3A_23 = vector.load %arg6[%get3A_21, %get3A_22] : memref<64x64xf32, #tpu.memory_space<vmem>>, vector<64x64xf32>
    %dot_general3A_24 = arith.constant dense<0.000000e+00> : vector<2048x64xf32>
    %dot_general3A_25 = tpu.matmul %max3A_20, %get3A_23, %dot_general3A_24 {dimension_numbers = #tpu.dot_dimension_numbers<[1], [0], [0], [1], [0, 0, 1, 1], [], []>, transpose_lhs_hint = false} : vector<2048x64xf32>, vector<64x64xf32>, vector<2048x64xf32> -> vector<2048x64xf32>
    %get3A_26 = arith.constant 0 : index
    %get3A_27 = arith.constant 0 : index
    %get3A_28 = vector.load %arg7[%get3A_26, %get3A_27] : memref<1x64xf32, #tpu.memory_space<vmem>>, vector<1x64xf32>
    %add3A_29 = vector.broadcast %get3A_28 : vector<1x64xf32> to vector<2048x64xf32>
    %add3A_30 = arith.addf %dot_general3A_25, %add3A_29 : vector<2048x64xf32>
    %get3A_31 = arith.constant 0 : index
    %get3A_32 = arith.constant 0 : index
    %get3A_33 = vector.load %arg2[%get3A_31, %get3A_32] : memref<128x64xf32, #tpu.memory_space<vmem>>, vector<128x64xf32>
    %broadcast_in_dim3A_34 = vector.shape_cast %get3A_33 : vector<128x64xf32> to vector<128x1x64xf32>
    %broadcast_in_dim3A_35 = vector.shape_cast %broadcast_in_dim3A_34 : vector<128x1x64xf32> to vector<128x1x64xf32>
    %broadcast_in_dim3A_36 = vector.broadcast %broadcast_in_dim3A_35 : vector<128x1x64xf32> to vector<128x16x64xf32>
    %reshape3A_37 = vector.shape_cast %broadcast_in_dim3A_36 : vector<128x16x64xf32> to vector<2048x64xf32>
    %slice3A_38 = vector.extract_strided_slice %get3A_1 {offsets = [0, 0], sizes = [2048, 64], strides = [1, 1]} : vector<2048x144xf32> to vector<2048x64xf32>
    %sub3A_39 = arith.subf %reshape3A_37, %slice3A_38 : vector<2048x64xf32>
    %add3A_40 = arith.addf %sub3A_39, %add3A_30 : vector<2048x64xf32>
    %get3A_41 = arith.constant 0 : index
    %get3A_42 = arith.constant 0 : index
    %get3A_43 = vector.load %arg10[%get3A_41, %get3A_42] : memref<64x256xf32, #tpu.memory_space<vmem>>, vector<64x256xf32>
    %dot_general3A_44 = arith.constant dense<0.000000e+00> : vector<2048x256xf32>
    %dot_general3A_45 = tpu.matmul %add3A_40, %get3A_43, %dot_general3A_44 {dimension_numbers = #tpu.dot_dimension_numbers<[1], [0], [0], [1], [0, 0, 1, 1], [], []>, transpose_lhs_hint = false} : vector<2048x64xf32>, vector<64x256xf32>, vector<2048x256xf32> -> vector<2048x256xf32>
    %get3A_46 = arith.constant 0 : index
    %get3A_47 = arith.constant 0 : index
    %get3A_48 = vector.load %arg13[%get3A_46, %get3A_47] : memref<1x256xf32, #tpu.memory_space<vmem>>, vector<1x256xf32>
    %mul3A_49 = vector.broadcast %get3A_48 : vector<1x256xf32> to vector<2048x256xf32>
    %mul3A_50 = arith.mulf %dot_general3A_45, %mul3A_49 : vector<2048x256xf32>
    %get3A_51 = arith.constant 0 : index
    %get3A_52 = arith.constant 0 : index
    %get3A_53 = vector.load %arg14[%get3A_51, %get3A_52] : memref<1x256xf32, #tpu.memory_space<vmem>>, vector<1x256xf32>
    %add3A_54 = vector.broadcast %get3A_53 : vector<1x256xf32> to vector<2048x256xf32>
    %add3A_55 = arith.addf %mul3A_50, %add3A_54 : vector<2048x256xf32>
    %max3A_56 = arith.constant 0.000000e+00 : f32
    %max3A_57 = vector.broadcast %max3A_56 : f32 to vector<2048x256xf32>
    %max3A_58 = arith.maximumf %add3A_55, %max3A_57 : vector<2048x256xf32>
    %get3A_59 = arith.constant 0 : index
    %get3A_60 = arith.constant 0 : index
    %get3A_61 = vector.load %arg11[%get3A_59, %get3A_60] : memref<256x64xf32, #tpu.memory_space<vmem>>, vector<256x64xf32>
    %dot_general3A_62 = arith.constant dense<0.000000e+00> : vector<2048x64xf32>
    %dot_general3A_63 = tpu.matmul %max3A_58, %get3A_61, %dot_general3A_62 {dimension_numbers = #tpu.dot_dimension_numbers<[1], [0], [0], [1], [0, 0, 1, 1], [], []>, transpose_lhs_hint = false} : vector<2048x256xf32>, vector<256x64xf32>, vector<2048x64xf32> -> vector<2048x64xf32>
    %get3A_64 = arith.constant 0 : index
    %get3A_65 = arith.constant 0 : index
    %get3A_66 = vector.load %arg12[%get3A_64, %get3A_65] : memref<1x64xf32, #tpu.memory_space<vmem>>, vector<1x64xf32>
    %add3A_67 = vector.broadcast %get3A_66 : vector<1x64xf32> to vector<2048x64xf32>
    %add3A_68 = arith.addf %dot_general3A_63, %add3A_67 : vector<2048x64xf32>
    %mul3A_69 = arith.constant 1.250000e-01 : f32
    %mul3A_70 = vector.broadcast %mul3A_69 : f32 to vector<2048x64xf32>
    %mul3A_71 = arith.mulf %add3A_68, %mul3A_70 : vector<2048x64xf32>
    %exp3A = math.exp %mul3A_71 : vector<2048x64xf32>
    %reshape3A_72 = vector.shape_cast %exp3A : vector<2048x64xf32> to vector<128x16x64xf32>
    %reduce_sum3A = arith.constant dense<0.000000e+00> : vector<128x64xf32>
    %reduce_sum3A_73 = vector.multi_reduction <add>, %reshape3A_72, %reduce_sum3A [1] : vector<128x16x64xf32> to vector<128x64xf32>
    %slice3A_74 = vector.extract_strided_slice %get3A_1 {offsets = [0, 64], sizes = [2048, 64], strides = [1, 1]} : vector<2048x144xf32> to vector<2048x64xf32>
    %add3A_75 = arith.addf %slice3A_74, %add3A_30 : vector<2048x64xf32>
    %mul3A_76 = arith.mulf %exp3A, %add3A_75 : vector<2048x64xf32>
    %reshape3A_77 = vector.shape_cast %mul3A_76 : vector<2048x64xf32> to vector<128x16x64xf32>
    %reduce_sum3A_78 = arith.constant dense<0.000000e+00> : vector<128x64xf32>
    %reduce_sum3A_79 = vector.multi_reduction <add>, %reshape3A_77, %reduce_sum3A_78 [1] : vector<128x16x64xf32> to vector<128x64xf32>
    %div3A = arith.divf %reduce_sum3A_79, %reduce_sum3A_73 : vector<128x64xf32>
    %get3A_80 = arith.constant 0 : index
    %get3A_81 = arith.constant 0 : index
    %get3A_82 = vector.load %arg15[%get3A_80, %get3A_81] : memref<64x64xf32, #tpu.memory_space<vmem>>, vector<64x64xf32>
    %dot_general3A_83 = arith.constant dense<0.000000e+00> : vector<128x64xf32>
    %dot_general3A_84 = tpu.matmul %div3A, %get3A_82, %dot_general3A_83 {dimension_numbers = #tpu.dot_dimension_numbers<[1], [0], [0], [1], [0, 0, 1, 1], [], []>, transpose_lhs_hint = false} : vector<128x64xf32>, vector<64x64xf32>, vector<128x64xf32> -> vector<128x64xf32>
    %get3A_85 = arith.constant 0 : index
    %get3A_86 = arith.constant 0 : index
    %get3A_87 = vector.load %arg4[%get3A_85, %get3A_86] : memref<128x64xf32, #tpu.memory_space<vmem>>, vector<128x64xf32>
    %add3A_88 = arith.addf %dot_general3A_84, %get3A_87 : vector<128x64xf32>
    %swap3A = arith.constant 0 : index
    %swap3A_89 = arith.constant 0 : index
    %swap3A_90 = vector.load %arg16[%swap3A, %swap3A_89] : memref<128x64xf32, #tpu.memory_space<vmem>>, vector<128x64xf32>
    tpu.vector_store %arg16[%swap3A, %swap3A_89], %add3A_88 {strides = array<i32>} : memref<128x64xf32, #tpu.memory_space<vmem>>, vector<128x64xf32>,
    return
  }
  func.func @transform_0(%arg0: i32) -> (i32, i32) {
    %c0_i32 = arith.constant 0 : i32
    %c0_i32_0 = arith.constant 0 : i32
    return %arg0, %c0_i32 : i32, i32
  }
  func.func @transform_1(%arg0: i32) -> (i32, i32) {
    %c0_i32 = arith.constant 0 : i32
    %c0_i32_0 = arith.constant 0 : i32
    return %arg0, %c0_i32 : i32, i32
  }
  func.func @transform_2(%arg0: i32) -> (i32, i32) {
    %c0_i32 = arith.constant 0 : i32
    %c0_i32_0 = arith.constant 0 : i32
    return %arg0, %c0_i32 : i32, i32
  }
  func.func @transform_3(%arg0: i32) -> (i32, i32) {
    %c0_i32 = arith.constant 0 : i32
    %c0_i32_0 = arith.constant 0 : i32
    return %arg0, %c0_i32 : i32, i32
  }
  func.func @transform_4(%arg0: i32) -> (i32, i32) {
    %c0_i32 = arith.constant 0 : i32
    %c0_i32_0 = arith.constant 0 : i32
    %c0_i32_1 = arith.constant 0 : i32
    return %c0_i32, %c0_i32_0 : i32, i32
  }
  func.func @transform_5(%arg0: i32) -> (i32, i32) {
    %c0_i32 = arith.constant 0 : i32
    %c0_i32_0 = arith.constant 0 : i32
    %c0_i32_1 = arith.constant 0 : i32
    return %c0_i32, %c0_i32_0 : i32, i32
  }
  func.func @transform_6(%arg0: i32) -> (i32, i32) {
    %c0_i32 = arith.constant 0 : i32
    %c0_i32_0 = arith.constant 0 : i32
    %c0_i32_1 = arith.constant 0 : i32
    return %c0_i32, %c0_i32_0 : i32, i32
  }
  func.func @transform_7(%arg0: i32) -> (i32, i32) {
    %c0_i32 = arith.constant 0 : i32
    %c0_i32_0 = arith.constant 0 : i32
    %c0_i32_1 = arith.constant 0 : i32
    return %c0_i32, %c0_i32_0 : i32, i32
  }
  func.func @transform_8(%arg0: i32) -> (i32, i32) {
    %c0_i32 = arith.constant 0 : i32
    %c0_i32_0 = arith.constant 0 : i32
    %c0_i32_1 = arith.constant 0 : i32
    return %c0_i32, %c0_i32_0 : i32, i32
  }
  func.func @transform_9(%arg0: i32) -> (i32, i32) {
    %c0_i32 = arith.constant 0 : i32
    %c0_i32_0 = arith.constant 0 : i32
    %c0_i32_1 = arith.constant 0 : i32
    return %c0_i32, %c0_i32_0 : i32, i32
  }
  func.func @transform_10(%arg0: i32) -> (i32, i32) {
    %c0_i32 = arith.constant 0 : i32
    %c0_i32_0 = arith.constant 0 : i32
    %c0_i32_1 = arith.constant 0 : i32
    return %c0_i32, %c0_i32_0 : i32, i32
  }
  func.func @transform_11(%arg0: i32) -> (i32, i32) {
    %c0_i32 = arith.constant 0 : i32
    %c0_i32_0 = arith.constant 0 : i32
    %c0_i32_1 = arith.constant 0 : i32
    return %c0_i32, %c0_i32_0 : i32, i32
  }
  func.func @transform_12(%arg0: i32) -> (i32, i32) {
    %c0_i32 = arith.constant 0 : i32
    %c0_i32_0 = arith.constant 0 : i32
    %c0_i32_1 = arith.constant 0 : i32
    return %c0_i32, %c0_i32_0 : i32, i32
  }
  func.func @transform_13(%arg0: i32) -> (i32, i32) {
    %c0_i32 = arith.constant 0 : i32
    %c0_i32_0 = arith.constant 0 : i32
    %c0_i32_1 = arith.constant 0 : i32
    return %c0_i32, %c0_i32_0 : i32, i32
  }
  func.func @transform_14(%arg0: i32) -> (i32, i32) {
    %c0_i32 = arith.constant 0 : i32
    %c0_i32_0 = arith.constant 0 : i32
    %c0_i32_1 = arith.constant 0 : i32
    return %c0_i32, %c0_i32_0 : i32, i32
  }
  func.func @transform_15(%arg0: i32) -> (i32, i32) {
    %c0_i32 = arith.constant 0 : i32
    %c0_i32_0 = arith.constant 0 : i32
    return %arg0, %c0_i32 : i32, i32
  }
}

</mosaic_0001>

<sc_bundles>
// kernel: kernel.9.cloned.1.call-start
scs
__scs_entry_jumppad:
0x0: {  	(pc) =	sbr.rel $0x88, $3  }
0x1: {  	(tag) =	ssettag $0x0;
	lr =	simm.s32 $0x1  }
0x2: {  	[smem:$0x3F90] =	sst lr;
	_ =	strace $0xD0000000  }
0x3: {  	_ = 	snop  }
0x4: {  	_ = 	snop  }
0x5: {  	_ = 	snop  }
0x6: {  	_ = 	snop  }
0x7: {  	_ = 	snop  }
__scs_overlays_trampoline_lowered:
0x8: {  	[smem:$0x3F9F] =	sst s0  }
0x9: {  	[smem:$0x3FA0] =	sst s1  }
0xa: {  	[smem:$0x3FA1] =	sst s2  }
0xb: {  	[smem:$0x3FA2] =	sst s3  }
0xc: {  	[smem:$0x3FA3] =	sst s4  }
0xd: {  	[smem:$0x3FA4] =	sst s5  }
0xe: {  	[smem:$0x3FA5] =	sst s6  }
0xf: {  	[smem:$0x3FA6] =	sst s7  }
0x10: {  	[smem:$0x3FA7] =	sst s8  }
0x11: {  	[smem:$0x3FA8] =	sst s9;
	s0 =	simm.s32 @!p0 $0x0  }
0x12: {  	s1 =	sld [smem:$0x3F8E];
	s0 =	simm.s32 @p0 $0x1  }
0x13: {  	[smem:$0x3FA9] =	sst s0;
	s0 =	simm.s32 @!p1 $0x0  }
0x14: {  	s2 =	sld [smem:$0x3F8D];
	s0 =	simm.s32 @p1 $0x1  }
0x15: {  	[smem:$0x3FAA] =	sst s0;
	s0 =	simm.s32 @!p2 $0x0  }
0x16: {  	s3 =	sld [smem:$0x3FDB];
	s0 =	simm.s32 @p2 $0x1  }
0x17: {  	s4 =	simm.s32 $0x1BF5;
	[smem:$0x3FAC] =	sst s0  }
0x18: {  	s0 =	sld [smem:$0x3F8F];
	_ =	swait.ge [sflag:s4], $0x0  }
0x19: {  	s7 =	sld [smem:$0x3F90]  }
0x1a: {  	s8 =	sadd.s32 $0xFFFFE003, lr  }
0x1b: {  	s9 =	sadd.s32 $0xFFFFFEF7, lr;
	s5 =	simm.s32 $0xFFFFFFFF;
	p2 =	slt.u32 s8, $0xFFFFF086  }
0x1c: {  	p1 =	slt.u32 s9, $0xF7A;
	s5 =	simm.s32 @!p2 $0x0  }
0x1d: {  	s5 =	simm.s32 @p1 $0x1;
	p0 =	seq.s32 s7, s2  }
0x1e: {  	s7 =	smul.u32 @!p0 $0xF7A, s2;
	p2 =	seq.s32 @!p0 s5, $0x0  }
0x1f: {  	s9 =	smul.u32 $0xF7A, s1;
	s8 =	simm.s32 @!p0 $0x1BF5;
	p2 =	por !p2, p0  }
0x20: {  	[sflag:s8] =	ssyncset.s32 @!p0 $0xFFFFF086;
	s6 =	sadd.s32 @!p0 s3, s7;
	s7 =	simm.s32 @!p0 $0x108  }
0x21: {  	s3 =	sadd.s32 s3, s9;
	s6 =	sadd.s32 @!p0 $0x88, s6;
	s7 =	simm.s32 @p2 $0x1082  }
0x22: {  	[simem:s7], [sflag:s8] =	dma.local @!p0 [hbm:s6], $0xF7A  }
0x23: {  	s9 =	sor.u32 $0xD0000000, s2;
	s6 =	simm.s32 $0x108;
	_ =	swait.ge @!p0 [sflag:s8], $0x0  }
0x24: {  	s3 =	sadd.s32 $0x88, s3;
	s6 =	simm.s32 @!p1 $0x1082;
	[sflag:s4] =	ssyncset.s32 $0xFFFFF086  }
0x25: {  	[simem:s6], [sflag:s4] =	dma.local [hbm:s3], $0xF7A  }
0x26: {  	[smem:$0x3F90] =	sst s1;
	(tag) =	ssettag s2;
	_ =	strace s9  }
0x27: {  	s1 =	sld [smem:$0x3FA0]  }
0x28: {  	s2 =	sld [smem:$0x3FA1]  }
0x29: {  	s4 =	sld [smem:$0x3FA3]  }
0x2a: {  	p0 =	seq.s32 s5, $0x0;
	s5 =	sld [smem:$0x3FA4]  }
0x2b: {  	s6 =	sld [smem:$0x3FA5]  }
0x2c: {  	s7 =	sld [smem:$0x3FA6]  }
0x2d: {  	s3 =	simm.s32 $0x108;
	s8 =	sld [smem:$0x3FA7]  }
0x2e: {  	s3 =	simm.s32 @!p0 $0x1082;
	s9 =	sld [smem:$0x3FA8]  }
0x2f: {  	lr =	sadd.s32 s0, s3;
	s0 =	sld [smem:$0x3F9F]  }
0x30: {  	s3 =	sld [smem:$0x3FA2]  }
0x31: {  	[smem:$0x3FAB] =	sst s10  }
0x32: {  	s10 =	sld [smem:$0x3FA9];
	_ =	sdelay $0x3  }
0x33: {  	p0 =	seq.s32 s10, $0x1;
	s10 =	sld [smem:$0x3FAB];
	_ =	sdelay $0x3  }
0x34: {  	[smem:$0x3FAB] =	sst s10  }
0x35: {  	s10 =	sld [smem:$0x3FAA];
	_ =	sdelay $0x3  }
0x36: {  	p1 =	seq.s32 s10, $0x1;
	s10 =	sld [smem:$0x3FAB];
	_ =	sdelay $0x3  }
0x37: {  	[smem:$0x3FAB] =	sst s10  }
0x38: {  	s10 =	sld [smem:$0x3FAC]  }
0x39: {  	_ = 	snop;
	(pc) =	sbr.ind lr, $3  }
0x3a: {  	_ = 	snop  }
0x3b: {  	_ = 	snop  }
0x3c: {  	p2 =	seq.s32 s10, $0x1;
	s10 =	sld [smem:$0x3FAB]  }
0x3d: {  	_ =	shalt  }
0x3e: {  	_ =	shalt  }
0x3f: {  	_ =	shalt  }
0x40: {  	_ =	shalt  }
0x41: {  	_ =	shalt  }
0x42: {  	_ =	shalt  }
0x43: {  	_ =	shalt  }
0x44: {  	_ =	shalt  }
0x45: {  	_ =	shalt  }
0x46: {  	_ =	shalt  }
0x47: {  	_ =	shalt  }
0x48: {  	_ =	shalt  }
0x49: {  	_ =	shalt  }
0x4a: {  	_ =	shalt  }
0x4b: {  	_ =	shalt  }
0x4c: {  	_ =	shalt  }
0x4d: {  	_ =	shalt  }
0x4e: {  	_ =	shalt  }
0x4f: {  	_ =	shalt  }
0x50: {  	_ =	shalt  }
0x51: {  	_ =	shalt  }
0x52: {  	_ =	shalt  }
0x53: {  	_ =	shalt  }
0x54: {  	_ =	shalt  }
0x55: {  	_ =	shalt  }
0x56: {  	_ =	shalt  }
0x57: {  	_ =	shalt  }
0x58: {  	_ =	shalt  }
0x59: {  	_ =	shalt  }
0x5a: {  	_ =	shalt  }
0x5b: {  	_ =	shalt  }
0x5c: {  	_ =	shalt  }
0x5d: {  	_ =	shalt  }
0x5e: {  	_ =	shalt  }
0x5f: {  	_ =	shalt  }
0x60: {  	_ =	shalt  }
0x61: {  	_ =	shalt  }
0x62: {  	_ =	shalt  }
0x63: {  	_ =	shalt  }
0x64: {  	_ =	shalt  }
0x65: {  	_ =	shalt  }
0x66: {  	_ =	shalt  }
0x67: {  	_ =	shalt  }
0x68: {  	_ =	shalt  }
0x69: {  	_ =	shalt  }
0x6a: {  	_ =	shalt  }
0x6b: {  	_ =	shalt  }
0x6c: {  	_ =	shalt  }
0x6d: {  	_ =	shalt  }
0x6e: {  	_ =	shalt  }
0x6f: {  	_ =	shalt  }
0x70: {  	_ =	shalt  }
0x71: {  	_ =	shalt  }
0x72: {  	_ =	shalt  }
0x73: {  	_ =	shalt  }
0x74: {  	_ =	shalt  }
0x75: {  	_ =	shalt  }
0x76: {  	_ =	shalt  }
0x77: {  	_ =	shalt  }
0x78: {  	_ =	shalt  }
0x79: {  	_ =	shalt  }
0x7a: {  	_ =	shalt  }
0x7b: {  	_ =	shalt  }
0x7c: {  	_ =	shalt  }
0x7d: {  	_ =	shalt  }
0x7e: {  	_ =	shalt  }
0x7f: {  	_ =	shalt  }
0x80: {  	_ =	shalt  }
0x81: {  	_ =	shalt  }
0x82: {  	_ =	shalt  }
0x83: {  	_ =	shalt  }
0x84: {  	_ =	shalt  }
0x85: {  	_ =	shalt  }
0x86: {  	_ =	shalt  }
0x87: {  	_ =	shalt  }
.Lfunc_end0:
.L_simem_size_0:
called_computation_lowered:
.L_overlay_start_0:
0x88: {  	s2 =	sld [smem:$0x3FD9]  }
0x89: {  	s3 =	sld [smem:$0x3FFE];
	_ =	sdelay $0x1  }
0x8a: {  	s1 =	srdreg.scid  }
0x8b: {  	s0 =	sand.u32 $0x1, s1  }
0x8c: {  	s17 =	sshll.u32 s0, $0xA;
	s2 =	sadd.s32 s3, s2  }
0x8d: {  	s2 =	sadd.s32 s2, s17  }
0x8e: {  	[smem:$0x3FB7] =	sst s2  }
0x8f: {  	_ = 	snop  }
0x90: {  	s2 =	sld [smem:$0x3FD0];
	(tm) =	ssettm $0x1  }
0x91: {  	s18 =	sld [smem:$0x3FFB];
	_ =	sdelay $0x3  }
0x92: {  	_ =	strace s18  }
0x93: {  	s3 =	sld [smem:$0x3FFC];
	_ =	sdelay $0x3  }
0x94: {  	_ =	strace s3  }
0x95: {  	s3 =	sld [smem:$0x3FFD];
	_ =	sdelay $0x3  }
0x96: {  	_ =	strace s3  }
0x97: {  	_ =	strace $0x8FFFFFFF  }
0x98: {  	s19 =	sld [smem:$0x3FDB];
	_ =	sdelay $0x1  }
0x99: {  	s4 =	simm.s32 $_scs_section_size  }
0x9a: {  	s5 =	simm.s32 $_size__tile_overlayer_lowered;
	s6 =	simm.s32 $_tile_overlayer_lowered  }
0x9b: {  	s22 =	simm.s32 $0x1BFF;
	s21 =	sshll.u32 s6, $0x1;
	s3 =	sadd.s32 s4, s19  }
0x9c: {  	s7 =	simm.s32 $0x0;
	s20 =	sshll.u32 s5, $0x1;
	s5 =	sadd.s32 s21, s3  }
0x9d: {  	[timem:s7], [sflag:s22] =	dma.local [hbm:s5], s20  }
0x9e: {  	_ =	swait.ge [sflag:s22], s20  }
0x9f: {  	s4 =	ssub.s32 $0x0, s20;
	[sflag:s22] =	ssyncset.done $0x0  }
0xa0: {  	[sflag:s22] =	ssyncadd.s32 s4;
	_ =	sdelay $0x1  }
0xa1: {  	s23 =	simm.s32 $0x1B8B  }
0xa2: {  	_ =	swait.ge [sflag:s23], $0x1  }
0xa3: {  	[sflag:s23] =	ssyncset.done $0x0  }
0xa4: {  	s25 =	simm.s32 $0x1B8E;
	s24 =	sld [smem:$0x3FFE];
	[sflag:s23] =	ssyncadd.s32 $0xFFFFFFFF  }
0xa5: {  	s26 =	simm.s32 $execute0_lowered;
	[smem:$0x3FD2] =	sst s25  }
0xa6: {  	s5 =	sshll.u32 s26, $0x1;
	_ =	strace $0x80000046;
	[dreg:$0x1] =	wrdreg $0xFFFFFFFF  }
0xa7: {  	s28 =	simm.s32 $_size_execute0_lowered;
	s3 =	sadd.s32 s3, s5;
	[dreg:$0x0] =	wrdreg $0x0  }
0xa8: {  	s5 =	sshll.u32 s28, $0x1;
	[dreg:$0x2] =	wrdreg s3  }
0xa9: {  	[dreg:$0x3] =	wrdreg s5  }
0xaa: {  	[dreg:$0x4] =	wrdreg $0xC0  }
0xab: {  	_ =	task [dreg:s7], $0x5FFFF  }
0xac: {  	[dreg:$0x1] =	wrdreg $0xFFFFFFFF  }
0xad: {  	[dreg:$0x0] =	wrdreg $0x60  }
0xae: {  	[dreg:$0x2] =	wrdreg s24  }
0xaf: {  	[dreg:$0x3] =	wrdreg s2  }
0xb0: {  	[dreg:$0x4] =	wrdreg $0x9  }
0xb1: {  	_ =	task.clear_ibuf [dreg:s7], $0x5FFFF;
	_ =	strace $0x90000046  }
0xb2: {  	s29 =	simm.s32 $0x9;
	_ =	strace $0x80000048  }
0xb3: {  	_ =	swait.ge [sflag:s29], $0x1  }
0xb4: {  	[sflag:s29] =	ssyncadd.s32 $0xFFFFFFFF  }
0xb5: {  	_ =	strace $0x90000048  }
0xb6: {  	_ =	sfence  }
0xb7: {  	s30 =	sld [smem:$0x0];
	_ =	sdelay $0x2  }
0xb8: {  	s31 =	sshll.u32 s1, $0xD;
	s1 =	sshrl.u32 s1, $0x2  }
0xb9: {  	s3 =	sand.u32 $0x4000, s31;
	s1 =	sadd.s32 s1, s30  }
0xba: {  	s0 =	sor.u32 s3, s0;
	s1 =	sshll.u32 s1, $0x11  }
0xbb: {  	s0 =	sor.u32 s1, s0  }
0xbc: {  	s0 =	sadd.s32 $0x8F2B, s0  }
0xbd: {  	[sflag:s0] =	ssyncadd.remote.s32 $0x1  }
0xbe: {  	_ =	sfence.sel $0xFFFF  }
0xbf: {  	[dreg:$0x0] =	wrdreg $0xFFFFFFFF;
	(pc) =	sbr.abs _section_cstart, $3  }
0xc0: {  	[dreg:$0x1] =	wrdreg $0xFFFFFFFF  }
0xc1: {  	_ =	task.clear_ibuf [dreg:s7], $0x2FFFF;
	_ =	strace $0x9FFFFFFF  }
0xc2: {  	(tm) =	ssettm $0x7FFFFFFF  }
0xc3: {  	_ =	shalt  }
tec
execute0_lowered:
.L_overlay_start_1:
0x0: {  	(tag) =	ssettag $0x1  }
0x1: {  	s0 =	srdreg.scid  }
0x2: {  	s14 =	stileid.u32;
	s1 =	sand.u32 $0x1, s0  }
0x3: {  	s3 =	rddreg [dreg:$0x0];
	s4 =	sshll.u32 s14, $0xD;
	s5 =	sshll.u32 s1, $0xC  }
0x4: {  	s22 =	rddreg [dreg:$0x1];
	s2 =	simm.s32 $0x0;
	s4 =	sor.u32 s5, s4  }
0x5: {  	[smem:$0x7FF] =	sst s2;
	s5 =	smul.u32 $0x12, s4;
	s7 =	sshrl.u32 s4, $0x3  }
0x6: {  	s6 =	sadd.s32 $0xC7C00, s3;
	_ =	strace $0x80000047;
	s0 =	sadd.s32 s22, s7  }
0x7: {  	s4 =	smul.u32 $0x90, s4;
	s31 =	sadd.s32 s6, s5;
	[dreg:$0x3] =	wrdreg s0  }
0x8: {  	s23 =	sadd.s32 $0x900, s31;
	s0 =	rddreg [dreg:$0x3]  }
0x9: {  	s4 =	sshrl.u32 s4, $0x3;
	s24 =	sadd.s32 $0x1200, s31;
	[dreg:$0x4] =	wrdreg s23  }
0xa: {  	s25 =	sadd.s32 $0x1B00, s31;
	s5 =	sadd.s32 s6, s4;
	[dreg:$0x5] =	wrdreg s24  }
0xb: {  	[dreg:$0x6] =	wrdreg s25;
	s26 =	sadd.s32 $0x2400, s5  }
0xc: {  	s4 =	sadd.s32 $0x2D00, s5;
	[dreg:$0x7] =	wrdreg s26  }
0xd: {  	s6 =	sadd.s32 $0x3600, s5;
	[dreg:$0x8] =	wrdreg s4  }
0xe: {  	s7 =	sadd.s32 $0x3F00, s5;
	[dreg:$0x9] =	wrdreg s6  }
0xf: {  	s8 =	sadd.s32 $0x4800, s5;
	[dreg:$0xa] =	wrdreg s7  }
0x10: {  	s9 =	sadd.s32 $0x5100, s5;
	[dreg:$0xb] =	wrdreg s8  }
0x11: {  	s10 =	sadd.s32 $0x5A00, s5;
	[dreg:$0xc] =	wrdreg s9  }
0x12: {  	s11 =	sadd.s32 $0x6300, s5;
	[dreg:$0xd] =	wrdreg s10  }
0x13: {  	s12 =	sadd.s32 $0x6C00, s5;
	[dreg:$0xe] =	wrdreg s11  }
0x14: {  	s13 =	sadd.s32 $0x7500, s5;
	[dreg:$0xf] =	wrdreg s12  }
0x15: {  	s15 =	sadd.s32 $0x7E00, s5;
	[dreg:$0x10] =	wrdreg s13  }
0x16: {  	s16 =	sadd.s32 $0x8700, s5;
	[dreg:$0x11] =	wrdreg s15  }
0x17: {  	s17 =	sadd.s32 $0x9000, s5;
	[dreg:$0x12] =	wrdreg s16  }
0x18: {  	s18 =	sadd.s32 $0x9900, s5;
	[dreg:$0x13] =	wrdreg s17  }
0x19: {  	s19 =	sadd.s32 $0xA200, s5;
	[dreg:$0x14] =	wrdreg s18  }
0x1a: {  	s20 =	sadd.s32 $0xAB00, s5;
	[dreg:$0x15] =	wrdreg s19  }
0x1b: {  	s21 =	sadd.s32 $0xB400, s5;
	[dreg:$0x16] =	wrdreg s20  }
0x1c: {  	s22 =	sadd.s32 $0xBD00, s5;
	[dreg:$0x17] =	wrdreg s21  }
0x1d: {  	s23 =	sadd.s32 $0xC600, s5;
	[dreg:$0x18] =	wrdreg s22  }
0x1e: {  	s24 =	sadd.s32 $0xCF00, s5;
	[dreg:$0x19] =	wrdreg s23  }
0x1f: {  	s25 =	sadd.s32 $0xD800, s5;
	[dreg:$0x1a] =	wrdreg s24  }
0x20: {  	[dreg:$0x1b] =	wrdreg s25;
	s26 =	sadd.s32 $0xE100, s5  }
0x21: {  	s30 =	simm.s32 $0x880;
	s4 =	sadd.s32 $0xEA00, s5;
	[dreg:$0x1c] =	wrdreg s26  }
0x22: {  	s29 =	simm.s32 $0x900;
	s6 =	sadd.s32 $0xF300, s5;
	[dreg:$0x1d] =	wrdreg s4  }
0x23: {  	s28 =	simm.s32 $0x980;
	s7 =	sadd.s32 $0xFC00, s5;
	[dreg:$0x1e] =	wrdreg s6  }
0x24: {  	p0 =	por $0x0, $0x0;
	s8 =	sadd.s32 $0x10500, s5;
	[dreg:$0x1f] =	wrdreg s7  }
0x25: {  	s1 =	ssub.s32 $0x2, s1;
	s9 =	sadd.s32 $0x10E00, s5;
	[smem:$0x7ED] =	sst s8  }
0x26: {  	s10 =	sadd.s32 $0x11700, s5;
	s11 =	simm.s32 $0x100;
	[smem:$0x7EE] =	sst s9  }
0x27: {  	s12 =	sshrl.u32 s1, $0x1;
	s13 =	simm.s32 $0x180;
	[smem:$0x7EF] =	sst s10  }
0x28: {  	s15 =	simm.s32 $0x200;
	s16 =	simm.s32 $0x280;
	[smem:$0x7F0] =	sst s11  }
0x29: {  	s17 =	simm.s32 $0x300;
	s18 =	simm.s32 $0x380;
	[smem:$0x7F1] =	sst s13  }
0x2a: {  	s19 =	simm.s32 $0x400;
	s20 =	simm.s32 $0x480;
	[smem:$0x7F2] =	sst s15  }
0x2b: {  	s21 =	simm.s32 $0x500;
	s5 =	simm.s32 $0xE800;
	[smem:$0x7F3] =	sst s16  }
0x2c: {  	s22 =	simm.s32 $0x580;
	s23 =	simm.s32 $0x600;
	[smem:$0x7F4] =	sst s17  }
0x2d: {  	s24 =	simm.s32 $0x680;
	s25 =	simm.s32 $0x700;
	[smem:$0x7F5] =	sst s18  }
0x2e: {  	s4 =	sadd.s32 $0xA3C00, s3;
	s1 =	ssub.s32 s1, s12;
	[smem:$0x7F6] =	sst s19  }
0x2f: {  	s3 =	simm.s32 $0x5;
	s10 =	simm.s32 $0x80;
	[smem:$0x7F7] =	sst s20  }
0x30: {  	s9 =	simm.s32 $0x1000;
	s7 =	simm.s32 $0x5800;
	[smem:$0x7F8] =	sst s21  }
0x31: {  	s6 =	simm.s32 $0xA000;
	s13 =	simm.s32 $0x1;
	[smem:$0x7F9] =	sst s22  }
0x32: {  	s12 =	simm.s32 $0x2;
	[smem:$0x7FA] =	sst s23;
	s11 =	simm.s32 $0x3  }
0x33: {  	[smem:$0x7FB] =	sst s24;
	s8 =	simm.s32 $0x4;
	s1 =	smax.u32 s1, $0x1  }
0x34: {  	[smem:$0x7FC] =	sst s25;
	s26 =	simm.s32 $0x780;
	p1 =	sne.s32 s1, $0x1  }
.Ltmp0:
0x35: {  	s25 =	simm.s32 $0xA80;
	s24 =	simm.s32 $0xB00;
	(pc) =	sbr.rel @!p1 .LBB2_1-.Ltmp0, $4  }
0x36: {  	s23 =	simm.s32 $0xB80;
	s22 =	simm.s32 $0xC00;
	s21 =	simm.s32 $0xC80  }
0x37: {  	s20 =	simm.s32 $0xD00;
	s19 =	simm.s32 $0xD80;
	s18 =	simm.s32 $0xE00  }
0x38: {  	s17 =	simm.s32 $0xE80;
	s16 =	simm.s32 $0xF00;
	s15 =	simm.s32 $0xF80  }
0x39: {  	[smem:$0x7FD] =	sst s26;
	s26 =	simm.s32 $0xA00;
	s1 =	sadd.s32 $0xFFFFFFFF, s1  }
0x3a: {  	[tilespmem:s2], [sflag:$0x5] =	stream.linear.gather [hbm4b:s0+s2], $0x1000, $0x38;
	[tilespmem:$0x13000] =	vst v63  }
0x3b: {  	_ =	swait.ge [sflag:s3], $0x1000  }
0x3c: {  	[sflag:s3] =	ssyncset.done $0x0  }
0x3d: {  	[sflag:s3] =	ssyncadd.s32 $0xFFFFF000  }
0x3e: {  	[tilespmem:s9], [sflag:$0x1] =	stream.indirect.gather [hbm4b:s4+s10], $0x90, s2, s10, $0xb8;
	[tilespmem:$0x13000] =	vst v63  }
0x3f: {  	s0 =	sld [smem:$0x7F0]  }
0x40: {  	[tilespmem:s7], [sflag:$0x2] =	stream.indirect.gather [hbm4b:s4+s10], $0x90, s10, s10, $0xb8;
	[tilespmem:$0x13000] =	vst v63  }
0x41: {  	s14 =	smov.u32 s1;
	s1 =	sld [smem:$0x7F1]  }
0x42: {  	[tilespmem:s6], [sflag:$0x3] =	stream.indirect.gather [hbm4b:s4+s10], $0x90, s0, s10, $0xb8;
	[tilespmem:$0x13000] =	vst v63  }
0x43: {  	_ = 	snop  }
0x44: {  	[tilespmem:s5], [sflag:$0x4] =	stream.indirect.gather [hbm4b:s4+s10], $0x90, s1, s10, $0xb8;
	[tilespmem:$0x13000] =	vst v63  }
0x45: {  	_ =	swait.ge [sflag:s13], $0x4800  }
0x46: {  	[sflag:s13] =	ssyncset.done $0x0  }
0x47: {  	[sflag:s13] =	ssyncadd.s32 $0xFFFFB800  }
0x48: {  	[hbm4b:s31+s2] =	stream.linear.scatter [tilespmem:s9], [sflag:$0x5], $0x4800, $0x38;
	[tilespmem:$0x13000] =	vst v63  }
0x49: {  	_ =	swait.ge [sflag:s3], $0x4800  }
0x4a: {  	s1 =	sld [smem:$0x7F2]  }
0x4b: {  	[sflag:s3] =	ssyncset.done $0x0  }
0x4c: {  	[sflag:s3] =	ssyncadd.s32 $0xFFFFB800  }
0x4d: {  	[tilespmem:s9], [sflag:$0x1] =	stream.indirect.gather [hbm4b:s4+s10], $0x90, s1, s10, $0xb8;
	[tilespmem:$0x13000] =	vst v63  }
0x4e: {  	_ =	swait.ge [sflag:s12], $0x4800  }
0x4f: {  	[sflag:s12] =	ssyncset.done $0x0  }
0x50: {  	s1 =	rddreg [dreg:$0x4];
	[sflag:s12] =	ssyncadd.s32 $0xFFFFB800  }
0x51: {  	[hbm4b:s1+s2] =	stream.linear.scatter [tilespmem:s7], [sflag:$0x5], $0x4800, $0x38;
	[tilespmem:$0x13000] =	vst v63  }
0x52: {  	_ =	swait.ge [sflag:s3], $0x4800  }
0x53: {  	s1 =	sld [smem:$0x7F3]  }
0x54: {  	[sflag:s3] =	ssyncset.done $0x0  }
0x55: {  	[sflag:s3] =	ssyncadd.s32 $0xFFFFB800  }
0x56: {  	[tilespmem:s7], [sflag:$0x2] =	stream.indirect.gather [hbm4b:s4+s10], $0x90, s1, s10, $0xb8;
	[tilespmem:$0x13000] =	vst v63  }
0x57: {  	_ =	swait.ge [sflag:s11], $0x4800  }
0x58: {  	[sflag:s11] =	ssyncset.done $0x0  }
0x59: {  	s1 =	rddreg [dreg:$0x5];
	[sflag:s11] =	ssyncadd.s32 $0xFFFFB800  }
0x5a: {  	[hbm4b:s1+s2] =	stream.linear.scatter [tilespmem:s6], [sflag:$0x5], $0x4800, $0x38;
	[tilespmem:$0x13000] =	vst v63  }
0x5b: {  	_ =	swait.ge [sflag:s3], $0x4800  }
0x5c: {  	s1 =	sld [smem:$0x7F4]  }
0x5d: {  	[sflag:s3] =	ssyncset.done $0x0  }
0x5e: {  	[sflag:s3] =	ssyncadd.s32 $0xFFFFB800  }
0x5f: {  	[tilespmem:s6], [sflag:$0x3] =	stream.indirect.gather [hbm4b:s4+s10], $0x90, s1, s10, $0xb8;
	[tilespmem:$0x13000] =	vst v63  }
0x60: {  	_ =	swait.ge [sflag:s8], $0x4800  }
0x61: {  	[sflag:s8] =	ssyncset.done $0x0  }
0x62: {  	s1 =	rddreg [dreg:$0x6];
	[sflag:s8] =	ssyncadd.s32 $0xFFFFB800  }
0x63: {  	[hbm4b:s1+s2] =	stream.linear.scatter [tilespmem:s5], [sflag:$0x5], $0x4800, $0x38;
	[tilespmem:$0x13000] =	vst v63  }
0x64: {  	_ =	swait.ge [sflag:s3], $0x4800  }
0x65: {  	s1 =	sld [smem:$0x7F5]  }
0x66: {  	[sflag:s3] =	ssyncset.done $0x0  }
0x67: {  	[sflag:s3] =	ssyncadd.s32 $0xFFFFB800  }
0x68: {  	[tilespmem:s5], [sflag:$0x4] =	stream.indirect.gather [hbm4b:s4+s10], $0x90, s1, s10, $0xb8;
	[tilespmem:$0x13000] =	vst v63  }
0x69: {  	_ =	swait.ge [sflag:s13], $0x4800  }
0x6a: {  	[sflag:s13] =	ssyncset.done $0x0  }
0x6b: {  	s1 =	rddreg [dreg:$0x7];
	[sflag:s13] =	ssyncadd.s32 $0xFFFFB800  }
0x6c: {  	[hbm4b:s1+s2] =	stream.linear.scatter [tilespmem:s9], [sflag:$0x5], $0x4800, $0x38;
	[tilespmem:$0x13000] =	vst v63  }
0x6d: {  	_ =	swait.ge [sflag:s3], $0x4800  }
0x6e: {  	s1 =	sld [smem:$0x7F6]  }
0x6f: {  	[sflag:s3] =	ssyncset.done $0x0  }
0x70: {  	[sflag:s3] =	ssyncadd.s32 $0xFFFFB800  }
0x71: {  	[tilespmem:s9], [sflag:$0x1] =	stream.indirect.gather [hbm4b:s4+s10], $0x90, s1, s10, $0xb8;
	[tilespmem:$0x13000] =	vst v63  }
0x72: {  	_ =	swait.ge [sflag:s12], $0x4800  }
0x73: {  	[sflag:s12] =	ssyncset.done $0x0  }
0x74: {  	s1 =	rddreg [dreg:$0x8];
	[sflag:s12] =	ssyncadd.s32 $0xFFFFB800  }
0x75: {  	[hbm4b:s1+s2] =	stream.linear.scatter [tilespmem:s7], [sflag:$0x5], $0x4800, $0x38;
	[tilespmem:$0x13000] =	vst v63  }
0x76: {  	_ =	swait.ge [sflag:s3], $0x4800  }
0x77: {  	s1 =	sld [smem:$0x7F7]  }
0x78: {  	[sflag:s3] =	ssyncset.done $0x0  }
0x79: {  	[sflag:s3] =	ssyncadd.s32 $0xFFFFB800  }
0x7a: {  	[tilespmem:s7], [sflag:$0x2] =	stream.indirect.gather [hbm4b:s4+s10], $0x90, s1, s10, $0xb8;
	[tilespmem:$0x13000] =	vst v63  }
0x7b: {  	_ =	swait.ge [sflag:s11], $0x4800  }
0x7c: {  	[sflag:s11] =	ssyncset.done $0x0  }
0x7d: {  	s1 =	rddreg [dreg:$0x9];
	[sflag:s11] =	ssyncadd.s32 $0xFFFFB800  }
0x7e: {  	[hbm4b:s1+s2] =	stream.linear.scatter [tilespmem:s6], [sflag:$0x5], $0x4800, $0x38;
	[tilespmem:$0x13000] =	vst v63  }
0x7f: {  	_ =	swait.ge [sflag:s3], $0x4800  }
0x80: {  	s1 =	sld [smem:$0x7F8]  }
0x81: {  	[sflag:s3] =	ssyncset.done $0x0  }
0x82: {  	[sflag:s3] =	ssyncadd.s32 $0xFFFFB800  }
0x83: {  	[tilespmem:s6], [sflag:$0x3] =	stream.indirect.gather [hbm4b:s4+s10], $0x90, s1, s10, $0xb8;
	[tilespmem:$0x13000] =	vst v63  }
0x84: {  	_ =	swait.ge [sflag:s8], $0x4800  }
0x85: {  	[sflag:s8] =	ssyncset.done $0x0  }
0x86: {  	s1 =	rddreg [dreg:$0xa];
	[sflag:s8] =	ssyncadd.s32 $0xFFFFB800  }
0x87: {  	[hbm4b:s1+s2] =	stream.linear.scatter [tilespmem:s5], [sflag:$0x5], $0x4800, $0x38;
	[tilespmem:$0x13000] =	vst v63  }
0x88: {  	_ =	swait.ge [sflag:s3], $0x4800  }
0x89: {  	s1 =	sld [smem:$0x7F9]  }
0x8a: {  	[sflag:s3] =	ssyncset.done $0x0  }
0x8b: {  	[sflag:s3] =	ssyncadd.s32 $0xFFFFB800  }
0x8c: {  	[tilespmem:s5], [sflag:$0x4] =	stream.indirect.gather [hbm4b:s4+s10], $0x90, s1, s10, $0xb8;
	[tilespmem:$0x13000] =	vst v63  }
0x8d: {  	_ =	swait.ge [sflag:s13], $0x4800  }
0x8e: {  	[sflag:s13] =	ssyncset.done $0x0  }
0x8f: {  	s1 =	rddreg [dreg:$0xb];
	[sflag:s13] =	ssyncadd.s32 $0xFFFFB800  }
0x90: {  	[hbm4b:s1+s2] =	stream.linear.scatter [tilespmem:s9], [sflag:$0x5], $0x4800, $0x38;
	[tilespmem:$0x13000] =	vst v63  }
0x91: {  	_ =	swait.ge [sflag:s3], $0x4800  }
0x92: {  	s1 =	sld [smem:$0x7FA]  }
0x93: {  	[sflag:s3] =	ssyncset.done $0x0  }
0x94: {  	[sflag:s3] =	ssyncadd.s32 $0xFFFFB800  }
0x95: {  	[tilespmem:s9], [sflag:$0x1] =	stream.indirect.gather [hbm4b:s4+s10], $0x90, s1, s10, $0xb8;
	[tilespmem:$0x13000] =	vst v63  }
0x96: {  	_ =	swait.ge [sflag:s12], $0x4800  }
0x97: {  	[sflag:s12] =	ssyncset.done $0x0  }
0x98: {  	s1 =	rddreg [dreg:$0xc];
	[sflag:s12] =	ssyncadd.s32 $0xFFFFB800  }
0x99: {  	[hbm4b:s1+s2] =	stream.linear.scatter [tilespmem:s7], [sflag:$0x5], $0x4800, $0x38;
	[tilespmem:$0x13000] =	vst v63  }
0x9a: {  	_ =	swait.ge [sflag:s3], $0x4800  }
0x9b: {  	s1 =	sld [smem:$0x7FB]  }
0x9c: {  	[sflag:s3] =	ssyncset.done $0x0  }
0x9d: {  	[sflag:s3] =	ssyncadd.s32 $0xFFFFB800  }
0x9e: {  	[tilespmem:s7], [sflag:$0x2] =	stream.indirect.gather [hbm4b:s4+s10], $0x90, s1, s10, $0xb8;
	[tilespmem:$0x13000] =	vst v63  }
0x9f: {  	_ =	swait.ge [sflag:s11], $0x4800  }
0xa0: {  	[sflag:s11] =	ssyncset.done $0x0  }
0xa1: {  	s1 =	rddreg [dreg:$0xd];
	[sflag:s11] =	ssyncadd.s32 $0xFFFFB800  }
0xa2: {  	[hbm4b:s1+s2] =	stream.linear.scatter [tilespmem:s6], [sflag:$0x5], $0x4800, $0x38;
	[tilespmem:$0x13000] =	vst v63  }
0xa3: {  	_ =	swait.ge [sflag:s3], $0x4800  }
0xa4: {  	s1 =	sld [smem:$0x7FC]  }
0xa5: {  	[sflag:s3] =	ssyncset.done $0x0  }
0xa6: {  	[sflag:s3] =	ssyncadd.s32 $0xFFFFB800  }
0xa7: {  	[tilespmem:s6], [sflag:$0x3] =	stream.indirect.gather [hbm4b:s4+s10], $0x90, s1, s10, $0xb8;
	[tilespmem:$0x13000] =	vst v63  }
0xa8: {  	_ =	swait.ge [sflag:s8], $0x4800  }
0xa9: {  	[sflag:s8] =	ssyncset.done $0x0  }
0xaa: {  	s1 =	rddreg [dreg:$0xe];
	[sflag:s8] =	ssyncadd.s32 $0xFFFFB800  }
0xab: {  	[hbm4b:s1+s2] =	stream.linear.scatter [tilespmem:s5], [sflag:$0x5], $0x4800, $0x38;
	[tilespmem:$0x13000] =	vst v63  }
0xac: {  	_ =	swait.ge [sflag:s3], $0x4800  }
0xad: {  	s1 =	sld [smem:$0x7FD]  }
0xae: {  	[sflag:s3] =	ssyncset.done $0x0  }
0xaf: {  	[sflag:s3] =	ssyncadd.s32 $0xFFFFB800  }
0xb0: {  	[tilespmem:s5], [sflag:$0x4] =	stream.indirect.gather [hbm4b:s4+s10], $0x90, s1, s10, $0xb8;
	[tilespmem:$0x13000] =	vst v63  }
0xb1: {  	_ =	swait.ge [sflag:s13], $0x4800  }
0xb2: {  	[sflag:s13] =	ssyncset.done $0x0  }
0xb3: {  	s1 =	rddreg [dreg:$0xf];
	[sflag:s13] =	ssyncadd.s32 $0xFFFFB800  }
0xb4: {  	[hbm4b:s1+s2] =	stream.linear.scatter [tilespmem:s9], [sflag:$0x5], $0x4800, $0x38;
	[tilespmem:$0x13000] =	vst v63  }
0xb5: {  	_ =	swait.ge [sflag:s3], $0x4800  }
0xb6: {  	[sflag:s3] =	ssyncset.done $0x0  }
0xb7: {  	s1 =	simm.s32 $0x800;
	[sflag:s3] =	ssyncadd.s32 $0xFFFFB800  }
0xb8: {  	[tilespmem:s9], [sflag:$0x1] =	stream.indirect.gather [hbm4b:s4+s10], $0x90, s1, s10, $0xb8;
	[tilespmem:$0x13000] =	vst v63  }
0xb9: {  	_ =	swait.ge [sflag:s12], $0x4800  }
0xba: {  	[sflag:s12] =	ssyncset.done $0x0  }
0xbb: {  	s1 =	rddreg [dreg:$0x10];
	[sflag:s12] =	ssyncadd.s32 $0xFFFFB800  }
0xbc: {  	[hbm4b:s1+s2] =	stream.linear.scatter [tilespmem:s7], [sflag:$0x5], $0x4800, $0x38;
	[tilespmem:$0x13000] =	vst v63  }
0xbd: {  	_ =	swait.ge [sflag:s3], $0x4800  }
0xbe: {  	[sflag:s3] =	ssyncset.done $0x0  }
0xbf: {  	[sflag:s3] =	ssyncadd.s32 $0xFFFFB800  }
0xc0: {  	[tilespmem:s7], [sflag:$0x2] =	stream.indirect.gather [hbm4b:s4+s10], $0x90, s30, s10, $0xb8;
	[tilespmem:$0x13000] =	vst v63  }
0xc1: {  	_ =	swait.ge [sflag:s11], $0x4800  }
0xc2: {  	[sflag:s11] =	ssyncset.done $0x0  }
0xc3: {  	s1 =	rddreg [dreg:$0x11];
	[sflag:s11] =	ssyncadd.s32 $0xFFFFB800  }
0xc4: {  	[hbm4b:s1+s2] =	stream.linear.scatter [tilespmem:s6], [sflag:$0x5], $0x4800, $0x38;
	[tilespmem:$0x13000] =	vst v63  }
0xc5: {  	_ =	swait.ge [sflag:s3], $0x4800  }
0xc6: {  	[sflag:s3] =	ssyncset.done $0x0  }
0xc7: {  	[sflag:s3] =	ssyncadd.s32 $0xFFFFB800  }
0xc8: {  	[tilespmem:s6], [sflag:$0x3] =	stream.indirect.gather [hbm4b:s4+s10], $0x90, s29, s10, $0xb8;
	[tilespmem:$0x13000] =	vst v63  }
0xc9: {  	_ =	swait.ge [sflag:s8], $0x4800  }
0xca: {  	[sflag:s8] =	ssyncset.done $0x0  }
0xcb: {  	s1 =	rddreg [dreg:$0x12];
	[sflag:s8] =	ssyncadd.s32 $0xFFFFB800  }
0xcc: {  	[hbm4b:s1+s2] =	stream.linear.scatter [tilespmem:s5], [sflag:$0x5], $0x4800, $0x38;
	[tilespmem:$0x13000] =	vst v63  }
0xcd: {  	_ =	swait.ge [sflag:s3], $0x4800  }
0xce: {  	[sflag:s3] =	ssyncset.done $0x0  }
0xcf: {  	[sflag:s3] =	ssyncadd.s32 $0xFFFFB800  }
0xd0: {  	[tilespmem:s5], [sflag:$0x4] =	stream.indirect.gather [hbm4b:s4+s10], $0x90, s28, s10, $0xb8;
	[tilespmem:$0x13000] =	vst v63  }
0xd1: {  	_ =	swait.ge [sflag:s13], $0x4800  }
0xd2: {  	[sflag:s13] =	ssyncset.done $0x0  }
0xd3: {  	s1 =	rddreg [dreg:$0x13];
	[sflag:s13] =	ssyncadd.s32 $0xFFFFB800  }
0xd4: {  	[hbm4b:s1+s2] =	stream.linear.scatter [tilespmem:s9], [sflag:$0x5], $0x4800, $0x38;
	[tilespmem:$0x13000] =	vst v63  }
0xd5: {  	_ =	swait.ge [sflag:s3], $0x4800  }
0xd6: {  	[sflag:s3] =	ssyncset.done $0x0  }
0xd7: {  	[sflag:s3] =	ssyncadd.s32 $0xFFFFB800  }
0xd8: {  	[tilespmem:s9], [sflag:$0x1] =	stream.indirect.gather [hbm4b:s4+s10], $0x90, s26, s10, $0xb8;
	[tilespmem:$0x13000] =	vst v63  }
0xd9: {  	_ =	swait.ge [sflag:s12], $0x4800  }
0xda: {  	[sflag:s12] =	ssyncset.done $0x0  }
0xdb: {  	s1 =	rddreg [dreg:$0x14];
	[sflag:s12] =	ssyncadd.s32 $0xFFFFB800  }
0xdc: {  	[hbm4b:s1+s2] =	stream.linear.scatter [tilespmem:s7], [sflag:$0x5], $0x4800, $0x38;
	[tilespmem:$0x13000] =	vst v63  }
0xdd: {  	_ =	swait.ge [sflag:s3], $0x4800  }
0xde: {  	[sflag:s3] =	ssyncset.done $0x0  }
0xdf: {  	[sflag:s3] =	ssyncadd.s32 $0xFFFFB800  }
0xe0: {  	[tilespmem:s7], [sflag:$0x2] =	stream.indirect.gather [hbm4b:s4+s10], $0x90, s25, s10, $0xb8;
	[tilespmem:$0x13000] =	vst v63  }
0xe1: {  	_ =	swait.ge [sflag:s11], $0x4800  }
0xe2: {  	[sflag:s11] =	ssyncset.done $0x0  }
0xe3: {  	s1 =	rddreg [dreg:$0x15];
	[sflag:s11] =	ssyncadd.s32 $0xFFFFB800  }
0xe4: {  	[hbm4b:s1+s2] =	stream.linear.scatter [tilespmem:s6], [sflag:$0x5], $0x4800, $0x38;
	[tilespmem:$0x13000] =	vst v63  }
0xe5: {  	_ =	swait.ge [sflag:s3], $0x4800  }
0xe6: {  	[sflag:s3] =	ssyncset.done $0x0  }
0xe7: {  	[sflag:s3] =	ssyncadd.s32 $0xFFFFB800  }
0xe8: {  	[tilespmem:s6], [sflag:$0x3] =	stream.indirect.gather [hbm4b:s4+s10], $0x90, s24, s10, $0xb8;
	[tilespmem:$0x13000] =	vst v63  }
0xe9: {  	_ =	swait.ge [sflag:s8], $0x4800  }
0xea: {  	[sflag:s8] =	ssyncset.done $0x0  }
0xeb: {  	s1 =	rddreg [dreg:$0x16];
	[sflag:s8] =	ssyncadd.s32 $0xFFFFB800  }
0xec: {  	[hbm4b:s1+s2] =	stream.linear.scatter [tilespmem:s5], [sflag:$0x5], $0x4800, $0x38;
	[tilespmem:$0x13000] =	vst v63  }
0xed: {  	_ =	swait.ge [sflag:s3], $0x4800  }
0xee: {  	[sflag:s3] =	ssyncset.done $0x0  }
0xef: {  	[sflag:s3] =	ssyncadd.s32 $0xFFFFB800  }
0xf0: {  	[tilespmem:s5], [sflag:$0x4] =	stream.indirect.gather [hbm4b:s4+s10], $0x90, s23, s10, $0xb8;
	[tilespmem:$0x13000] =	vst v63  }
0xf1: {  	_ =	swait.ge [sflag:s13], $0x4800  }
0xf2: {  	[sflag:s13] =	ssyncset.done $0x0  }
0xf3: {  	s1 =	rddreg [dreg:$0x17];
	[sflag:s13] =	ssyncadd.s32 $0xFFFFB800  }
0xf4: {  	[hbm4b:s1+s2] =	stream.linear.scatter [tilespmem:s9], [sflag:$0x5], $0x4800, $0x38;
	[tilespmem:$0x13000] =	vst v63  }
0xf5: {  	_ =	swait.ge [sflag:s3], $0x4800  }
0xf6: {  	[sflag:s3] =	ssyncset.done $0x0  }
0xf7: {  	[sflag:s3] =	ssyncadd.s32 $0xFFFFB800  }
0xf8: {  	[tilespmem:s9], [sflag:$0x1] =	stream.indirect.gather [hbm4b:s4+s10], $0x90, s22, s10, $0xb8;
	[tilespmem:$0x13000] =	vst v63  }
0xf9: {  	_ =	swait.ge [sflag:s12], $0x4800  }
0xfa: {  	[sflag:s12] =	ssyncset.done $0x0  }
0xfb: {  	s1 =	rddreg [dreg:$0x18];
	[sflag:s12] =	ssyncadd.s32 $0xFFFFB800  }
0xfc: {  	[hbm4b:s1+s2] =	stream.linear.scatter [tilespmem:s7], [sflag:$0x5], $0x4800, $0x38;
	[tilespmem:$0x13000] =	vst v63  }
0xfd: {  	_ =	swait.ge [sflag:s3], $0x4800  }
0xfe: {  	[sflag:s3] =	ssyncset.done $0x0  }
0xff: {  	[sflag:s3] =	ssyncadd.s32 $0xFFFFB800  }
0x100: {  	[tilespmem:s7], [sflag:$0x2] =	stream.indirect.gather [hbm4b:s4+s10], $0x90, s21, s10, $0xb8;
	[tilespmem:$0x13000] =	vst v63  }
0x101: {  	_ =	swait.ge [sflag:s11], $0x4800  }
0x102: {  	[sflag:s11] =	ssyncset.done $0x0  }
0x103: {  	s1 =	rddreg [dreg:$0x19];
	[sflag:s11] =	ssyncadd.s32 $0xFFFFB800  }
0x104: {  	[hbm4b:s1+s2] =	stream.linear.scatter [tilespmem:s6], [sflag:$0x5], $0x4800, $0x38;
	[tilespmem:$0x13000] =	vst v63  }
0x105: {  	_ =	swait.ge [sflag:s3], $0x4800  }
0x106: {  	[sflag:s3] =	ssyncset.done $0x0  }
0x107: {  	[sflag:s3] =	ssyncadd.s32 $0xFFFFB800  }
0x108: {  	[tilespmem:s6], [sflag:$0x3] =	stream.indirect.gather [hbm4b:s4+s10], $0x90, s20, s10, $0xb8;
	[tilespmem:$0x13000] =	vst v63  }
0x109: {  	_ =	swait.ge [sflag:s8], $0x4800  }
0x10a: {  	[sflag:s8] =	ssyncset.done $0x0  }
0x10b: {  	s1 =	rddreg [dreg:$0x1a];
	[sflag:s8] =	ssyncadd.s32 $0xFFFFB800  }
0x10c: {  	[hbm4b:s1+s2] =	stream.linear.scatter [tilespmem:s5], [sflag:$0x5], $0x4800, $0x38;
	[tilespmem:$0x13000] =	vst v63  }
0x10d: {  	_ =	swait.ge [sflag:s3], $0x4800  }
0x10e: {  	[sflag:s3] =	ssyncset.done $0x0  }
0x10f: {  	[sflag:s3] =	ssyncadd.s32 $0xFFFFB800  }
0x110: {  	[tilespmem:s5], [sflag:$0x4] =	stream.indirect.gather [hbm4b:s4+s10], $0x90, s19, s10, $0xb8;
	[tilespmem:$0x13000] =	vst v63  }
0x111: {  	_ =	swait.ge [sflag:s13], $0x4800  }
0x112: {  	[sflag:s13] =	ssyncset.done $0x0  }
0x113: {  	s1 =	rddreg [dreg:$0x1b];
	[sflag:s13] =	ssyncadd.s32 $0xFFFFB800  }
0x114: {  	[hbm4b:s1+s2] =	stream.linear.scatter [tilespmem:s9], [sflag:$0x5], $0x4800, $0x38;
	[tilespmem:$0x13000] =	vst v63  }
0x115: {  	_ =	swait.ge [sflag:s3], $0x4800  }
0x116: {  	[sflag:s3] =	ssyncset.done $0x0  }
0x117: {  	[sflag:s3] =	ssyncadd.s32 $0xFFFFB800  }
0x118: {  	[tilespmem:s9], [sflag:$0x1] =	stream.indirect.gather [hbm4b:s4+s10], $0x90, s18, s10, $0xb8;
	[tilespmem:$0x13000] =	vst v63  }
0x119: {  	_ =	swait.ge [sflag:s12], $0x4800  }
0x11a: {  	[sflag:s12] =	ssyncset.done $0x0  }
0x11b: {  	s1 =	rddreg [dreg:$0x1c];
	[sflag:s12] =	ssyncadd.s32 $0xFFFFB800  }
0x11c: {  	[hbm4b:s1+s2] =	stream.linear.scatter [tilespmem:s7], [sflag:$0x5], $0x4800, $0x38;
	[tilespmem:$0x13000] =	vst v63  }
0x11d: {  	_ =	swait.ge [sflag:s3], $0x4800  }
0x11e: {  	[sflag:s3] =	ssyncset.done $0x0  }
0x11f: {  	[sflag:s3] =	ssyncadd.s32 $0xFFFFB800  }
0x120: {  	[tilespmem:s7], [sflag:$0x2] =	stream.indirect.gather [hbm4b:s4+s10], $0x90, s17, s10, $0xb8;
	[tilespmem:$0x13000] =	vst v63  }
0x121: {  	_ =	swait.ge [sflag:s11], $0x4800  }
0x122: {  	[sflag:s11] =	ssyncset.done $0x0  }
0x123: {  	s1 =	rddreg [dreg:$0x1d];
	[sflag:s11] =	ssyncadd.s32 $0xFFFFB800  }
0x124: {  	[hbm4b:s1+s2] =	stream.linear.scatter [tilespmem:s6], [sflag:$0x5], $0x4800, $0x38;
	[tilespmem:$0x13000] =	vst v63  }
0x125: {  	_ =	swait.ge [sflag:s3], $0x4800  }
0x126: {  	[sflag:s3] =	ssyncset.done $0x0  }
0x127: {  	[sflag:s3] =	ssyncadd.s32 $0xFFFFB800  }
0x128: {  	[tilespmem:s6], [sflag:$0x3] =	stream.indirect.gather [hbm4b:s4+s10], $0x90, s16, s10, $0xb8;
	[tilespmem:$0x13000] =	vst v63  }
0x129: {  	_ =	swait.ge [sflag:s8], $0x4800  }
0x12a: {  	[sflag:s8] =	ssyncset.done $0x0  }
0x12b: {  	s1 =	rddreg [dreg:$0x1e];
	[sflag:s8] =	ssyncadd.s32 $0xFFFFB800  }
0x12c: {  	[hbm4b:s1+s2] =	stream.linear.scatter [tilespmem:s5], [sflag:$0x5], $0x4800, $0x38;
	[tilespmem:$0x13000] =	vst v63  }
0x12d: {  	_ =	swait.ge [sflag:s3], $0x4800  }
0x12e: {  	[sflag:s3] =	ssyncset.done $0x0  }
0x12f: {  	[sflag:s3] =	ssyncadd.s32 $0xFFFFB800  }
0x130: {  	[tilespmem:s5], [sflag:$0x4] =	stream.indirect.gather [hbm4b:s4+s10], $0x90, s15, s10, $0xb8;
	[tilespmem:$0x13000] =	vst v63  }
0x131: {  	_ =	swait.ge [sflag:s13], $0x4800  }
0x132: {  	[sflag:s13] =	ssyncset.done $0x0  }
0x133: {  	s1 =	rddreg [dreg:$0x1f];
	[sflag:s13] =	ssyncadd.s32 $0xFFFFB800  }
0x134: {  	[hbm4b:s1+s2] =	stream.linear.scatter [tilespmem:s9], [sflag:$0x5], $0x4800, $0x38;
	[tilespmem:$0x13000] =	vst v63  }
0x135: {  	_ =	swait.ge [sflag:s3], $0x4800  }
0x136: {  	[sflag:s3] =	ssyncset.done $0x0  }
0x137: {  	[sflag:s3] =	ssyncadd.s32 $0xFFFFB800  }
0x138: {  	_ =	swait.ge [sflag:s12], $0x4800  }
0x139: {  	s1 =	sld [smem:$0x7ED]  }
0x13a: {  	[sflag:s12] =	ssyncset.done $0x0  }
0x13b: {  	[sflag:s12] =	ssyncadd.s32 $0xFFFFB800  }
0x13c: {  	[hbm4b:s1+s2] =	stream.linear.scatter [tilespmem:s7], [sflag:$0x5], $0x4800, $0x38;
	[tilespmem:$0x13000] =	vst v63  }
0x13d: {  	_ =	swait.ge [sflag:s3], $0x4800  }
0x13e: {  	[sflag:s3] =	ssyncset.done $0x0  }
0x13f: {  	[sflag:s3] =	ssyncadd.s32 $0xFFFFB800  }
0x140: {  	_ =	swait.ge [sflag:s11], $0x4800  }
0x141: {  	s1 =	sld [smem:$0x7EE]  }
0x142: {  	[sflag:s11] =	ssyncset.done $0x0  }
0x143: {  	[sflag:s11] =	ssyncadd.s32 $0xFFFFB800  }
0x144: {  	[hbm4b:s1+s2] =	stream.linear.scatter [tilespmem:s6], [sflag:$0x5], $0x4800, $0x38;
	[tilespmem:$0x13000] =	vst v63  }
0x145: {  	_ =	swait.ge [sflag:s3], $0x4800  }
0x146: {  	[sflag:s3] =	ssyncset.done $0x0  }
0x147: {  	[sflag:s3] =	ssyncadd.s32 $0xFFFFB800  }
0x148: {  	_ =	swait.ge [sflag:s8], $0x4800  }
0x149: {  	p1 =	sne.s32 s14, $0x1;
	s1 =	sld [smem:$0x7EF]  }
.Ltmp1:
0x14a: {  	[sflag:s8] =	ssyncset.done $0x0;
	(pc) =	sbr.rel @!p1 .LBB2_3-.Ltmp1, $4  }
0x14b: {  	[sflag:s8] =	ssyncadd.s32 $0xFFFFB800  }
0x14c: {  	[hbm4b:s1+s2] =	stream.linear.scatter [tilespmem:s5], [sflag:$0x5], $0x4800, $0x38;
	[tilespmem:$0x13000] =	vst v63  }
0x14d: {  	p0 =	por $0x1, $0x1;
	_ =	swait.ge [sflag:s3], $0x4800  }
0x14e: {  	s1 =	sadd.s32 $0xFFFFFFFF, s14;
	s0 =	rddreg [dreg:$0x3];
	[sflag:s3] =	ssyncset.done $0x0  }
.LBB2_4:
0x14f: {  	[sflag:s3] =	ssyncadd.s32 $0xFFFFB800  }
0x150: {  	[tilespmem:s2], [sflag:$0x5] =	stream.linear.gather [hbm4b:s0+s2], $0x1000, $0x38;
	[tilespmem:$0x13000] =	vst v63  }
0x151: {  	_ =	swait.ge [sflag:s3], $0x1000  }
0x152: {  	[sflag:s3] =	ssyncset.done $0x0  }
0x153: {  	[sflag:s3] =	ssyncadd.s32 $0xFFFFF000  }
0x154: {  	[tilespmem:s9], [sflag:$0x1] =	stream.indirect.gather [hbm4b:s4+s10], $0x90, s2, s10, $0xb8;
	[tilespmem:$0x13000] =	vst v63  }
0x155: {  	s0 =	sld [smem:$0x7F0]  }
0x156: {  	[tilespmem:s7], [sflag:$0x2] =	stream.indirect.gather [hbm4b:s4+s10], $0x90, s10, s10, $0xb8;
	[tilespmem:$0x13000] =	vst v63  }
0x157: {  	s14 =	sld [smem:$0x7F1]  }
0x158: {  	[tilespmem:s6], [sflag:$0x3] =	stream.indirect.gather [hbm4b:s4+s10], $0x90, s0, s10, $0xb8;
	[tilespmem:$0x13000] =	vst v63  }
0x159: {  	_ = 	snop  }
0x15a: {  	[tilespmem:s5], [sflag:$0x4] =	stream.indirect.gather [hbm4b:s4+s10], $0x90, s14, s10, $0xb8;
	[tilespmem:$0x13000] =	vst v63  }
0x15b: {  	_ =	swait.ge [sflag:s13], $0x4800  }
0x15c: {  	[sflag:s13] =	ssyncset.done $0x0  }
0x15d: {  	[sflag:s13] =	ssyncadd.s32 $0xFFFFB800  }
0x15e: {  	[hbm4b:s31+s2] =	stream.linear.scatter [tilespmem:s9], [sflag:$0x5], $0x4800, $0x38;
	[tilespmem:$0x13000] =	vst v63  }
0x15f: {  	_ =	swait.ge [sflag:s3], $0x4800  }
0x160: {  	s14 =	sld [smem:$0x7F2]  }
0x161: {  	[sflag:s3] =	ssyncset.done $0x0  }
0x162: {  	[sflag:s3] =	ssyncadd.s32 $0xFFFFB800  }
0x163: {  	[tilespmem:s9], [sflag:$0x1] =	stream.indirect.gather [hbm4b:s4+s10], $0x90, s14, s10, $0xb8;
	[tilespmem:$0x13000] =	vst v63  }
0x164: {  	_ =	swait.ge [sflag:s12], $0x4800  }
0x165: {  	[sflag:s12] =	ssyncset.done $0x0  }
0x166: {  	s14 =	rddreg [dreg:$0x4];
	[sflag:s12] =	ssyncadd.s32 $0xFFFFB800  }
0x167: {  	[hbm4b:s14+s2] =	stream.linear.scatter [tilespmem:s7], [sflag:$0x5], $0x4800, $0x38;
	[tilespmem:$0x13000] =	vst v63  }
0x168: {  	_ =	swait.ge [sflag:s3], $0x4800  }
0x169: {  	s14 =	sld [smem:$0x7F3]  }
0x16a: {  	[sflag:s3] =	ssyncset.done $0x0  }
0x16b: {  	[sflag:s3] =	ssyncadd.s32 $0xFFFFB800  }
0x16c: {  	[tilespmem:s7], [sflag:$0x2] =	stream.indirect.gather [hbm4b:s4+s10], $0x90, s14, s10, $0xb8;
	[tilespmem:$0x13000] =	vst v63  }
0x16d: {  	_ =	swait.ge [sflag:s11], $0x4800  }
0x16e: {  	[sflag:s11] =	ssyncset.done $0x0  }
0x16f: {  	s14 =	rddreg [dreg:$0x5];
	[sflag:s11] =	ssyncadd.s32 $0xFFFFB800  }
0x170: {  	[hbm4b:s14+s2] =	stream.linear.scatter [tilespmem:s6], [sflag:$0x5], $0x4800, $0x38;
	[tilespmem:$0x13000] =	vst v63  }
0x171: {  	_ =	swait.ge [sflag:s3], $0x4800  }
0x172: {  	s14 =	sld [smem:$0x7F4]  }
0x173: {  	[sflag:s3] =	ssyncset.done $0x0  }
0x174: {  	[sflag:s3] =	ssyncadd.s32 $0xFFFFB800  }
0x175: {  	[tilespmem:s6], [sflag:$0x3] =	stream.indirect.gather [hbm4b:s4+s10], $0x90, s14, s10, $0xb8;
	[tilespmem:$0x13000] =	vst v63  }
0x176: {  	_ =	swait.ge [sflag:s8], $0x4800  }
0x177: {  	[sflag:s8] =	ssyncset.done $0x0  }
0x178: {  	s14 =	rddreg [dreg:$0x6];
	[sflag:s8] =	ssyncadd.s32 $0xFFFFB800  }
0x179: {  	[hbm4b:s14+s2] =	stream.linear.scatter [tilespmem:s5], [sflag:$0x5], $0x4800, $0x38;
	[tilespmem:$0x13000] =	vst v63  }
0x17a: {  	_ =	swait.ge [sflag:s3], $0x4800  }
0x17b: {  	s14 =	sld [smem:$0x7F5]  }
0x17c: {  	[sflag:s3] =	ssyncset.done $0x0  }
0x17d: {  	[sflag:s3] =	ssyncadd.s32 $0xFFFFB800  }
0x17e: {  	[tilespmem:s5], [sflag:$0x4] =	stream.indirect.gather [hbm4b:s4+s10], $0x90, s14, s10, $0xb8;
	[tilespmem:$0x13000] =	vst v63  }
0x17f: {  	_ =	swait.ge [sflag:s13], $0x4800  }
0x180: {  	[sflag:s13] =	ssyncset.done $0x0  }
0x181: {  	s14 =	rddreg [dreg:$0x7];
	[sflag:s13] =	ssyncadd.s32 $0xFFFFB800  }
0x182: {  	[hbm4b:s14+s2] =	stream.linear.scatter [tilespmem:s9], [sflag:$0x5], $0x4800, $0x38;
	[tilespmem:$0x13000] =	vst v63  }
0x183: {  	_ =	swait.ge [sflag:s3], $0x4800  }
0x184: {  	s14 =	sld [smem:$0x7F6]  }
0x185: {  	[sflag:s3] =	ssyncset.done $0x0  }
0x186: {  	[sflag:s3] =	ssyncadd.s32 $0xFFFFB800  }
0x187: {  	[tilespmem:s9], [sflag:$0x1] =	stream.indirect.gather [hbm4b:s4+s10], $0x90, s14, s10, $0xb8;
	[tilespmem:$0x13000] =	vst v63  }
0x188: {  	_ =	swait.ge [sflag:s12], $0x4800  }
0x189: {  	[sflag:s12] =	ssyncset.done $0x0  }
0x18a: {  	s14 =	rddreg [dreg:$0x8];
	[sflag:s12] =	ssyncadd.s32 $0xFFFFB800  }
0x18b: {  	[hbm4b:s14+s2] =	stream.linear.scatter [tilespmem:s7], [sflag:$0x5], $0x4800, $0x38;
	[tilespmem:$0x13000] =	vst v63  }
0x18c: {  	_ =	swait.ge [sflag:s3], $0x4800  }
0x18d: {  	s14 =	sld [smem:$0x7F7]  }
0x18e: {  	[sflag:s3] =	ssyncset.done $0x0  }
0x18f: {  	[sflag:s3] =	ssyncadd.s32 $0xFFFFB800  }
0x190: {  	[tilespmem:s7], [sflag:$0x2] =	stream.indirect.gather [hbm4b:s4+s10], $0x90, s14, s10, $0xb8;
	[tilespmem:$0x13000] =	vst v63  }
0x191: {  	_ =	swait.ge [sflag:s11], $0x4800  }
0x192: {  	[sflag:s11] =	ssyncset.done $0x0  }
0x193: {  	s14 =	rddreg [dreg:$0x9];
	[sflag:s11] =	ssyncadd.s32 $0xFFFFB800  }
0x194: {  	[hbm4b:s14+s2] =	stream.linear.scatter [tilespmem:s6], [sflag:$0x5], $0x4800, $0x38;
	[tilespmem:$0x13000] =	vst v63  }
0x195: {  	_ =	swait.ge [sflag:s3], $0x4800  }
0x196: {  	s14 =	sld [smem:$0x7F8]  }
0x197: {  	[sflag:s3] =	ssyncset.done $0x0  }
0x198: {  	[sflag:s3] =	ssyncadd.s32 $0xFFFFB800  }
0x199: {  	[tilespmem:s6], [sflag:$0x3] =	stream.indirect.gather [hbm4b:s4+s10], $0x90, s14, s10, $0xb8;
	[tilespmem:$0x13000] =	vst v63  }
0x19a: {  	_ =	swait.ge [sflag:s8], $0x4800  }
0x19b: {  	[sflag:s8] =	ssyncset.done $0x0  }
0x19c: {  	s14 =	rddreg [dreg:$0xa];
	[sflag:s8] =	ssyncadd.s32 $0xFFFFB800  }
0x19d: {  	[hbm4b:s14+s2] =	stream.linear.scatter [tilespmem:s5], [sflag:$0x5], $0x4800, $0x38;
	[tilespmem:$0x13000] =	vst v63  }
0x19e: {  	_ =	swait.ge [sflag:s3], $0x4800  }
0x19f: {  	s14 =	sld [smem:$0x7F9]  }
0x1a0: {  	[sflag:s3] =	ssyncset.done $0x0  }
0x1a1: {  	[sflag:s3] =	ssyncadd.s32 $0xFFFFB800  }
0x1a2: {  	[tilespmem:s5], [sflag:$0x4] =	stream.indirect.gather [hbm4b:s4+s10], $0x90, s14, s10, $0xb8;
	[tilespmem:$0x13000] =	vst v63  }
0x1a3: {  	_ =	swait.ge [sflag:s13], $0x4800  }
0x1a4: {  	[sflag:s13] =	ssyncset.done $0x0  }
0x1a5: {  	s14 =	rddreg [dreg:$0xb];
	[sflag:s13] =	ssyncadd.s32 $0xFFFFB800  }
0x1a6: {  	[hbm4b:s14+s2] =	stream.linear.scatter [tilespmem:s9], [sflag:$0x5], $0x4800, $0x38;
	[tilespmem:$0x13000] =	vst v63  }
0x1a7: {  	_ =	swait.ge [sflag:s3], $0x4800  }
0x1a8: {  	s14 =	sld [smem:$0x7FA]  }
0x1a9: {  	[sflag:s3] =	ssyncset.done $0x0  }
0x1aa: {  	[sflag:s3] =	ssyncadd.s32 $0xFFFFB800  }
0x1ab: {  	[tilespmem:s9], [sflag:$0x1] =	stream.indirect.gather [hbm4b:s4+s10], $0x90, s14, s10, $0xb8;
	[tilespmem:$0x13000] =	vst v63  }
0x1ac: {  	_ =	swait.ge [sflag:s12], $0x4800  }
0x1ad: {  	[sflag:s12] =	ssyncset.done $0x0  }
0x1ae: {  	s14 =	rddreg [dreg:$0xc];
	[sflag:s12] =	ssyncadd.s32 $0xFFFFB800  }
0x1af: {  	[hbm4b:s14+s2] =	stream.linear.scatter [tilespmem:s7], [sflag:$0x5], $0x4800, $0x38;
	[tilespmem:$0x13000] =	vst v63  }
0x1b0: {  	_ =	swait.ge [sflag:s3], $0x4800  }
0x1b1: {  	s14 =	sld [smem:$0x7FB]  }
0x1b2: {  	[sflag:s3] =	ssyncset.done $0x0  }
0x1b3: {  	[sflag:s3] =	ssyncadd.s32 $0xFFFFB800  }
0x1b4: {  	[tilespmem:s7], [sflag:$0x2] =	stream.indirect.gather [hbm4b:s4+s10], $0x90, s14, s10, $0xb8;
	[tilespmem:$0x13000] =	vst v63  }
0x1b5: {  	_ =	swait.ge [sflag:s11], $0x4800  }
0x1b6: {  	[sflag:s11] =	ssyncset.done $0x0  }
0x1b7: {  	s14 =	rddreg [dreg:$0xd];
	[sflag:s11] =	ssyncadd.s32 $0xFFFFB800  }
0x1b8: {  	[hbm4b:s14+s2] =	stream.linear.scatter [tilespmem:s6], [sflag:$0x5], $0x4800, $0x38;
	[tilespmem:$0x13000] =	vst v63  }
0x1b9: {  	_ =	swait.ge [sflag:s3], $0x4800  }
0x1ba: {  	s14 =	sld [smem:$0x7FC]  }
0x1bb: {  	[sflag:s3] =	ssyncset.done $0x0  }
0x1bc: {  	[sflag:s3] =	ssyncadd.s32 $0xFFFFB800  }
0x1bd: {  	[tilespmem:s6], [sflag:$0x3] =	stream.indirect.gather [hbm4b:s4+s10], $0x90, s14, s10, $0xb8;
	[tilespmem:$0x13000] =	vst v63  }
0x1be: {  	_ =	swait.ge [sflag:s8], $0x4800  }
0x1bf: {  	[sflag:s8] =	ssyncset.done $0x0  }
0x1c0: {  	s14 =	rddreg [dreg:$0xe];
	[sflag:s8] =	ssyncadd.s32 $0xFFFFB800  }
0x1c1: {  	[hbm4b:s14+s2] =	stream.linear.scatter [tilespmem:s5], [sflag:$0x5], $0x4800, $0x38;
	[tilespmem:$0x13000] =	vst v63  }
0x1c2: {  	_ =	swait.ge [sflag:s3], $0x4800  }
0x1c3: {  	s14 =	sld [smem:$0x7FD]  }
0x1c4: {  	[sflag:s3] =	ssyncset.done $0x0  }
0x1c5: {  	[sflag:s3] =	ssyncadd.s32 $0xFFFFB800  }
0x1c6: {  	[tilespmem:s5], [sflag:$0x4] =	stream.indirect.gather [hbm4b:s4+s10], $0x90, s14, s10, $0xb8;
	[tilespmem:$0x13000] =	vst v63  }
0x1c7: {  	_ =	swait.ge [sflag:s13], $0x4800  }
0x1c8: {  	[sflag:s13] =	ssyncset.done $0x0  }
0x1c9: {  	s14 =	rddreg [dreg:$0xf];
	[sflag:s13] =	ssyncadd.s32 $0xFFFFB800  }
0x1ca: {  	[hbm4b:s14+s2] =	stream.linear.scatter [tilespmem:s9], [sflag:$0x5], $0x4800, $0x38;
	[tilespmem:$0x13000] =	vst v63  }
0x1cb: {  	_ =	swait.ge [sflag:s3], $0x4800  }
0x1cc: {  	[sflag:s3] =	ssyncset.done $0x0  }
0x1cd: {  	s14 =	simm.s32 $0x800;
	[sflag:s3] =	ssyncadd.s32 $0xFFFFB800  }
0x1ce: {  	[tilespmem:s9], [sflag:$0x1] =	stream.indirect.gather [hbm4b:s4+s10], $0x90, s14, s10, $0xb8;
	[tilespmem:$0x13000] =	vst v63  }
0x1cf: {  	_ =	swait.ge [sflag:s12], $0x4800  }
0x1d0: {  	[sflag:s12] =	ssyncset.done $0x0  }
0x1d1: {  	s14 =	rddreg [dreg:$0x10];
	[sflag:s12] =	ssyncadd.s32 $0xFFFFB800  }
0x1d2: {  	[hbm4b:s14+s2] =	stream.linear.scatter [tilespmem:s7], [sflag:$0x5], $0x4800, $0x38;
	[tilespmem:$0x13000] =	vst v63  }
0x1d3: {  	_ =	swait.ge [sflag:s3], $0x4800  }
0x1d4: {  	[sflag:s3] =	ssyncset.done $0x0  }
0x1d5: {  	[sflag:s3] =	ssyncadd.s32 $0xFFFFB800  }
0x1d6: {  	[tilespmem:s7], [sflag:$0x2] =	stream.indirect.gather [hbm4b:s4+s10], $0x90, s30, s10, $0xb8;
	[tilespmem:$0x13000] =	vst v63  }
0x1d7: {  	_ =	swait.ge [sflag:s11], $0x4800  }
0x1d8: {  	[sflag:s11] =	ssyncset.done $0x0  }
0x1d9: {  	s14 =	rddreg [dreg:$0x11];
	[sflag:s11] =	ssyncadd.s32 $0xFFFFB800  }
0x1da: {  	[hbm4b:s14+s2] =	stream.linear.scatter [tilespmem:s6], [sflag:$0x5], $0x4800, $0x38;
	[tilespmem:$0x13000] =	vst v63  }
0x1db: {  	_ =	swait.ge [sflag:s3], $0x4800  }
0x1dc: {  	[sflag:s3] =	ssyncset.done $0x0  }
0x1dd: {  	[sflag:s3] =	ssyncadd.s32 $0xFFFFB800  }
0x1de: {  	[tilespmem:s6], [sflag:$0x3] =	stream.indirect.gather [hbm4b:s4+s10], $0x90, s29, s10, $0xb8;
	[tilespmem:$0x13000] =	vst v63  }
0x1df: {  	_ =	swait.ge [sflag:s8], $0x4800  }
0x1e0: {  	[sflag:s8] =	ssyncset.done $0x0  }
0x1e1: {  	s14 =	rddreg [dreg:$0x12];
	[sflag:s8] =	ssyncadd.s32 $0xFFFFB800  }
0x1e2: {  	[hbm4b:s14+s2] =	stream.linear.scatter [tilespmem:s5], [sflag:$0x5], $0x4800, $0x38;
	[tilespmem:$0x13000] =	vst v63  }
0x1e3: {  	_ =	swait.ge [sflag:s3], $0x4800  }
0x1e4: {  	[sflag:s3] =	ssyncset.done $0x0  }
0x1e5: {  	[sflag:s3] =	ssyncadd.s32 $0xFFFFB800  }
0x1e6: {  	[tilespmem:s5], [sflag:$0x4] =	stream.indirect.gather [hbm4b:s4+s10], $0x90, s28, s10, $0xb8;
	[tilespmem:$0x13000] =	vst v63  }
0x1e7: {  	_ =	swait.ge [sflag:s13], $0x4800  }
0x1e8: {  	[sflag:s13] =	ssyncset.done $0x0  }
0x1e9: {  	s14 =	rddreg [dreg:$0x13];
	[sflag:s13] =	ssyncadd.s32 $0xFFFFB800  }
0x1ea: {  	[hbm4b:s14+s2] =	stream.linear.scatter [tilespmem:s9], [sflag:$0x5], $0x4800, $0x38;
	[tilespmem:$0x13000] =	vst v63  }
0x1eb: {  	_ =	swait.ge [sflag:s3], $0x4800  }
0x1ec: {  	[sflag:s3] =	ssyncset.done $0x0  }
0x1ed: {  	[sflag:s3] =	ssyncadd.s32 $0xFFFFB800  }
0x1ee: {  	[tilespmem:s9], [sflag:$0x1] =	stream.indirect.gather [hbm4b:s4+s10], $0x90, s26, s10, $0xb8;
	[tilespmem:$0x13000] =	vst v63  }
0x1ef: {  	_ =	swait.ge [sflag:s12], $0x4800  }
0x1f0: {  	[sflag:s12] =	ssyncset.done $0x0  }
0x1f1: {  	s14 =	rddreg [dreg:$0x14];
	[sflag:s12] =	ssyncadd.s32 $0xFFFFB800  }
0x1f2: {  	[hbm4b:s14+s2] =	stream.linear.scatter [tilespmem:s7], [sflag:$0x5], $0x4800, $0x38;
	[tilespmem:$0x13000] =	vst v63  }
0x1f3: {  	_ =	swait.ge [sflag:s3], $0x4800  }
0x1f4: {  	[sflag:s3] =	ssyncset.done $0x0  }
0x1f5: {  	[sflag:s3] =	ssyncadd.s32 $0xFFFFB800  }
0x1f6: {  	[tilespmem:s7], [sflag:$0x2] =	stream.indirect.gather [hbm4b:s4+s10], $0x90, s25, s10, $0xb8;
	[tilespmem:$0x13000] =	vst v63  }
0x1f7: {  	_ =	swait.ge [sflag:s11], $0x4800  }
0x1f8: {  	[sflag:s11] =	ssyncset.done $0x0  }
0x1f9: {  	s14 =	rddreg [dreg:$0x15];
	[sflag:s11] =	ssyncadd.s32 $0xFFFFB800  }
0x1fa: {  	[hbm4b:s14+s2] =	stream.linear.scatter [tilespmem:s6], [sflag:$0x5], $0x4800, $0x38;
	[tilespmem:$0x13000] =	vst v63  }
0x1fb: {  	_ =	swait.ge [sflag:s3], $0x4800  }
0x1fc: {  	[sflag:s3] =	ssyncset.done $0x0  }
0x1fd: {  	[sflag:s3] =	ssyncadd.s32 $0xFFFFB800  }
0x1fe: {  	[tilespmem:s6], [sflag:$0x3] =	stream.indirect.gather [hbm4b:s4+s10], $0x90, s24, s10, $0xb8;
	[tilespmem:$0x13000] =	vst v63  }
0x1ff: {  	_ =	swait.ge [sflag:s8], $0x4800  }
0x200: {  	[sflag:s8] =	ssyncset.done $0x0  }
0x201: {  	s14 =	rddreg [dreg:$0x16];
	[sflag:s8] =	ssyncadd.s32 $0xFFFFB800  }
0x202: {  	[hbm4b:s14+s2] =	stream.linear.scatter [tilespmem:s5], [sflag:$0x5], $0x4800, $0x38;
	[tilespmem:$0x13000] =	vst v63  }
0x203: {  	_ =	swait.ge [sflag:s3], $0x4800  }
0x204: {  	[sflag:s3] =	ssyncset.done $0x0  }
0x205: {  	[sflag:s3] =	ssyncadd.s32 $0xFFFFB800  }
0x206: {  	[tilespmem:s5], [sflag:$0x4] =	stream.indirect.gather [hbm4b:s4+s10], $0x90, s23, s10, $0xb8;
	[tilespmem:$0x13000] =	vst v63  }
0x207: {  	_ =	swait.ge [sflag:s13], $0x4800  }
0x208: {  	[sflag:s13] =	ssyncset.done $0x0  }
0x209: {  	s14 =	rddreg [dreg:$0x17];
	[sflag:s13] =	ssyncadd.s32 $0xFFFFB800  }
0x20a: {  	[hbm4b:s14+s2] =	stream.linear.scatter [tilespmem:s9], [sflag:$0x5], $0x4800, $0x38;
	[tilespmem:$0x13000] =	vst v63  }
0x20b: {  	_ =	swait.ge [sflag:s3], $0x4800  }
0x20c: {  	[sflag:s3] =	ssyncset.done $0x0  }
0x20d: {  	[sflag:s3] =	ssyncadd.s32 $0xFFFFB800  }
0x20e: {  	[tilespmem:s9], [sflag:$0x1] =	stream.indirect.gather [hbm4b:s4+s10], $0x90, s22, s10, $0xb8;
	[tilespmem:$0x13000] =	vst v63  }
0x20f: {  	_ =	swait.ge [sflag:s12], $0x4800  }
0x210: {  	[sflag:s12] =	ssyncset.done $0x0  }
0x211: {  	s14 =	rddreg [dreg:$0x18];
	[sflag:s12] =	ssyncadd.s32 $0xFFFFB800  }
0x212: {  	[hbm4b:s14+s2] =	stream.linear.scatter [tilespmem:s7], [sflag:$0x5], $0x4800, $0x38;
	[tilespmem:$0x13000] =	vst v63  }
0x213: {  	_ =	swait.ge [sflag:s3], $0x4800  }
0x214: {  	[sflag:s3] =	ssyncset.done $0x0  }
0x215: {  	[sflag:s3] =	ssyncadd.s32 $0xFFFFB800  }
0x216: {  	[tilespmem:s7], [sflag:$0x2] =	stream.indirect.gather [hbm4b:s4+s10], $0x90, s21, s10, $0xb8;
	[tilespmem:$0x13000] =	vst v63  }
0x217: {  	_ =	swait.ge [sflag:s11], $0x4800  }
0x218: {  	[sflag:s11] =	ssyncset.done $0x0  }
0x219: {  	s14 =	rddreg [dreg:$0x19];
	[sflag:s11] =	ssyncadd.s32 $0xFFFFB800  }
0x21a: {  	[hbm4b:s14+s2] =	stream.linear.scatter [tilespmem:s6], [sflag:$0x5], $0x4800, $0x38;
	[tilespmem:$0x13000] =	vst v63  }
0x21b: {  	_ =	swait.ge [sflag:s3], $0x4800  }
0x21c: {  	[sflag:s3] =	ssyncset.done $0x0  }
0x21d: {  	[sflag:s3] =	ssyncadd.s32 $0xFFFFB800  }
0x21e: {  	[tilespmem:s6], [sflag:$0x3] =	stream.indirect.gather [hbm4b:s4+s10], $0x90, s20, s10, $0xb8;
	[tilespmem:$0x13000] =	vst v63  }
0x21f: {  	_ =	swait.ge [sflag:s8], $0x4800  }
0x220: {  	[sflag:s8] =	ssyncset.done $0x0  }
0x221: {  	s14 =	rddreg [dreg:$0x1a];
	[sflag:s8] =	ssyncadd.s32 $0xFFFFB800  }
0x222: {  	[hbm4b:s14+s2] =	stream.linear.scatter [tilespmem:s5], [sflag:$0x5], $0x4800, $0x38;
	[tilespmem:$0x13000] =	vst v63  }
0x223: {  	_ =	swait.ge [sflag:s3], $0x4800  }
0x224: {  	[sflag:s3] =	ssyncset.done $0x0  }
0x225: {  	[sflag:s3] =	ssyncadd.s32 $0xFFFFB800  }
0x226: {  	[tilespmem:s5], [sflag:$0x4] =	stream.indirect.gather [hbm4b:s4+s10], $0x90, s19, s10, $0xb8;
	[tilespmem:$0x13000] =	vst v63  }
0x227: {  	_ =	swait.ge [sflag:s13], $0x4800  }
0x228: {  	[sflag:s13] =	ssyncset.done $0x0  }
0x229: {  	s14 =	rddreg [dreg:$0x1b];
	[sflag:s13] =	ssyncadd.s32 $0xFFFFB800  }
0x22a: {  	[hbm4b:s14+s2] =	stream.linear.scatter [tilespmem:s9], [sflag:$0x5], $0x4800, $0x38;
	[tilespmem:$0x13000] =	vst v63  }
0x22b: {  	_ =	swait.ge [sflag:s3], $0x4800  }
0x22c: {  	[sflag:s3] =	ssyncset.done $0x0  }
0x22d: {  	[sflag:s3] =	ssyncadd.s32 $0xFFFFB800  }
0x22e: {  	[tilespmem:s9], [sflag:$0x1] =	stream.indirect.gather [hbm4b:s4+s10], $0x90, s18, s10, $0xb8;
	[tilespmem:$0x13000] =	vst v63  }
0x22f: {  	_ =	swait.ge [sflag:s12], $0x4800  }
0x230: {  	[sflag:s12] =	ssyncset.done $0x0  }
0x231: {  	s14 =	rddreg [dreg:$0x1c];
	[sflag:s12] =	ssyncadd.s32 $0xFFFFB800  }
0x232: {  	[hbm4b:s14+s2] =	stream.linear.scatter [tilespmem:s7], [sflag:$0x5], $0x4800, $0x38;
	[tilespmem:$0x13000] =	vst v63  }
0x233: {  	_ =	swait.ge [sflag:s3], $0x4800  }
0x234: {  	[sflag:s3] =	ssyncset.done $0x0  }
0x235: {  	[sflag:s3] =	ssyncadd.s32 $0xFFFFB800  }
0x236: {  	[tilespmem:s7], [sflag:$0x2] =	stream.indirect.gather [hbm4b:s4+s10], $0x90, s17, s10, $0xb8;
	[tilespmem:$0x13000] =	vst v63  }
0x237: {  	_ =	swait.ge [sflag:s11], $0x4800  }
0x238: {  	[sflag:s11] =	ssyncset.done $0x0  }
0x239: {  	s14 =	rddreg [dreg:$0x1d];
	[sflag:s11] =	ssyncadd.s32 $0xFFFFB800  }
0x23a: {  	[hbm4b:s14+s2] =	stream.linear.scatter [tilespmem:s6], [sflag:$0x5], $0x4800, $0x38;
	[tilespmem:$0x13000] =	vst v63  }
0x23b: {  	_ =	swait.ge [sflag:s3], $0x4800  }
0x23c: {  	[sflag:s3] =	ssyncset.done $0x0  }
0x23d: {  	[sflag:s3] =	ssyncadd.s32 $0xFFFFB800  }
0x23e: {  	[tilespmem:s6], [sflag:$0x3] =	stream.indirect.gather [hbm4b:s4+s10], $0x90, s16, s10, $0xb8;
	[tilespmem:$0x13000] =	vst v63  }
0x23f: {  	_ =	swait.ge [sflag:s8], $0x4800  }
0x240: {  	[sflag:s8] =	ssyncset.done $0x0  }
0x241: {  	s14 =	rddreg [dreg:$0x1e];
	[sflag:s8] =	ssyncadd.s32 $0xFFFFB800  }
0x242: {  	[hbm4b:s14+s2] =	stream.linear.scatter [tilespmem:s5], [sflag:$0x5], $0x4800, $0x38;
	[tilespmem:$0x13000] =	vst v63  }
0x243: {  	_ =	swait.ge [sflag:s3], $0x4800  }
0x244: {  	[sflag:s3] =	ssyncset.done $0x0  }
0x245: {  	[sflag:s3] =	ssyncadd.s32 $0xFFFFB800  }
0x246: {  	[tilespmem:s5], [sflag:$0x4] =	stream.indirect.gather [hbm4b:s4+s10], $0x90, s15, s10, $0xb8;
	[tilespmem:$0x13000] =	vst v63  }
0x247: {  	_ =	swait.ge [sflag:s13], $0x4800  }
0x248: {  	[sflag:s13] =	ssyncset.done $0x0  }
0x249: {  	s14 =	rddreg [dreg:$0x1f];
	[sflag:s13] =	ssyncadd.s32 $0xFFFFB800  }
0x24a: {  	[hbm4b:s14+s2] =	stream.linear.scatter [tilespmem:s9], [sflag:$0x5], $0x4800, $0x38;
	[tilespmem:$0x13000] =	vst v63  }
0x24b: {  	_ =	swait.ge [sflag:s3], $0x4800  }
0x24c: {  	[sflag:s3] =	ssyncset.done $0x0  }
0x24d: {  	[sflag:s3] =	ssyncadd.s32 $0xFFFFB800  }
0x24e: {  	_ =	swait.ge [sflag:s12], $0x4800  }
0x24f: {  	s14 =	sld [smem:$0x7ED]  }
0x250: {  	[sflag:s12] =	ssyncset.done $0x0  }
0x251: {  	[sflag:s12] =	ssyncadd.s32 $0xFFFFB800  }
0x252: {  	[hbm4b:s14+s2] =	stream.linear.scatter [tilespmem:s7], [sflag:$0x5], $0x4800, $0x38;
	[tilespmem:$0x13000] =	vst v63  }
0x253: {  	_ =	swait.ge [sflag:s3], $0x4800  }
0x254: {  	[sflag:s3] =	ssyncset.done $0x0  }
0x255: {  	[sflag:s3] =	ssyncadd.s32 $0xFFFFB800  }
0x256: {  	_ =	swait.ge [sflag:s11], $0x4800  }
0x257: {  	s14 =	sld [smem:$0x7EE]  }
0x258: {  	[sflag:s11] =	ssyncset.done $0x0  }
0x259: {  	[sflag:s11] =	ssyncadd.s32 $0xFFFFB800  }
0x25a: {  	[hbm4b:s14+s2] =	stream.linear.scatter [tilespmem:s6], [sflag:$0x5], $0x4800, $0x38;
	[tilespmem:$0x13000] =	vst v63  }
0x25b: {  	_ =	swait.ge [sflag:s3], $0x4800  }
0x25c: {  	[sflag:s3] =	ssyncset.done $0x0  }
0x25d: {  	[sflag:s3] =	ssyncadd.s32 $0xFFFFB800  }
0x25e: {  	_ =	swait.ge [sflag:s8], $0x4800  }
0x25f: {  	p1 =	sne.s32 s1, $0x1;
	s14 =	sld [smem:$0x7EF]  }
.Ltmp2:
0x260: {  	[sflag:s8] =	ssyncset.done $0x0;
	(pc) =	sbr.rel @p1 .LBB2_4-.Ltmp2, $4  }
0x261: {  	[sflag:s8] =	ssyncadd.s32 $0xFFFFB800  }
0x262: {  	[hbm4b:s14+s2] =	stream.linear.scatter [tilespmem:s5], [sflag:$0x5], $0x4800, $0x38;
	[tilespmem:$0x13000] =	vst v63  }
0x263: {  	_ =	swait.ge [sflag:s3], $0x4800  }
0x264: {  	s1 =	sadd.s32 $0xFFFFFFFF, s1;
	s0 =	rddreg [dreg:$0x3];
	[sflag:s3] =	ssyncset.done $0x0  }
0x265: {  	s15 =	simm.s32 $0x800  }
0x266: {  	s30 =	simm.s32 $0x880;
	s29 =	simm.s32 $0x900;
	s28 =	simm.s32 $0x980  }
0x267: {  	s26 =	simm.s32 $0xA00;
	s25 =	simm.s32 $0xA80;
	s24 =	simm.s32 $0xB00  }
0x268: {  	s23 =	simm.s32 $0xB80;
	s22 =	simm.s32 $0xC00;
	s21 =	simm.s32 $0xC80  }
0x269: {  	s20 =	simm.s32 $0xD00;
	s19 =	simm.s32 $0xD80;
	s18 =	simm.s32 $0xE00  }
0x26a: {  	s17 =	simm.s32 $0xE80;
	s16 =	simm.s32 $0xF00;
	s14 =	stileid.u32  }
.LBB2_6:
0x26b: {  	[sflag:s3] =	ssyncadd.s32 @p0 $0xFFFFB800  }
0x26c: {  	[tilespmem:s2], [sflag:$0x5] =	stream.linear.gather [hbm4b:s0+s2], $0x1000, $0x38;
	[tilespmem:$0x13000] =	vst v63  }
0x26d: {  	_ =	swait.ge [sflag:s3], $0x1000  }
0x26e: {  	[sflag:s3] =	ssyncset.done $0x0  }
0x26f: {  	[sflag:s3] =	ssyncadd.s32 $0xFFFFF000  }
0x270: {  	[tilespmem:s9], [sflag:$0x1] =	stream.indirect.gather [hbm4b:s4+s10], $0x90, s2, s10, $0xb8;
	[tilespmem:$0x13000] =	vst v63  }
0x271: {  	s0 =	sld [smem:$0x7F0]  }
0x272: {  	[tilespmem:s7], [sflag:$0x2] =	stream.indirect.gather [hbm4b:s4+s10], $0x90, s10, s10, $0xb8;
	[tilespmem:$0x13000] =	vst v63  }
0x273: {  	s1 =	sld [smem:$0x7F1]  }
0x274: {  	[tilespmem:s6], [sflag:$0x3] =	stream.indirect.gather [hbm4b:s4+s10], $0x90, s0, s10, $0xb8;
	[tilespmem:$0x13000] =	vst v63  }
0x275: {  	_ = 	snop  }
0x276: {  	[tilespmem:s5], [sflag:$0x4] =	stream.indirect.gather [hbm4b:s4+s10], $0x90, s1, s10, $0xb8;
	[tilespmem:$0x13000] =	vst v63  }
0x277: {  	_ =	swait.ge [sflag:s13], $0x4800  }
0x278: {  	[sflag:s13] =	ssyncset.done $0x0  }
0x279: {  	[sflag:s13] =	ssyncadd.s32 $0xFFFFB800  }
0x27a: {  	[hbm4b:s31+s2] =	stream.linear.scatter [tilespmem:s9], [sflag:$0x5], $0x4800, $0x38;
	[tilespmem:$0x13000] =	vst v63  }
0x27b: {  	_ =	swait.ge [sflag:s3], $0x4800  }
0x27c: {  	s31 =	sld [smem:$0x7F2]  }
0x27d: {  	[sflag:s3] =	ssyncset.done $0x0  }
0x27e: {  	[sflag:s3] =	ssyncadd.s32 $0xFFFFB800  }
0x27f: {  	[tilespmem:s9], [sflag:$0x1] =	stream.indirect.gather [hbm4b:s4+s10], $0x90, s31, s10, $0xb8;
	[tilespmem:$0x13000] =	vst v63  }
0x280: {  	_ =	swait.ge [sflag:s12], $0x4800  }
0x281: {  	[sflag:s12] =	ssyncset.done $0x0  }
0x282: {  	s1 =	rddreg [dreg:$0x4];
	[sflag:s12] =	ssyncadd.s32 $0xFFFFB800  }
0x283: {  	[hbm4b:s1+s2] =	stream.linear.scatter [tilespmem:s7], [sflag:$0x5], $0x4800, $0x38;
	[tilespmem:$0x13000] =	vst v63  }
0x284: {  	_ =	swait.ge [sflag:s3], $0x4800  }
0x285: {  	s31 =	sld [smem:$0x7F3]  }
0x286: {  	[sflag:s3] =	ssyncset.done $0x0  }
0x287: {  	[sflag:s3] =	ssyncadd.s32 $0xFFFFB800  }
0x288: {  	[tilespmem:s7], [sflag:$0x2] =	stream.indirect.gather [hbm4b:s4+s10], $0x90, s31, s10, $0xb8;
	[tilespmem:$0x13000] =	vst v63  }
0x289: {  	_ =	swait.ge [sflag:s11], $0x4800  }
0x28a: {  	[sflag:s11] =	ssyncset.done $0x0  }
0x28b: {  	s1 =	rddreg [dreg:$0x5];
	[sflag:s11] =	ssyncadd.s32 $0xFFFFB800  }
0x28c: {  	[hbm4b:s1+s2] =	stream.linear.scatter [tilespmem:s6], [sflag:$0x5], $0x4800, $0x38;
	[tilespmem:$0x13000] =	vst v63  }
0x28d: {  	_ =	swait.ge [sflag:s3], $0x4800  }
0x28e: {  	s31 =	sld [smem:$0x7F4]  }
0x28f: {  	[sflag:s3] =	ssyncset.done $0x0  }
0x290: {  	[sflag:s3] =	ssyncadd.s32 $0xFFFFB800  }
0x291: {  	[tilespmem:s6], [sflag:$0x3] =	stream.indirect.gather [hbm4b:s4+s10], $0x90, s31, s10, $0xb8;
	[tilespmem:$0x13000] =	vst v63  }
0x292: {  	_ =	swait.ge [sflag:s8], $0x4800  }
0x293: {  	[sflag:s8] =	ssyncset.done $0x0  }
0x294: {  	s1 =	rddreg [dreg:$0x6];
	[sflag:s8] =	ssyncadd.s32 $0xFFFFB800  }
0x295: {  	[hbm4b:s1+s2] =	stream.linear.scatter [tilespmem:s5], [sflag:$0x5], $0x4800, $0x38;
	[tilespmem:$0x13000] =	vst v63  }
0x296: {  	_ =	swait.ge [sflag:s3], $0x4800  }
0x297: {  	s31 =	sld [smem:$0x7F5]  }
0x298: {  	[sflag:s3] =	ssyncset.done $0x0  }
0x299: {  	[sflag:s3] =	ssyncadd.s32 $0xFFFFB800  }
0x29a: {  	[tilespmem:s5], [sflag:$0x4] =	stream.indirect.gather [hbm4b:s4+s10], $0x90, s31, s10, $0xb8;
	[tilespmem:$0x13000] =	vst v63  }
0x29b: {  	_ =	swait.ge [sflag:s13], $0x4800  }
0x29c: {  	[sflag:s13] =	ssyncset.done $0x0  }
0x29d: {  	s1 =	rddreg [dreg:$0x7];
	[sflag:s13] =	ssyncadd.s32 $0xFFFFB800  }
0x29e: {  	[hbm4b:s1+s2] =	stream.linear.scatter [tilespmem:s9], [sflag:$0x5], $0x4800, $0x38;
	[tilespmem:$0x13000] =	vst v63  }
0x29f: {  	_ =	swait.ge [sflag:s3], $0x4800  }
0x2a0: {  	s31 =	sld [smem:$0x7F6]  }
0x2a1: {  	[sflag:s3] =	ssyncset.done $0x0  }
0x2a2: {  	[sflag:s3] =	ssyncadd.s32 $0xFFFFB800  }
0x2a3: {  	[tilespmem:s9], [sflag:$0x1] =	stream.indirect.gather [hbm4b:s4+s10], $0x90, s31, s10, $0xb8;
	[tilespmem:$0x13000] =	vst v63  }
0x2a4: {  	_ =	swait.ge [sflag:s12], $0x4800  }
0x2a5: {  	[sflag:s12] =	ssyncset.done $0x0  }
0x2a6: {  	s1 =	rddreg [dreg:$0x8];
	[sflag:s12] =	ssyncadd.s32 $0xFFFFB800  }
0x2a7: {  	[hbm4b:s1+s2] =	stream.linear.scatter [tilespmem:s7], [sflag:$0x5], $0x4800, $0x38;
	[tilespmem:$0x13000] =	vst v63  }
0x2a8: {  	_ =	swait.ge [sflag:s3], $0x4800  }
0x2a9: {  	s31 =	sld [smem:$0x7F7]  }
0x2aa: {  	[sflag:s3] =	ssyncset.done $0x0  }
0x2ab: {  	[sflag:s3] =	ssyncadd.s32 $0xFFFFB800  }
0x2ac: {  	[tilespmem:s7], [sflag:$0x2] =	stream.indirect.gather [hbm4b:s4+s10], $0x90, s31, s10, $0xb8;
	[tilespmem:$0x13000] =	vst v63  }
0x2ad: {  	_ =	swait.ge [sflag:s11], $0x4800  }
0x2ae: {  	[sflag:s11] =	ssyncset.done $0x0  }
0x2af: {  	s1 =	rddreg [dreg:$0x9];
	[sflag:s11] =	ssyncadd.s32 $0xFFFFB800  }
0x2b0: {  	[hbm4b:s1+s2] =	stream.linear.scatter [tilespmem:s6], [sflag:$0x5], $0x4800, $0x38;
	[tilespmem:$0x13000] =	vst v63  }
0x2b1: {  	_ =	swait.ge [sflag:s3], $0x4800  }
0x2b2: {  	s31 =	sld [smem:$0x7F8]  }
0x2b3: {  	[sflag:s3] =	ssyncset.done $0x0  }
0x2b4: {  	[sflag:s3] =	ssyncadd.s32 $0xFFFFB800  }
0x2b5: {  	[tilespmem:s6], [sflag:$0x3] =	stream.indirect.gather [hbm4b:s4+s10], $0x90, s31, s10, $0xb8;
	[tilespmem:$0x13000] =	vst v63  }
0x2b6: {  	_ =	swait.ge [sflag:s8], $0x4800  }
0x2b7: {  	[sflag:s8] =	ssyncset.done $0x0  }
0x2b8: {  	s1 =	rddreg [dreg:$0xa];
	[sflag:s8] =	ssyncadd.s32 $0xFFFFB800  }
0x2b9: {  	[hbm4b:s1+s2] =	stream.linear.scatter [tilespmem:s5], [sflag:$0x5], $0x4800, $0x38;
	[tilespmem:$0x13000] =	vst v63  }
0x2ba: {  	_ =	swait.ge [sflag:s3], $0x4800  }
0x2bb: {  	s31 =	sld [smem:$0x7F9]  }
0x2bc: {  	[sflag:s3] =	ssyncset.done $0x0  }
0x2bd: {  	[sflag:s3] =	ssyncadd.s32 $0xFFFFB800  }
0x2be: {  	[tilespmem:s5], [sflag:$0x4] =	stream.indirect.gather [hbm4b:s4+s10], $0x90, s31, s10, $0xb8;
	[tilespmem:$0x13000] =	vst v63  }
0x2bf: {  	_ =	swait.ge [sflag:s13], $0x4800  }
0x2c0: {  	[sflag:s13] =	ssyncset.done $0x0  }
0x2c1: {  	s1 =	rddreg [dreg:$0xb];
	[sflag:s13] =	ssyncadd.s32 $0xFFFFB800  }
0x2c2: {  	[hbm4b:s1+s2] =	stream.linear.scatter [tilespmem:s9], [sflag:$0x5], $0x4800, $0x38;
	[tilespmem:$0x13000] =	vst v63  }
0x2c3: {  	_ =	swait.ge [sflag:s3], $0x4800  }
0x2c4: {  	s31 =	sld [smem:$0x7FA]  }
0x2c5: {  	[sflag:s3] =	ssyncset.done $0x0  }
0x2c6: {  	[sflag:s3] =	ssyncadd.s32 $0xFFFFB800  }
0x2c7: {  	[tilespmem:s9], [sflag:$0x1] =	stream.indirect.gather [hbm4b:s4+s10], $0x90, s31, s10, $0xb8;
	[tilespmem:$0x13000] =	vst v63  }
0x2c8: {  	_ =	swait.ge [sflag:s12], $0x4800  }
0x2c9: {  	[sflag:s12] =	ssyncset.done $0x0  }
0x2ca: {  	s1 =	rddreg [dreg:$0xc];
	[sflag:s12] =	ssyncadd.s32 $0xFFFFB800  }
0x2cb: {  	[hbm4b:s1+s2] =	stream.linear.scatter [tilespmem:s7], [sflag:$0x5], $0x4800, $0x38;
	[tilespmem:$0x13000] =	vst v63  }
0x2cc: {  	_ =	swait.ge [sflag:s3], $0x4800  }
0x2cd: {  	s31 =	sld [smem:$0x7FB]  }
0x2ce: {  	[sflag:s3] =	ssyncset.done $0x0  }
0x2cf: {  	[sflag:s3] =	ssyncadd.s32 $0xFFFFB800  }
0x2d0: {  	[tilespmem:s7], [sflag:$0x2] =	stream.indirect.gather [hbm4b:s4+s10], $0x90, s31, s10, $0xb8;
	[tilespmem:$0x13000] =	vst v63  }
0x2d1: {  	_ =	swait.ge [sflag:s11], $0x4800  }
0x2d2: {  	[sflag:s11] =	ssyncset.done $0x0  }
0x2d3: {  	s1 =	rddreg [dreg:$0xd];
	[sflag:s11] =	ssyncadd.s32 $0xFFFFB800  }
0x2d4: {  	[hbm4b:s1+s2] =	stream.linear.scatter [tilespmem:s6], [sflag:$0x5], $0x4800, $0x38;
	[tilespmem:$0x13000] =	vst v63  }
0x2d5: {  	_ =	swait.ge [sflag:s3], $0x4800  }
0x2d6: {  	s31 =	sld [smem:$0x7FC]  }
0x2d7: {  	[sflag:s3] =	ssyncset.done $0x0  }
0x2d8: {  	[sflag:s3] =	ssyncadd.s32 $0xFFFFB800  }
0x2d9: {  	[tilespmem:s6], [sflag:$0x3] =	stream.indirect.gather [hbm4b:s4+s10], $0x90, s31, s10, $0xb8;
	[tilespmem:$0x13000] =	vst v63  }
0x2da: {  	_ =	swait.ge [sflag:s8], $0x4800  }
0x2db: {  	[sflag:s8] =	ssyncset.done $0x0  }
0x2dc: {  	s1 =	rddreg [dreg:$0xe];
	[sflag:s8] =	ssyncadd.s32 $0xFFFFB800  }
0x2dd: {  	[hbm4b:s1+s2] =	stream.linear.scatter [tilespmem:s5], [sflag:$0x5], $0x4800, $0x38;
	[tilespmem:$0x13000] =	vst v63  }
0x2de: {  	_ =	swait.ge [sflag:s3], $0x4800  }
0x2df: {  	s31 =	sld [smem:$0x7FD]  }
0x2e0: {  	[sflag:s3] =	ssyncset.done $0x0  }
0x2e1: {  	[sflag:s3] =	ssyncadd.s32 $0xFFFFB800  }
0x2e2: {  	[tilespmem:s5], [sflag:$0x4] =	stream.indirect.gather [hbm4b:s4+s10], $0x90, s31, s10, $0xb8;
	[tilespmem:$0x13000] =	vst v63  }
0x2e3: {  	_ =	swait.ge [sflag:s13], $0x4800  }
0x2e4: {  	[sflag:s13] =	ssyncset.done $0x0  }
0x2e5: {  	s1 =	rddreg [dreg:$0xf];
	[sflag:s13] =	ssyncadd.s32 $0xFFFFB800  }
0x2e6: {  	[hbm4b:s1+s2] =	stream.linear.scatter [tilespmem:s9], [sflag:$0x5], $0x4800, $0x38;
	[tilespmem:$0x13000] =	vst v63  }
0x2e7: {  	_ =	swait.ge [sflag:s3], $0x4800  }
0x2e8: {  	[sflag:s3] =	ssyncset.done $0x0  }
0x2e9: {  	[sflag:s3] =	ssyncadd.s32 $0xFFFFB800  }
0x2ea: {  	[tilespmem:s9], [sflag:$0x1] =	stream.indirect.gather [hbm4b:s4+s10], $0x90, s15, s10, $0xb8;
	[tilespmem:$0x13000] =	vst v63  }
0x2eb: {  	_ =	swait.ge [sflag:s12], $0x4800  }
0x2ec: {  	[sflag:s12] =	ssyncset.done $0x0  }
0x2ed: {  	s15 =	rddreg [dreg:$0x10];
	[sflag:s12] =	ssyncadd.s32 $0xFFFFB800  }
0x2ee: {  	[hbm4b:s15+s2] =	stream.linear.scatter [tilespmem:s7], [sflag:$0x5], $0x4800, $0x38;
	[tilespmem:$0x13000] =	vst v63  }
0x2ef: {  	_ =	swait.ge [sflag:s3], $0x4800  }
0x2f0: {  	[sflag:s3] =	ssyncset.done $0x0  }
0x2f1: {  	[sflag:s3] =	ssyncadd.s32 $0xFFFFB800  }
0x2f2: {  	[tilespmem:s7], [sflag:$0x2] =	stream.indirect.gather [hbm4b:s4+s10], $0x90, s30, s10, $0xb8;
	[tilespmem:$0x13000] =	vst v63  }
0x2f3: {  	_ =	swait.ge [sflag:s11], $0x4800  }
0x2f4: {  	[sflag:s11] =	ssyncset.done $0x0  }
0x2f5: {  	s31 =	rddreg [dreg:$0x11];
	[sflag:s11] =	ssyncadd.s32 $0xFFFFB800  }
0x2f6: {  	[hbm4b:s31+s2] =	stream.linear.scatter [tilespmem:s6], [sflag:$0x5], $0x4800, $0x38;
	[tilespmem:$0x13000] =	vst v63  }
0x2f7: {  	_ =	swait.ge [sflag:s3], $0x4800  }
0x2f8: {  	[sflag:s3] =	ssyncset.done $0x0  }
0x2f9: {  	[sflag:s3] =	ssyncadd.s32 $0xFFFFB800  }
0x2fa: {  	[tilespmem:s6], [sflag:$0x3] =	stream.indirect.gather [hbm4b:s4+s10], $0x90, s29, s10, $0xb8;
	[tilespmem:$0x13000] =	vst v63  }
0x2fb: {  	_ =	swait.ge [sflag:s8], $0x4800  }
0x2fc: {  	[sflag:s8] =	ssyncset.done $0x0  }
0x2fd: {  	s1 =	rddreg [dreg:$0x12];
	[sflag:s8] =	ssyncadd.s32 $0xFFFFB800  }
0x2fe: {  	[hbm4b:s1+s2] =	stream.linear.scatter [tilespmem:s5], [sflag:$0x5], $0x4800, $0x38;
	[tilespmem:$0x13000] =	vst v63  }
0x2ff: {  	_ =	swait.ge [sflag:s3], $0x4800  }
0x300: {  	[sflag:s3] =	ssyncset.done $0x0  }
0x301: {  	[sflag:s3] =	ssyncadd.s32 $0xFFFFB800  }
0x302: {  	[tilespmem:s5], [sflag:$0x4] =	stream.indirect.gather [hbm4b:s4+s10], $0x90, s28, s10, $0xb8;
	[tilespmem:$0x13000] =	vst v63  }
0x303: {  	_ =	swait.ge [sflag:s13], $0x4800  }
0x304: {  	[sflag:s13] =	ssyncset.done $0x0  }
0x305: {  	s15 =	rddreg [dreg:$0x13];
	[sflag:s13] =	ssyncadd.s32 $0xFFFFB800  }
0x306: {  	[hbm4b:s15+s2] =	stream.linear.scatter [tilespmem:s9], [sflag:$0x5], $0x4800, $0x38;
	[tilespmem:$0x13000] =	vst v63  }
0x307: {  	_ =	swait.ge [sflag:s3], $0x4800  }
0x308: {  	[sflag:s3] =	ssyncset.done $0x0  }
0x309: {  	[sflag:s3] =	ssyncadd.s32 $0xFFFFB800  }
0x30a: {  	[tilespmem:s9], [sflag:$0x1] =	stream.indirect.gather [hbm4b:s4+s10], $0x90, s26, s10, $0xb8;
	[tilespmem:$0x13000] =	vst v63  }
0x30b: {  	_ =	swait.ge [sflag:s12], $0x4800  }
0x30c: {  	[sflag:s12] =	ssyncset.done $0x0  }
0x30d: {  	s28 =	rddreg [dreg:$0x14];
	[sflag:s12] =	ssyncadd.s32 $0xFFFFB800  }
0x30e: {  	[hbm4b:s28+s2] =	stream.linear.scatter [tilespmem:s7], [sflag:$0x5], $0x4800, $0x38;
	[tilespmem:$0x13000] =	vst v63  }
0x30f: {  	_ =	swait.ge [sflag:s3], $0x4800  }
0x310: {  	[sflag:s3] =	ssyncset.done $0x0  }
0x311: {  	[sflag:s3] =	ssyncadd.s32 $0xFFFFB800  }
0x312: {  	[tilespmem:s7], [sflag:$0x2] =	stream.indirect.gather [hbm4b:s4+s10], $0x90, s25, s10, $0xb8;
	[tilespmem:$0x13000] =	vst v63  }
0x313: {  	_ =	swait.ge [sflag:s11], $0x4800  }
0x314: {  	[sflag:s11] =	ssyncset.done $0x0  }
0x315: {  	s29 =	rddreg [dreg:$0x15];
	[sflag:s11] =	ssyncadd.s32 $0xFFFFB800  }
0x316: {  	[hbm4b:s29+s2] =	stream.linear.scatter [tilespmem:s6], [sflag:$0x5], $0x4800, $0x38;
	[tilespmem:$0x13000] =	vst v63  }
0x317: {  	_ =	swait.ge [sflag:s3], $0x4800  }
0x318: {  	[sflag:s3] =	ssyncset.done $0x0  }
0x319: {  	[sflag:s3] =	ssyncadd.s32 $0xFFFFB800  }
0x31a: {  	[tilespmem:s6], [sflag:$0x3] =	stream.indirect.gather [hbm4b:s4+s10], $0x90, s24, s10, $0xb8;
	[tilespmem:$0x13000] =	vst v63  }
0x31b: {  	_ =	swait.ge [sflag:s8], $0x4800  }
0x31c: {  	[sflag:s8] =	ssyncset.done $0x0  }
0x31d: {  	s30 =	rddreg [dreg:$0x16];
	[sflag:s8] =	ssyncadd.s32 $0xFFFFB800  }
0x31e: {  	[hbm4b:s30+s2] =	stream.linear.scatter [tilespmem:s5], [sflag:$0x5], $0x4800, $0x38;
	[tilespmem:$0x13000] =	vst v63  }
0x31f: {  	_ =	swait.ge [sflag:s3], $0x4800  }
0x320: {  	[sflag:s3] =	ssyncset.done $0x0  }
0x321: {  	[sflag:s3] =	ssyncadd.s32 $0xFFFFB800  }
0x322: {  	[tilespmem:s5], [sflag:$0x4] =	stream.indirect.gather [hbm4b:s4+s10], $0x90, s23, s10, $0xb8;
	[tilespmem:$0x13000] =	vst v63  }
0x323: {  	_ =	swait.ge [sflag:s13], $0x4800  }
0x324: {  	[sflag:s13] =	ssyncset.done $0x0  }
0x325: {  	s31 =	rddreg [dreg:$0x17];
	[sflag:s13] =	ssyncadd.s32 $0xFFFFB800  }
0x326: {  	[hbm4b:s31+s2] =	stream.linear.scatter [tilespmem:s9], [sflag:$0x5], $0x4800, $0x38;
	[tilespmem:$0x13000] =	vst v63  }
0x327: {  	_ =	swait.ge [sflag:s3], $0x4800  }
0x328: {  	[sflag:s3] =	ssyncset.done $0x0  }
0x329: {  	[sflag:s3] =	ssyncadd.s32 $0xFFFFB800  }
0x32a: {  	[tilespmem:s9], [sflag:$0x1] =	stream.indirect.gather [hbm4b:s4+s10], $0x90, s22, s10, $0xb8;
	[tilespmem:$0x13000] =	vst v63  }
0x32b: {  	_ =	swait.ge [sflag:s12], $0x4800  }
0x32c: {  	[sflag:s12] =	ssyncset.done $0x0  }
0x32d: {  	s1 =	rddreg [dreg:$0x18];
	[sflag:s12] =	ssyncadd.s32 $0xFFFFB800  }
0x32e: {  	[hbm4b:s1+s2] =	stream.linear.scatter [tilespmem:s7], [sflag:$0x5], $0x4800, $0x38;
	[tilespmem:$0x13000] =	vst v63  }
0x32f: {  	_ =	swait.ge [sflag:s3], $0x4800  }
0x330: {  	[sflag:s3] =	ssyncset.done $0x0  }
0x331: {  	[sflag:s3] =	ssyncadd.s32 $0xFFFFB800  }
0x332: {  	[tilespmem:s7], [sflag:$0x2] =	stream.indirect.gather [hbm4b:s4+s10], $0x90, s21, s10, $0xb8;
	[tilespmem:$0x13000] =	vst v63  }
0x333: {  	_ =	swait.ge [sflag:s11], $0x4800  }
0x334: {  	[sflag:s11] =	ssyncset.done $0x0  }
0x335: {  	s15 =	rddreg [dreg:$0x19];
	[sflag:s11] =	ssyncadd.s32 $0xFFFFB800  }
0x336: {  	[hbm4b:s15+s2] =	stream.linear.scatter [tilespmem:s6], [sflag:$0x5], $0x4800, $0x38;
	[tilespmem:$0x13000] =	vst v63  }
0x337: {  	_ =	swait.ge [sflag:s3], $0x4800  }
0x338: {  	[sflag:s3] =	ssyncset.done $0x0  }
0x339: {  	[sflag:s3] =	ssyncadd.s32 $0xFFFFB800  }
0x33a: {  	[tilespmem:s6], [sflag:$0x3] =	stream.indirect.gather [hbm4b:s4+s10], $0x90, s20, s10, $0xb8;
	[tilespmem:$0x13000] =	vst v63  }
0x33b: {  	_ =	swait.ge [sflag:s8], $0x4800  }
0x33c: {  	[sflag:s8] =	ssyncset.done $0x0  }
0x33d: {  	s21 =	rddreg [dreg:$0x1a];
	[sflag:s8] =	ssyncadd.s32 $0xFFFFB800  }
0x33e: {  	[hbm4b:s21+s2] =	stream.linear.scatter [tilespmem:s5], [sflag:$0x5], $0x4800, $0x38;
	[tilespmem:$0x13000] =	vst v63  }
0x33f: {  	_ =	swait.ge [sflag:s3], $0x4800  }
0x340: {  	[sflag:s3] =	ssyncset.done $0x0  }
0x341: {  	[sflag:s3] =	ssyncadd.s32 $0xFFFFB800  }
0x342: {  	[tilespmem:s5], [sflag:$0x4] =	stream.indirect.gather [hbm4b:s4+s10], $0x90, s19, s10, $0xb8;
	[tilespmem:$0x13000] =	vst v63  }
0x343: {  	_ =	swait.ge [sflag:s13], $0x4800  }
0x344: {  	[sflag:s13] =	ssyncset.done $0x0  }
0x345: {  	s22 =	rddreg [dreg:$0x1b];
	[sflag:s13] =	ssyncadd.s32 $0xFFFFB800  }
0x346: {  	[hbm4b:s22+s2] =	stream.linear.scatter [tilespmem:s9], [sflag:$0x5], $0x4800, $0x38;
	[tilespmem:$0x13000] =	vst v63  }
0x347: {  	_ =	swait.ge [sflag:s3], $0x4800  }
0x348: {  	[sflag:s3] =	ssyncset.done $0x0  }
0x349: {  	[sflag:s3] =	ssyncadd.s32 $0xFFFFB800  }
0x34a: {  	[tilespmem:s9], [sflag:$0x1] =	stream.indirect.gather [hbm4b:s4+s10], $0x90, s18, s10, $0xb8;
	[tilespmem:$0x13000] =	vst v63  }
0x34b: {  	_ =	swait.ge [sflag:s12], $0x4800  }
0x34c: {  	[sflag:s12] =	ssyncset.done $0x0  }
0x34d: {  	s23 =	rddreg [dreg:$0x1c];
	[sflag:s12] =	ssyncadd.s32 $0xFFFFB800  }
0x34e: {  	[hbm4b:s23+s2] =	stream.linear.scatter [tilespmem:s7], [sflag:$0x5], $0x4800, $0x38;
	[tilespmem:$0x13000] =	vst v63  }
0x34f: {  	_ =	swait.ge [sflag:s3], $0x4800  }
0x350: {  	[sflag:s3] =	ssyncset.done $0x0  }
0x351: {  	[sflag:s3] =	ssyncadd.s32 $0xFFFFB800  }
0x352: {  	[tilespmem:s7], [sflag:$0x2] =	stream.indirect.gather [hbm4b:s4+s10], $0x90, s17, s10, $0xb8;
	[tilespmem:$0x13000] =	vst v63  }
0x353: {  	_ =	swait.ge [sflag:s11], $0x4800  }
0x354: {  	[sflag:s11] =	ssyncset.done $0x0  }
0x355: {  	s24 =	rddreg [dreg:$0x1d];
	[sflag:s11] =	ssyncadd.s32 $0xFFFFB800  }
0x356: {  	[hbm4b:s24+s2] =	stream.linear.scatter [tilespmem:s6], [sflag:$0x5], $0x4800, $0x38;
	[tilespmem:$0x13000] =	vst v63  }
0x357: {  	_ =	swait.ge [sflag:s3], $0x4800  }
0x358: {  	[sflag:s3] =	ssyncset.done $0x0  }
0x359: {  	[sflag:s3] =	ssyncadd.s32 $0xFFFFB800  }
0x35a: {  	[tilespmem:s6], [sflag:$0x3] =	stream.indirect.gather [hbm4b:s4+s10], $0x90, s16, s10, $0xb8;
	[tilespmem:$0x13000] =	vst v63  }
0x35b: {  	_ =	swait.ge [sflag:s8], $0x4800  }
0x35c: {  	[sflag:s8] =	ssyncset.done $0x0  }
0x35d: {  	s25 =	rddreg [dreg:$0x1e];
	[sflag:s8] =	ssyncadd.s32 $0xFFFFB800  }
0x35e: {  	[hbm4b:s25+s2] =	stream.linear.scatter [tilespmem:s5], [sflag:$0x5], $0x4800, $0x38;
	[tilespmem:$0x13000] =	vst v63  }
0x35f: {  	_ =	swait.ge [sflag:s3], $0x4800  }
0x360: {  	[sflag:s3] =	ssyncset.done $0x0  }
0x361: {  	s26 =	simm.s32 $0xF80;
	[sflag:s3] =	ssyncadd.s32 $0xFFFFB800  }
0x362: {  	[tilespmem:s5], [sflag:$0x4] =	stream.indirect.gather [hbm4b:s4+s10], $0x90, s26, s10, $0xb8;
	[tilespmem:$0x13000] =	vst v63  }
0x363: {  	_ =	swait.ge [sflag:s13], $0x4800  }
0x364: {  	[sflag:s13] =	ssyncset.done $0x0  }
0x365: {  	s28 =	rddreg [dreg:$0x1f];
	[sflag:s13] =	ssyncadd.s32 $0xFFFFB800  }
0x366: {  	[hbm4b:s28+s2] =	stream.linear.scatter [tilespmem:s9], [sflag:$0x5], $0x4800, $0x38;
	[tilespmem:$0x13000] =	vst v63  }
0x367: {  	_ =	swait.ge [sflag:s3], $0x4800  }
0x368: {  	[sflag:s3] =	ssyncset.done $0x0  }
0x369: {  	[sflag:s3] =	ssyncadd.s32 $0xFFFFB800  }
0x36a: {  	_ =	swait.ge [sflag:s12], $0x4800  }
0x36b: {  	s29 =	sld [smem:$0x7ED]  }
0x36c: {  	[sflag:s12] =	ssyncset.done $0x0  }
0x36d: {  	[sflag:s12] =	ssyncadd.s32 $0xFFFFB800  }
0x36e: {  	[hbm4b:s29+s2] =	stream.linear.scatter [tilespmem:s7], [sflag:$0x5], $0x4800, $0x38;
	[tilespmem:$0x13000] =	vst v63  }
0x36f: {  	_ =	swait.ge [sflag:s3], $0x4800  }
0x370: {  	[sflag:s3] =	ssyncset.done $0x0  }
0x371: {  	[sflag:s3] =	ssyncadd.s32 $0xFFFFB800  }
0x372: {  	_ =	swait.ge [sflag:s11], $0x4800  }
0x373: {  	s30 =	sld [smem:$0x7EE]  }
0x374: {  	[sflag:s11] =	ssyncset.done $0x0  }
0x375: {  	[sflag:s11] =	ssyncadd.s32 $0xFFFFB800  }
0x376: {  	[hbm4b:s30+s2] =	stream.linear.scatter [tilespmem:s6], [sflag:$0x5], $0x4800, $0x38;
	[tilespmem:$0x13000] =	vst v63  }
0x377: {  	_ =	swait.ge [sflag:s3], $0x4800  }
0x378: {  	[sflag:s3] =	ssyncset.done $0x0  }
0x379: {  	[sflag:s3] =	ssyncadd.s32 $0xFFFFB800  }
0x37a: {  	_ =	swait.ge [sflag:s8], $0x4800  }
0x37b: {  	s31 =	sld [smem:$0x7EF]  }
0x37c: {  	[sflag:s8] =	ssyncset.done $0x0  }
0x37d: {  	[sflag:s8] =	ssyncadd.s32 $0xFFFFB800  }
0x37e: {  	[hbm4b:s31+s2] =	stream.linear.scatter [tilespmem:s5], [sflag:$0x5], $0x4800, $0x38;
	[tilespmem:$0x13000] =	vst v63  }
0x37f: {  	_ =	swait.ge [sflag:s3], $0x4800  }
0x380: {  	[sflag:s3] =	ssyncset.done $0x0  }
0x381: {  	[sflag:s3] =	ssyncadd.s32 $0xFFFFB800  }
0x382: {  	_ =	sfence.sel $0x180000  }
0x383: {  	[bflag:$0x0] =	sbarrier.arrive $0xFFFF  }
0x384: {  	_ =	strace $0x90000047  }
0x385: {  	[bflag:$0x2] =	sbarrier.arrive $0xFFFF  }
0x386: {  	p0 =	sne.s32 s14, $0x0;
	s0 =	rddreg [dreg:$0x2]  }
0x387: {  	s0 =	sadd.s32 @!p0 $0x100000, s0  }
0x388: {  	[sflag:s0] =	ssyncadd.tile.s32 @!p0 $0x1;
	_ =	shalt  }
.LBB2_1:
0x389: {  	s15 =	simm.s32 $0x800  }
.Ltmp3:
0x38a: {  	s30 =	simm.s32 $0x880;
	s29 =	simm.s32 $0x900;
	(pc) =	sbr.rel .LBB2_6-.Ltmp3, $4  }
0x38b: {  	s28 =	simm.s32 $0x980;
	s26 =	simm.s32 $0xA00;
	s25 =	simm.s32 $0xA80  }
0x38c: {  	s24 =	simm.s32 $0xB00;
	s23 =	simm.s32 $0xB80;
	s22 =	simm.s32 $0xC00  }
0x38d: {  	s21 =	simm.s32 $0xC80;
	s20 =	simm.s32 $0xD00;
	s19 =	simm.s32 $0xD80  }
0x38e: {  	s18 =	simm.s32 $0xE00;
	s17 =	simm.s32 $0xE80;
	s16 =	simm.s32 $0xF00  }
.LBB2_3:
0x38f: {  	s15 =	simm.s32 $0x800;
	s30 =	simm.s32 $0x880  }
.Ltmp4:
0x390: {  	s29 =	simm.s32 $0x900;
	s28 =	simm.s32 $0x980;
	(pc) =	sbr.rel .LBB2_6-.Ltmp4, $4  }
0x391: {  	s26 =	simm.s32 $0xA00;
	s25 =	simm.s32 $0xA80;
	s24 =	simm.s32 $0xB00  }
0x392: {  	s23 =	simm.s32 $0xB80;
	s22 =	simm.s32 $0xC00;
	s21 =	simm.s32 $0xC80  }
0x393: {  	s20 =	simm.s32 $0xD00;
	s19 =	simm.s32 $0xD80;
	s18 =	simm.s32 $0xE00  }
0x394: {  	s17 =	simm.s32 $0xE80;
	s16 =	simm.s32 $0xF00;
	s14 =	stileid.u32  }
.Lfunc_end2:
_tile_overlayer_lowered:
.L_overlay_start_2:
0x395: {  	(tag) =	ssettag $0x2  }
0x396: {  	s0 =	rddreg [dreg:$0x0];
	s2 =	stileid.u32  }
0x397: {  	s1 =	rddreg [dreg:$0x1];
	p0 =	sne.s32 s2, $0x0  }
0x398: {  	s3 =	rddreg [dreg:$0x2];
	[bflag:$0x3] =	sbarrier.arrive $0xFFFF;
	s2 =	simm.s32 @!p0 $0x1C05  }
0x399: {  	[timem:s3], [sflag:s2] =	dma.local @!p0 [hbm:s0], s1  }
0x39a: {  	s0 =	simm.s32 @!p0 $0x5  }
0x39b: {  	_ =	swait.ge @!p0 [sflag:s0], s1  }
0x39c: {  	s1 =	ssub.s32 @!p0 $0x0, s1;
	[sflag:s0] =	ssyncset.done @!p0 $0x0  }
0x39d: {  	[sflag:s0] =	ssyncadd.s32 @!p0 s1  }
0x39e: {  	[bflag:$0x3] =	sbarrier.arrive $0xFFFF  }
0x39f: {  	_ =	shalt  }

</sc_bundles>
